<compile_context>
chip_gen: v7x
topology: tpu7x:2x2x1
jax: 0.10.2.dev20260603
libtpu: 0.0.44.dev20260713+nightly
codegen_flags: <defaults>
</compile_context>

<pallas_src>
import functools

import jax
import jax.numpy as jnp
from jax import lax
from jax.experimental import pallas as pl
from jax.experimental.pallas import tpu as pltpu
from jax.experimental.pallas import tpu_sc as plsc

N_NODES = 10000
N_EDGES = 320000
D = 128

NC = 2
NS = 16
NW = NC * NS
EPW = N_EDGES // NW
C = 80
NCHUNK = EPW // C
NP = 10240
RPT = NP // NS
LANES = 16

_mesh = plsc.VectorSubcoreMesh(core_axis_name="c", subcore_axis_name="s")


@functools.partial(
    pl.kernel,
    out_type=jax.ShapeDtypeStruct((NC * NP,), jnp.float32),
    mesh=_mesh,
    scratch_types=[
        pltpu.VMEM((C,), jnp.int32),
        pltpu.VMEM((C,), jnp.float32),
        pltpu.VMEM((RPT,), jnp.float32),
        pltpu.VMEM_SHARED((NP,), jnp.float32),
    ],
)
def _sc_degree(dst_hbm, ew_hbm, out_hbm, dstv, ewv, zbuf, degsh):
    c = lax.axis_index("c")
    s = lax.axis_index("s")
    wid = s * NC + c

    zeros16 = jnp.zeros((LANES,), jnp.float32)
    def zero_body(i, _):
        zbuf[pl.ds(i * LANES, LANES)] = zeros16
        return _
    lax.fori_loop(0, RPT // LANES, zero_body, None)
    pltpu.sync_copy(zbuf, degsh.at[pl.ds(s * RPT, RPT)])
    plsc.subcore_barrier()

    base = wid * EPW

    def chunk_body(i, _):
        off = base + i * C
        pltpu.sync_copy(dst_hbm.at[pl.ds(off, C)], dstv)
        pltpu.sync_copy(ew_hbm.at[pl.ds(off, C)], ewv)
        for j in range(C // LANES):
            sl = pl.ds(j * LANES, LANES)
            ewv[sl] = (ewv[sl] + 1.0) * 0.5
        pltpu.sync_copy(ewv, degsh.at[dstv], add=True)
        return _

    lax.fori_loop(0, NCHUNK, chunk_body, None)
    plsc.subcore_barrier()
    pltpu.sync_copy(degsh.at[pl.ds(s * RPT, RPT)],
                    out_hbm.at[pl.ds(c * NP + s * RPT, RPT)])


@functools.partial(
    pl.kernel,
    out_type=jax.ShapeDtypeStruct((NC * NP, D), jnp.float32),
    mesh=_mesh,
    scratch_types=[
        pltpu.VMEM((C,), jnp.int32),
        pltpu.VMEM((C,), jnp.int32),
        pltpu.VMEM((C,), jnp.float32),
        pltpu.VMEM((C, D), jnp.float32),
        pltpu.VMEM_SHARED((NP, D), jnp.float32),
        pltpu.SemaphoreType.DMA,
    ],
)
def _sc_aggregate(y_hbm, src_hbm, dst_hbm, ew_hbm, out_hbm,
                  srcv, dstv, ewv, rows, accsh, sem):
    c = lax.axis_index("c")
    s = lax.axis_index("s")
    wid = s * NC + c

    zeros16 = jnp.zeros((LANES,), jnp.float32)
    def zrow(e, _):
        for j in range(D // LANES):
            rows[e, pl.ds(j * LANES, LANES)] = zeros16
        return _
    lax.fori_loop(0, C, zrow, None)
    for k in range(RPT // C):
        pltpu.sync_copy(rows, accsh.at[pl.ds(s * RPT + k * C, C)])
    plsc.subcore_barrier()

    base = wid * EPW

    def chunk_body(i, _):
        off = base + i * C
        pltpu.sync_copy(src_hbm.at[pl.ds(off, C)], srcv)
        pltpu.sync_copy(dst_hbm.at[pl.ds(off, C)], dstv)
        pltpu.sync_copy(ew_hbm.at[pl.ds(off, C)], ewv)
        pltpu.async_copy(y_hbm.at[srcv], rows, sem).wait()

        def group_body(g, _):
            wv = (ewv[pl.ds(g * LANES, LANES)] + 1.0) * 0.5
            e0 = g * LANES
            for l in range(LANES):
                w = wv[l]
                for j in range(D // LANES):
                    sl = pl.ds(j * LANES, LANES)
                    rows[e0 + l, sl] = rows[e0 + l, sl] * w
            return _
        lax.fori_loop(0, C // LANES, group_body, None)

        pltpu.sync_copy(rows, accsh.at[dstv], add=True)
        return _

    lax.fori_loop(0, NCHUNK, chunk_body, None)
    plsc.subcore_barrier()
    pltpu.sync_copy(accsh.at[pl.ds(s * RPT, RPT)],
                    out_hbm.at[pl.ds(c * NP + s * RPT, RPT)])


_NB = 10
_BN = N_NODES // _NB


def _tc_linear_body(x_ref, w_ref, degp_ref, y_ref):
    xw = jnp.dot(x_ref[...], w_ref[...], preferred_element_type=jnp.float32)
    deg = 1.0 + degp_ref[:, 0] + degp_ref[:, 1]
    dinv = lax.rsqrt(deg)
    y_ref[...] = xw * dinv[:, None]


def _tc_post_body(a0_ref, a1_ref, y_ref, degp_ref, b_ref, g_ref, be_ref, o_ref):
    deg = 1.0 + degp_ref[:, 0] + degp_ref[:, 1]
    dinv = lax.rsqrt(deg)[:, None]
    t = dinv * (a0_ref[...] + a1_ref[...] + y_ref[...]) + b_ref[...]
    t = jnp.where(t >= 0, t, 0.01 * t)
    mu = jnp.mean(t, axis=-1, keepdims=True)
    var = jnp.mean((t - mu) ** 2, axis=-1, keepdims=True)
    o_ref[...] = (t - mu) * lax.rsqrt(var + 1e-5) * g_ref[...] + be_ref[...]


def kernel(x, edge_index, edge_weight, W, b, gamma, beta):
    src = edge_index[0].astype(jnp.int32)
    dst = edge_index[1].astype(jnp.int32)
    ew = edge_weight.astype(jnp.float32)

    degp = _sc_degree(dst, ew)
    degp2 = jnp.reshape(degp, (NC, NP))[:, :N_NODES].T

    row_spec = pl.BlockSpec((_BN, D), lambda i: (i, 0))
    deg_spec = pl.BlockSpec((_BN, NC), lambda i: (i, 0))
    vec_spec = pl.BlockSpec((1, D), lambda i: (0, 0))

    y = pl.pallas_call(
        _tc_linear_body,
        grid=(_NB,),
        in_specs=[row_spec, pl.BlockSpec((D, D), lambda i: (0, 0)), deg_spec],
        out_specs=row_spec,
        out_shape=jax.ShapeDtypeStruct((N_NODES, D), jnp.float32),
    )(x, W, degp2)

    acc = _sc_aggregate(y, src, dst, ew)
    acc0 = lax.slice(acc, (0, 0), (N_NODES, D))
    acc1 = lax.slice(acc, (NP, 0), (NP + N_NODES, D))

    out = pl.pallas_call(
        _tc_post_body,
        grid=(_NB,),
        in_specs=[row_spec, row_spec, row_spec, deg_spec,
                  vec_spec, vec_spec, vec_spec],
        out_specs=row_spec,
        out_shape=jax.ShapeDtypeStruct((N_NODES, D), jnp.float32),
    )(acc0, acc1, y, degp2,
      b.reshape(1, D), gamma.reshape(1, D), beta.reshape(1, D))
    return out

# --- scband reference (transcript-rebuilt; emitter-appended) ---
"""Pipeline reference for scband-gcnblock-16904991277611 (READ-ONLY COPY).

The authoritative reference and input builder live on the scoring server;
editing this copy changes nothing except your own understanding.
"""

import jax, jax.numpy as jnp
import numpy as np

N_NODES = 10000
N_EDGES = 320000
D_IN = 128
D_OUT = 128


def setup_inputs(seed: int = 0) -> dict:
    key = jax.random.key(seed)
    k1, k2, k3, k4, k5 = jax.random.split(key, 5)
    x = jax.random.normal(k1, (N_NODES, D_IN), dtype=jnp.float32)
    edge_index = jax.random.randint(k2, (2, N_EDGES), 0, N_NODES, dtype=jnp.int64)
    edge_weight = jax.random.uniform(k3, (N_EDGES,), dtype=jnp.float32)
    # GCNConv linear weight (glorot) and bias
    lim = float(np.sqrt(6.0 / (D_IN + D_OUT)))
    W = jax.random.uniform(k4, (D_IN, D_OUT), dtype=jnp.float32, minval=-lim, maxval=lim)
    b = jnp.zeros((D_OUT,), dtype=jnp.float32)
    # LayerNorm affine params
    gamma = jnp.ones((D_OUT,), dtype=jnp.float32)
    beta = jnp.zeros((D_OUT,), dtype=jnp.float32)
    return {"x": x, "edge_index": edge_index, "edge_weight": edge_weight,
            "W": W, "b": b, "gamma": gamma, "beta": beta}


def reference(x, edge_index, edge_weight, W, b, gamma, beta):
    N = x.shape[0]
    # edge_weight remap as in the module
    ew = (edge_weight + 1.0) / 2.0
    src = edge_index[0]
    dst = edge_index[1]
    # add self loops (fill_value = 1.0), PyG GCNConv default
    loop = jnp.arange(N, dtype=src.dtype)
    src2 = jnp.concatenate([src, loop])
    dst2 = jnp.concatenate([dst, loop])
    ew2 = jnp.concatenate([ew, jnp.ones((N,), dtype=ew.dtype)])
    # symmetric gcn normalization: deg computed over dst (col)
    deg = jax.ops.segment_sum(ew2, dst2, num_segments=N)
    dinv = jnp.where(deg > 0, 1.0 / jnp.sqrt(deg), 0.0)
    norm = dinv[src2] * ew2 * dinv[dst2]
    # linear transform then weighted scatter-add aggregation
    xw = x @ W
    msgs = norm[:, None] * xw[src2]
    out = jax.ops.segment_sum(msgs, dst2, num_segments=N)
    out = out + b
    # LeakyReLU (default negative_slope = 0.01)
    out = jnp.where(out >= 0, out, 0.01 * out)
    # LayerNorm over last dim (eps = 1e-5)
    mu = jnp.mean(out, axis=-1, keepdims=True)
    var = jnp.mean((out - mu) ** 2, axis=-1, keepdims=True)
    out = (out - mu) / jnp.sqrt(var + 1e-5)
    out = out * gamma + beta
    # dropout is identity in eval mode
    return out

if __name__ == "__main__":
    import jax
    _d = setup_inputs()
    print(jax.jit(kernel)(*tuple(_d.values())))

</pallas_src>

<mosaic_0001>
#map = affine_map<(d0, d1) -> (0, 0)>
#map1 = affine_map<(d0, d1) -> (0)>
module attributes {stable_mosaic.version = 14 : i64} {
  func.func @_sc_aggregate(%arg0: i32, %arg1: i32, %arg2: memref<10000x128xf32, #tpu.memory_space<hbm>>, %arg3: memref<320000xi32, #tpu.memory_space<hbm>>, %arg4: memref<320000xi32, #tpu.memory_space<hbm>>, %arg5: memref<320000xf32, #tpu.memory_space<hbm>>, %arg6: memref<20480x128xf32, #tpu.memory_space<hbm>>, %arg7: memref<80xi32, #tpu.memory_space<vmem>>, %arg8: memref<80xi32, #tpu.memory_space<vmem>>, %arg9: memref<80xf32, #tpu.memory_space<vmem>>, %arg10: memref<80x128xf32, #tpu.memory_space<vmem>>, %arg11: memref<10240x128xf32, #tpu.memory_space<vmem_shared>>, %arg12: memref<!tpu.dma_semaphore, #tpu.memory_space<semaphore_mem>>) attributes {dimension_semantics = [#tpu.dimension_semantics<core_parallel>, #tpu.dimension_semantics<subcore_parallel>], iteration_bounds = array<i64: 2, 16>, scalar_prefetch = 0 : i64, scratch_operands = 6 : i64, tpu.core_type = #tpu.core_type<sc_vector_subcore>, window_params = [{transform_indices = #map}, {transform_indices = #map1}, {transform_indices = #map1}, {transform_indices = #map1}, {transform_indices = #map}]} {
    %mul3A = arith.constant 2 : i32
    %mul3A_0 = arith.muli %arg1, %mul3A : i32
    %add3A = arith.addi %mul3A_0, %arg0 : i32
    %broadcast_in_dim3A = arith.constant 0.000000e+00 : f32
    %broadcast_in_dim3A_1 = vector.broadcast %broadcast_in_dim3A : f32 to vector<16xf32>
    %scan3A = arith.constant 0 : i32
    %scan3A_2 = arith.constant 80 : i32
    %scan3A_3 = arith.addi %scan3A, %scan3A_2 : i32
    %scan3A_4 = arith.constant 1 : i32
    scf.for %scan3A_53 = %scan3A to %scan3A_3 step %scan3A_4  : i32 {
      %swap3A = arith.index_cast %scan3A_53 : i32 to index
      %swap3A_54 = arith.constant 0 : index
      %swap3A_55 = tpu.vector_load %arg10[%swap3A, %swap3A_54] {strides = array<i32>} : memref<80x128xf32, #tpu.memory_space<vmem>>, vector<1x16xf32>,
      %swap3A_56 = vector.shape_cast %swap3A_55 : vector<1x16xf32> to vector<16xf32>
      %swap3A_57 = vector.shape_cast %broadcast_in_dim3A_1 : vector<16xf32> to vector<1x16xf32>
      tpu.vector_store %arg10[%swap3A, %swap3A_54], %swap3A_57 {strides = array<i32>} : memref<80x128xf32, #tpu.memory_space<vmem>>, vector<1x16xf32>,
      %swap3A_58 = arith.index_cast %scan3A_53 : i32 to index
      %swap3A_59 = arith.constant 16 : index
      %swap3A_60 = tpu.vector_load %arg10[%swap3A_58, %swap3A_59] {strides = array<i32>} : memref<80x128xf32, #tpu.memory_space<vmem>>, vector<1x16xf32>,
      %swap3A_61 = vector.shape_cast %swap3A_60 : vector<1x16xf32> to vector<16xf32>
      %swap3A_62 = vector.shape_cast %broadcast_in_dim3A_1 : vector<16xf32> to vector<1x16xf32>
      tpu.vector_store %arg10[%swap3A_58, %swap3A_59], %swap3A_62 {strides = array<i32>} : memref<80x128xf32, #tpu.memory_space<vmem>>, vector<1x16xf32>,
      %swap3A_63 = arith.index_cast %scan3A_53 : i32 to index
      %swap3A_64 = arith.constant 32 : index
      %swap3A_65 = tpu.vector_load %arg10[%swap3A_63, %swap3A_64] {strides = array<i32>} : memref<80x128xf32, #tpu.memory_space<vmem>>, vector<1x16xf32>,
      %swap3A_66 = vector.shape_cast %swap3A_65 : vector<1x16xf32> to vector<16xf32>
      %swap3A_67 = vector.shape_cast %broadcast_in_dim3A_1 : vector<16xf32> to vector<1x16xf32>
      tpu.vector_store %arg10[%swap3A_63, %swap3A_64], %swap3A_67 {strides = array<i32>} : memref<80x128xf32, #tpu.memory_space<vmem>>, vector<1x16xf32>,
      %swap3A_68 = arith.index_cast %scan3A_53 : i32 to index
      %swap3A_69 = arith.constant 48 : index
      %swap3A_70 = tpu.vector_load %arg10[%swap3A_68, %swap3A_69] {strides = array<i32>} : memref<80x128xf32, #tpu.memory_space<vmem>>, vector<1x16xf32>,
      %swap3A_71 = vector.shape_cast %swap3A_70 : vector<1x16xf32> to vector<16xf32>
      %swap3A_72 = vector.shape_cast %broadcast_in_dim3A_1 : vector<16xf32> to vector<1x16xf32>
      tpu.vector_store %arg10[%swap3A_68, %swap3A_69], %swap3A_72 {strides = array<i32>} : memref<80x128xf32, #tpu.memory_space<vmem>>, vector<1x16xf32>,
      %swap3A_73 = arith.index_cast %scan3A_53 : i32 to index
      %swap3A_74 = arith.constant 64 : index
      %swap3A_75 = tpu.vector_load %arg10[%swap3A_73, %swap3A_74] {strides = array<i32>} : memref<80x128xf32, #tpu.memory_space<vmem>>, vector<1x16xf32>,
      %swap3A_76 = vector.shape_cast %swap3A_75 : vector<1x16xf32> to vector<16xf32>
      %swap3A_77 = vector.shape_cast %broadcast_in_dim3A_1 : vector<16xf32> to vector<1x16xf32>
      tpu.vector_store %arg10[%swap3A_73, %swap3A_74], %swap3A_77 {strides = array<i32>} : memref<80x128xf32, #tpu.memory_space<vmem>>, vector<1x16xf32>,
      %swap3A_78 = arith.index_cast %scan3A_53 : i32 to index
      %swap3A_79 = arith.constant 80 : index
      %swap3A_80 = tpu.vector_load %arg10[%swap3A_78, %swap3A_79] {strides = array<i32>} : memref<80x128xf32, #tpu.memory_space<vmem>>, vector<1x16xf32>,
      %swap3A_81 = vector.shape_cast %swap3A_80 : vector<1x16xf32> to vector<16xf32>
      %swap3A_82 = vector.shape_cast %broadcast_in_dim3A_1 : vector<16xf32> to vector<1x16xf32>
      tpu.vector_store %arg10[%swap3A_78, %swap3A_79], %swap3A_82 {strides = array<i32>} : memref<80x128xf32, #tpu.memory_space<vmem>>, vector<1x16xf32>,
      %swap3A_83 = arith.index_cast %scan3A_53 : i32 to index
      %swap3A_84 = arith.constant 96 : index
      %swap3A_85 = tpu.vector_load %arg10[%swap3A_83, %swap3A_84] {strides = array<i32>} : memref<80x128xf32, #tpu.memory_space<vmem>>, vector<1x16xf32>,
      %swap3A_86 = vector.shape_cast %swap3A_85 : vector<1x16xf32> to vector<16xf32>
      %swap3A_87 = vector.shape_cast %broadcast_in_dim3A_1 : vector<16xf32> to vector<1x16xf32>
      tpu.vector_store %arg10[%swap3A_83, %swap3A_84], %swap3A_87 {strides = array<i32>} : memref<80x128xf32, #tpu.memory_space<vmem>>, vector<1x16xf32>,
      %swap3A_88 = arith.index_cast %scan3A_53 : i32 to index
      %swap3A_89 = arith.constant 112 : index
      %swap3A_90 = tpu.vector_load %arg10[%swap3A_88, %swap3A_89] {strides = array<i32>} : memref<80x128xf32, #tpu.memory_space<vmem>>, vector<1x16xf32>,
      %swap3A_91 = vector.shape_cast %swap3A_90 : vector<1x16xf32> to vector<16xf32>
      %swap3A_92 = vector.shape_cast %broadcast_in_dim3A_1 : vector<16xf32> to vector<1x16xf32>
      tpu.vector_store %arg10[%swap3A_88, %swap3A_89], %swap3A_92 {strides = array<i32>} : memref<80x128xf32, #tpu.memory_space<vmem>>, vector<1x16xf32>,
    }
    %scan3A_5 = arith.constant 80 : i32
    %mul3A_6 = arith.constant 640 : i32
    %mul3A_7 = arith.muli %arg1, %mul3A_6 : i32
    %add3A_8 = arith.constant 0 : i32
    %add3A_9 = arith.addi %mul3A_7, %add3A_8 : i32
    "tpu.region"() ({
      %run_scoped3A = tpu.sem_alloc : memref<!tpu.dma_semaphore, #tpu.memory_space<semaphore_mem>>
      %dma_start3A = arith.constant 0 : i32
      %dma_start3A_53 = tpu.memref_slice %arg11[%add3A_9, %dma_start3A] : memref<10240x128xf32, #tpu.memory_space<vmem_shared>> -> memref<80x128xf32, #tpu.memory_space<vmem_shared>>
      %dma_start3A_54 = arith.constant 0 : i32
      %dma_start3A_55 = tpu.memref_slice %arg11[%add3A_9, %dma_start3A_54] : memref<10240x128xf32, #tpu.memory_space<vmem_shared>> -> memref<80x128xf32, #tpu.memory_space<vmem_shared>>
      tpu.enqueue_dma source(%arg10 : memref<80x128xf32, #tpu.memory_space<vmem>>) target(%dma_start3A_55 : memref<80x128xf32, #tpu.memory_space<vmem_shared>>) target_semaphore(%run_scoped3A : memref<!tpu.dma_semaphore, #tpu.memory_space<semaphore_mem>>)
      %dma_wait3A = arith.constant 0 : i32
      %dma_wait3A_56 = tpu.memref_slice %arg11[%add3A_9, %dma_wait3A] : memref<10240x128xf32, #tpu.memory_space<vmem_shared>> -> memref<80x128xf32, #tpu.memory_space<vmem_shared>>
      %dma_wait3A_57 = arith.constant 0 : i32
      %dma_wait3A_58 = tpu.memref_slice %arg11[%add3A_9, %dma_wait3A_57] : memref<10240x128xf32, #tpu.memory_space<vmem_shared>> -> memref<80x128xf32, #tpu.memory_space<vmem_shared>>
      tpu.wait_dma2 semaphore(%run_scoped3A : memref<!tpu.dma_semaphore, #tpu.memory_space<semaphore_mem>>) src(%arg10 : memref<80x128xf32, #tpu.memory_space<vmem>>) dst(%dma_wait3A_58 : memref<80x128xf32, #tpu.memory_space<vmem_shared>>)
      tpu.yield
    }) : () -> ()
    %mul3A_10 = arith.constant 640 : i32
    %mul3A_11 = arith.muli %arg1, %mul3A_10 : i32
    %add3A_12 = arith.constant 80 : i32
    %add3A_13 = arith.addi %mul3A_11, %add3A_12 : i32
    "tpu.region"() ({
      %run_scoped3A = tpu.sem_alloc : memref<!tpu.dma_semaphore, #tpu.memory_space<semaphore_mem>>
      %dma_start3A = arith.constant 0 : i32
      %dma_start3A_53 = tpu.memref_slice %arg11[%add3A_13, %dma_start3A] : memref<10240x128xf32, #tpu.memory_space<vmem_shared>> -> memref<80x128xf32, #tpu.memory_space<vmem_shared>>
      %dma_start3A_54 = arith.constant 0 : i32
      %dma_start3A_55 = tpu.memref_slice %arg11[%add3A_13, %dma_start3A_54] : memref<10240x128xf32, #tpu.memory_space<vmem_shared>> -> memref<80x128xf32, #tpu.memory_space<vmem_shared>>
      tpu.enqueue_dma source(%arg10 : memref<80x128xf32, #tpu.memory_space<vmem>>) target(%dma_start3A_55 : memref<80x128xf32, #tpu.memory_space<vmem_shared>>) target_semaphore(%run_scoped3A : memref<!tpu.dma_semaphore, #tpu.memory_space<semaphore_mem>>)
      %dma_wait3A = arith.constant 0 : i32
      %dma_wait3A_56 = tpu.memref_slice %arg11[%add3A_13, %dma_wait3A] : memref<10240x128xf32, #tpu.memory_space<vmem_shared>> -> memref<80x128xf32, #tpu.memory_space<vmem_shared>>
      %dma_wait3A_57 = arith.constant 0 : i32
      %dma_wait3A_58 = tpu.memref_slice %arg11[%add3A_13, %dma_wait3A_57] : memref<10240x128xf32, #tpu.memory_space<vmem_shared>> -> memref<80x128xf32, #tpu.memory_space<vmem_shared>>
      tpu.wait_dma2 semaphore(%run_scoped3A : memref<!tpu.dma_semaphore, #tpu.memory_space<semaphore_mem>>) src(%arg10 : memref<80x128xf32, #tpu.memory_space<vmem>>) dst(%dma_wait3A_58 : memref<80x128xf32, #tpu.memory_space<vmem_shared>>)
      tpu.yield
    }) : () -> ()
    %mul3A_14 = arith.constant 640 : i32
    %mul3A_15 = arith.muli %arg1, %mul3A_14 : i32
    %add3A_16 = arith.constant 160 : i32
    %add3A_17 = arith.addi %mul3A_15, %add3A_16 : i32
    "tpu.region"() ({
      %run_scoped3A = tpu.sem_alloc : memref<!tpu.dma_semaphore, #tpu.memory_space<semaphore_mem>>
      %dma_start3A = arith.constant 0 : i32
      %dma_start3A_53 = tpu.memref_slice %arg11[%add3A_17, %dma_start3A] : memref<10240x128xf32, #tpu.memory_space<vmem_shared>> -> memref<80x128xf32, #tpu.memory_space<vmem_shared>>
      %dma_start3A_54 = arith.constant 0 : i32
      %dma_start3A_55 = tpu.memref_slice %arg11[%add3A_17, %dma_start3A_54] : memref<10240x128xf32, #tpu.memory_space<vmem_shared>> -> memref<80x128xf32, #tpu.memory_space<vmem_shared>>
      tpu.enqueue_dma source(%arg10 : memref<80x128xf32, #tpu.memory_space<vmem>>) target(%dma_start3A_55 : memref<80x128xf32, #tpu.memory_space<vmem_shared>>) target_semaphore(%run_scoped3A : memref<!tpu.dma_semaphore, #tpu.memory_space<semaphore_mem>>)
      %dma_wait3A = arith.constant 0 : i32
      %dma_wait3A_56 = tpu.memref_slice %arg11[%add3A_17, %dma_wait3A] : memref<10240x128xf32, #tpu.memory_space<vmem_shared>> -> memref<80x128xf32, #tpu.memory_space<vmem_shared>>
      %dma_wait3A_57 = arith.constant 0 : i32
      %dma_wait3A_58 = tpu.memref_slice %arg11[%add3A_17, %dma_wait3A_57] : memref<10240x128xf32, #tpu.memory_space<vmem_shared>> -> memref<80x128xf32, #tpu.memory_space<vmem_shared>>
      tpu.wait_dma2 semaphore(%run_scoped3A : memref<!tpu.dma_semaphore, #tpu.memory_space<semaphore_mem>>) src(%arg10 : memref<80x128xf32, #tpu.memory_space<vmem>>) dst(%dma_wait3A_58 : memref<80x128xf32, #tpu.memory_space<vmem_shared>>)
      tpu.yield
    }) : () -> ()
    %mul3A_18 = arith.constant 640 : i32
    %mul3A_19 = arith.muli %arg1, %mul3A_18 : i32
    %add3A_20 = arith.constant 240 : i32
    %add3A_21 = arith.addi %mul3A_19, %add3A_20 : i32
    "tpu.region"() ({
      %run_scoped3A = tpu.sem_alloc : memref<!tpu.dma_semaphore, #tpu.memory_space<semaphore_mem>>
      %dma_start3A = arith.constant 0 : i32
      %dma_start3A_53 = tpu.memref_slice %arg11[%add3A_21, %dma_start3A] : memref<10240x128xf32, #tpu.memory_space<vmem_shared>> -> memref<80x128xf32, #tpu.memory_space<vmem_shared>>
      %dma_start3A_54 = arith.constant 0 : i32
      %dma_start3A_55 = tpu.memref_slice %arg11[%add3A_21, %dma_start3A_54] : memref<10240x128xf32, #tpu.memory_space<vmem_shared>> -> memref<80x128xf32, #tpu.memory_space<vmem_shared>>
      tpu.enqueue_dma source(%arg10 : memref<80x128xf32, #tpu.memory_space<vmem>>) target(%dma_start3A_55 : memref<80x128xf32, #tpu.memory_space<vmem_shared>>) target_semaphore(%run_scoped3A : memref<!tpu.dma_semaphore, #tpu.memory_space<semaphore_mem>>)
      %dma_wait3A = arith.constant 0 : i32
      %dma_wait3A_56 = tpu.memref_slice %arg11[%add3A_21, %dma_wait3A] : memref<10240x128xf32, #tpu.memory_space<vmem_shared>> -> memref<80x128xf32, #tpu.memory_space<vmem_shared>>
      %dma_wait3A_57 = arith.constant 0 : i32
      %dma_wait3A_58 = tpu.memref_slice %arg11[%add3A_21, %dma_wait3A_57] : memref<10240x128xf32, #tpu.memory_space<vmem_shared>> -> memref<80x128xf32, #tpu.memory_space<vmem_shared>>
      tpu.wait_dma2 semaphore(%run_scoped3A : memref<!tpu.dma_semaphore, #tpu.memory_space<semaphore_mem>>) src(%arg10 : memref<80x128xf32, #tpu.memory_space<vmem>>) dst(%dma_wait3A_58 : memref<80x128xf32, #tpu.memory_space<vmem_shared>>)
      tpu.yield
    }) : () -> ()
    %mul3A_22 = arith.constant 640 : i32
    %mul3A_23 = arith.muli %arg1, %mul3A_22 : i32
    %add3A_24 = arith.constant 320 : i32
    %add3A_25 = arith.addi %mul3A_23, %add3A_24 : i32
    "tpu.region"() ({
      %run_scoped3A = tpu.sem_alloc : memref<!tpu.dma_semaphore, #tpu.memory_space<semaphore_mem>>
      %dma_start3A = arith.constant 0 : i32
      %dma_start3A_53 = tpu.memref_slice %arg11[%add3A_25, %dma_start3A] : memref<10240x128xf32, #tpu.memory_space<vmem_shared>> -> memref<80x128xf32, #tpu.memory_space<vmem_shared>>
      %dma_start3A_54 = arith.constant 0 : i32
      %dma_start3A_55 = tpu.memref_slice %arg11[%add3A_25, %dma_start3A_54] : memref<10240x128xf32, #tpu.memory_space<vmem_shared>> -> memref<80x128xf32, #tpu.memory_space<vmem_shared>>
      tpu.enqueue_dma source(%arg10 : memref<80x128xf32, #tpu.memory_space<vmem>>) target(%dma_start3A_55 : memref<80x128xf32, #tpu.memory_space<vmem_shared>>) target_semaphore(%run_scoped3A : memref<!tpu.dma_semaphore, #tpu.memory_space<semaphore_mem>>)
      %dma_wait3A = arith.constant 0 : i32
      %dma_wait3A_56 = tpu.memref_slice %arg11[%add3A_25, %dma_wait3A] : memref<10240x128xf32, #tpu.memory_space<vmem_shared>> -> memref<80x128xf32, #tpu.memory_space<vmem_shared>>
      %dma_wait3A_57 = arith.constant 0 : i32
      %dma_wait3A_58 = tpu.memref_slice %arg11[%add3A_25, %dma_wait3A_57] : memref<10240x128xf32, #tpu.memory_space<vmem_shared>> -> memref<80x128xf32, #tpu.memory_space<vmem_shared>>
      tpu.wait_dma2 semaphore(%run_scoped3A : memref<!tpu.dma_semaphore, #tpu.memory_space<semaphore_mem>>) src(%arg10 : memref<80x128xf32, #tpu.memory_space<vmem>>) dst(%dma_wait3A_58 : memref<80x128xf32, #tpu.memory_space<vmem_shared>>)
      tpu.yield
    }) : () -> ()
    %mul3A_26 = arith.constant 640 : i32
    %mul3A_27 = arith.muli %arg1, %mul3A_26 : i32
    %add3A_28 = arith.constant 400 : i32
    %add3A_29 = arith.addi %mul3A_27, %add3A_28 : i32
    "tpu.region"() ({
      %run_scoped3A = tpu.sem_alloc : memref<!tpu.dma_semaphore, #tpu.memory_space<semaphore_mem>>
      %dma_start3A = arith.constant 0 : i32
      %dma_start3A_53 = tpu.memref_slice %arg11[%add3A_29, %dma_start3A] : memref<10240x128xf32, #tpu.memory_space<vmem_shared>> -> memref<80x128xf32, #tpu.memory_space<vmem_shared>>
      %dma_start3A_54 = arith.constant 0 : i32
      %dma_start3A_55 = tpu.memref_slice %arg11[%add3A_29, %dma_start3A_54] : memref<10240x128xf32, #tpu.memory_space<vmem_shared>> -> memref<80x128xf32, #tpu.memory_space<vmem_shared>>
      tpu.enqueue_dma source(%arg10 : memref<80x128xf32, #tpu.memory_space<vmem>>) target(%dma_start3A_55 : memref<80x128xf32, #tpu.memory_space<vmem_shared>>) target_semaphore(%run_scoped3A : memref<!tpu.dma_semaphore, #tpu.memory_space<semaphore_mem>>)
      %dma_wait3A = arith.constant 0 : i32
      %dma_wait3A_56 = tpu.memref_slice %arg11[%add3A_29, %dma_wait3A] : memref<10240x128xf32, #tpu.memory_space<vmem_shared>> -> memref<80x128xf32, #tpu.memory_space<vmem_shared>>
      %dma_wait3A_57 = arith.constant 0 : i32
      %dma_wait3A_58 = tpu.memref_slice %arg11[%add3A_29, %dma_wait3A_57] : memref<10240x128xf32, #tpu.memory_space<vmem_shared>> -> memref<80x128xf32, #tpu.memory_space<vmem_shared>>
      tpu.wait_dma2 semaphore(%run_scoped3A : memref<!tpu.dma_semaphore, #tpu.memory_space<semaphore_mem>>) src(%arg10 : memref<80x128xf32, #tpu.memory_space<vmem>>) dst(%dma_wait3A_58 : memref<80x128xf32, #tpu.memory_space<vmem_shared>>)
      tpu.yield
    }) : () -> ()
    %mul3A_30 = arith.constant 640 : i32
    %mul3A_31 = arith.muli %arg1, %mul3A_30 : i32
    %add3A_32 = arith.constant 480 : i32
    %add3A_33 = arith.addi %mul3A_31, %add3A_32 : i32
    "tpu.region"() ({
      %run_scoped3A = tpu.sem_alloc : memref<!tpu.dma_semaphore, #tpu.memory_space<semaphore_mem>>
      %dma_start3A = arith.constant 0 : i32
      %dma_start3A_53 = tpu.memref_slice %arg11[%add3A_33, %dma_start3A] : memref<10240x128xf32, #tpu.memory_space<vmem_shared>> -> memref<80x128xf32, #tpu.memory_space<vmem_shared>>
      %dma_start3A_54 = arith.constant 0 : i32
      %dma_start3A_55 = tpu.memref_slice %arg11[%add3A_33, %dma_start3A_54] : memref<10240x128xf32, #tpu.memory_space<vmem_shared>> -> memref<80x128xf32, #tpu.memory_space<vmem_shared>>
      tpu.enqueue_dma source(%arg10 : memref<80x128xf32, #tpu.memory_space<vmem>>) target(%dma_start3A_55 : memref<80x128xf32, #tpu.memory_space<vmem_shared>>) target_semaphore(%run_scoped3A : memref<!tpu.dma_semaphore, #tpu.memory_space<semaphore_mem>>)
      %dma_wait3A = arith.constant 0 : i32
      %dma_wait3A_56 = tpu.memref_slice %arg11[%add3A_33, %dma_wait3A] : memref<10240x128xf32, #tpu.memory_space<vmem_shared>> -> memref<80x128xf32, #tpu.memory_space<vmem_shared>>
      %dma_wait3A_57 = arith.constant 0 : i32
      %dma_wait3A_58 = tpu.memref_slice %arg11[%add3A_33, %dma_wait3A_57] : memref<10240x128xf32, #tpu.memory_space<vmem_shared>> -> memref<80x128xf32, #tpu.memory_space<vmem_shared>>
      tpu.wait_dma2 semaphore(%run_scoped3A : memref<!tpu.dma_semaphore, #tpu.memory_space<semaphore_mem>>) src(%arg10 : memref<80x128xf32, #tpu.memory_space<vmem>>) dst(%dma_wait3A_58 : memref<80x128xf32, #tpu.memory_space<vmem_shared>>)
      tpu.yield
    }) : () -> ()
    %mul3A_34 = arith.constant 640 : i32
    %mul3A_35 = arith.muli %arg1, %mul3A_34 : i32
    %add3A_36 = arith.constant 560 : i32
    %add3A_37 = arith.addi %mul3A_35, %add3A_36 : i32
    "tpu.region"() ({
      %run_scoped3A = tpu.sem_alloc : memref<!tpu.dma_semaphore, #tpu.memory_space<semaphore_mem>>
      %dma_start3A = arith.constant 0 : i32
      %dma_start3A_53 = tpu.memref_slice %arg11[%add3A_37, %dma_start3A] : memref<10240x128xf32, #tpu.memory_space<vmem_shared>> -> memref<80x128xf32, #tpu.memory_space<vmem_shared>>
      %dma_start3A_54 = arith.constant 0 : i32
      %dma_start3A_55 = tpu.memref_slice %arg11[%add3A_37, %dma_start3A_54] : memref<10240x128xf32, #tpu.memory_space<vmem_shared>> -> memref<80x128xf32, #tpu.memory_space<vmem_shared>>
      tpu.enqueue_dma source(%arg10 : memref<80x128xf32, #tpu.memory_space<vmem>>) target(%dma_start3A_55 : memref<80x128xf32, #tpu.memory_space<vmem_shared>>) target_semaphore(%run_scoped3A : memref<!tpu.dma_semaphore, #tpu.memory_space<semaphore_mem>>)
      %dma_wait3A = arith.constant 0 : i32
      %dma_wait3A_56 = tpu.memref_slice %arg11[%add3A_37, %dma_wait3A] : memref<10240x128xf32, #tpu.memory_space<vmem_shared>> -> memref<80x128xf32, #tpu.memory_space<vmem_shared>>
      %dma_wait3A_57 = arith.constant 0 : i32
      %dma_wait3A_58 = tpu.memref_slice %arg11[%add3A_37, %dma_wait3A_57] : memref<10240x128xf32, #tpu.memory_space<vmem_shared>> -> memref<80x128xf32, #tpu.memory_space<vmem_shared>>
      tpu.wait_dma2 semaphore(%run_scoped3A : memref<!tpu.dma_semaphore, #tpu.memory_space<semaphore_mem>>) src(%arg10 : memref<80x128xf32, #tpu.memory_space<vmem>>) dst(%dma_wait3A_58 : memref<80x128xf32, #tpu.memory_space<vmem_shared>>)
      tpu.yield
    }) : () -> ()
    %barrier3A = arith.constant 0 : index
    tpu.barrier barrier_id(%barrier3A)
    %mul3A_38 = arith.constant 10000 : i32
    %mul3A_39 = arith.muli %add3A, %mul3A_38 : i32
    %scan3A_40 = arith.constant 0 : i32
    %scan3A_41 = arith.constant 125 : i32
    %scan3A_42 = arith.addi %scan3A_40, %scan3A_41 : i32
    %scan3A_43 = arith.constant 1 : i32
    scf.for %scan3A_53 = %scan3A_40 to %scan3A_42 step %scan3A_43  : i32 {
      %mul3A_54 = arith.constant 80 : i32
      %mul3A_55 = arith.muli %scan3A_53, %mul3A_54 : i32
      %add3A_56 = arith.addi %mul3A_39, %mul3A_55 : i32
      "tpu.region"() ({
        %run_scoped3A = tpu.sem_alloc : memref<!tpu.dma_semaphore, #tpu.memory_space<semaphore_mem>>
        %dma_start3A_66 = tpu.memref_slice %arg3[%add3A_56] : memref<320000xi32, #tpu.memory_space<hbm>> -> memref<80xi32, #tpu.memory_space<hbm>>
        %dma_start3A_67 = tpu.memref_slice %arg3[%add3A_56] : memref<320000xi32, #tpu.memory_space<hbm>> -> memref<80xi32, #tpu.memory_space<hbm>>
        tpu.enqueue_dma source(%dma_start3A_67 : memref<80xi32, #tpu.memory_space<hbm>>) target(%arg7 : memref<80xi32, #tpu.memory_space<vmem>>) target_semaphore(%run_scoped3A : memref<!tpu.dma_semaphore, #tpu.memory_space<semaphore_mem>>)
        %dma_wait3A_68 = tpu.memref_slice %arg3[%add3A_56] : memref<320000xi32, #tpu.memory_space<hbm>> -> memref<80xi32, #tpu.memory_space<hbm>>
        %dma_wait3A_69 = tpu.memref_slice %arg3[%add3A_56] : memref<320000xi32, #tpu.memory_space<hbm>> -> memref<80xi32, #tpu.memory_space<hbm>>
        tpu.wait_dma2 semaphore(%run_scoped3A : memref<!tpu.dma_semaphore, #tpu.memory_space<semaphore_mem>>) src(%dma_wait3A_69 : memref<80xi32, #tpu.memory_space<hbm>>) dst(%arg7 : memref<80xi32, #tpu.memory_space<vmem>>)
        tpu.yield
      }) : () -> ()
      "tpu.region"() ({
        %run_scoped3A = tpu.sem_alloc : memref<!tpu.dma_semaphore, #tpu.memory_space<semaphore_mem>>
        %dma_start3A_66 = tpu.memref_slice %arg4[%add3A_56] : memref<320000xi32, #tpu.memory_space<hbm>> -> memref<80xi32, #tpu.memory_space<hbm>>
        %dma_start3A_67 = tpu.memref_slice %arg4[%add3A_56] : memref<320000xi32, #tpu.memory_space<hbm>> -> memref<80xi32, #tpu.memory_space<hbm>>
        tpu.enqueue_dma source(%dma_start3A_67 : memref<80xi32, #tpu.memory_space<hbm>>) target(%arg8 : memref<80xi32, #tpu.memory_space<vmem>>) target_semaphore(%run_scoped3A : memref<!tpu.dma_semaphore, #tpu.memory_space<semaphore_mem>>)
        %dma_wait3A_68 = tpu.memref_slice %arg4[%add3A_56] : memref<320000xi32, #tpu.memory_space<hbm>> -> memref<80xi32, #tpu.memory_space<hbm>>
        %dma_wait3A_69 = tpu.memref_slice %arg4[%add3A_56] : memref<320000xi32, #tpu.memory_space<hbm>> -> memref<80xi32, #tpu.memory_space<hbm>>
        tpu.wait_dma2 semaphore(%run_scoped3A : memref<!tpu.dma_semaphore, #tpu.memory_space<semaphore_mem>>) src(%dma_wait3A_69 : memref<80xi32, #tpu.memory_space<hbm>>) dst(%arg8 : memref<80xi32, #tpu.memory_space<vmem>>)
        tpu.yield
      }) : () -> ()
      "tpu.region"() ({
        %run_scoped3A = tpu.sem_alloc : memref<!tpu.dma_semaphore, #tpu.memory_space<semaphore_mem>>
        %dma_start3A_66 = tpu.memref_slice %arg5[%add3A_56] : memref<320000xf32, #tpu.memory_space<hbm>> -> memref<80xf32, #tpu.memory_space<hbm>>
        %dma_start3A_67 = tpu.memref_slice %arg5[%add3A_56] : memref<320000xf32, #tpu.memory_space<hbm>> -> memref<80xf32, #tpu.memory_space<hbm>>
        tpu.enqueue_dma source(%dma_start3A_67 : memref<80xf32, #tpu.memory_space<hbm>>) target(%arg9 : memref<80xf32, #tpu.memory_space<vmem>>) target_semaphore(%run_scoped3A : memref<!tpu.dma_semaphore, #tpu.memory_space<semaphore_mem>>)
        %dma_wait3A_68 = tpu.memref_slice %arg5[%add3A_56] : memref<320000xf32, #tpu.memory_space<hbm>> -> memref<80xf32, #tpu.memory_space<hbm>>
        %dma_wait3A_69 = tpu.memref_slice %arg5[%add3A_56] : memref<320000xf32, #tpu.memory_space<hbm>> -> memref<80xf32, #tpu.memory_space<hbm>>
        tpu.wait_dma2 semaphore(%run_scoped3A : memref<!tpu.dma_semaphore, #tpu.memory_space<semaphore_mem>>) src(%dma_wait3A_69 : memref<80xf32, #tpu.memory_space<hbm>>) dst(%arg9 : memref<80xf32, #tpu.memory_space<vmem>>)
        tpu.yield
      }) : () -> ()
      %dma_start3A = arith.constant 0 : i32
      %dma_start3A_57 = arith.constant 0 : i32
      %dma_start3A_58 = tpu.memref_slice %arg2[%dma_start3A, %dma_start3A_57] : memref<10000x128xf32, #tpu.memory_space<hbm>> -> memref<10000x128xf32, #tpu.memory_space<hbm>>
      tpu.enqueue_indirect_dma source(%dma_start3A_58 : memref<10000x128xf32, #tpu.memory_space<hbm>>) target(%arg10 : memref<80x128xf32, #tpu.memory_space<vmem>>) offsets(%arg7 : memref<80xi32, #tpu.memory_space<vmem>>) semaphore(%arg12 : memref<!tpu.dma_semaphore, #tpu.memory_space<semaphore_mem>>)
      %dma_wait3A = arith.constant 0 : i32
      %dma_wait3A_59 = arith.constant 0 : i32
      %dma_wait3A_60 = tpu.memref_slice %arg2[%dma_wait3A, %dma_wait3A_59] : memref<10000x128xf32, #tpu.memory_space<hbm>> -> memref<10000x128xf32, #tpu.memory_space<hbm>>
      tpu.wait_indirect_dma semaphore(%arg12 : memref<!tpu.dma_semaphore, #tpu.memory_space<semaphore_mem>>) src(%dma_wait3A_60 : memref<10000x128xf32, #tpu.memory_space<hbm>>) dst(%arg10 : memref<80x128xf32, #tpu.memory_space<vmem>>)
      %scan3A_61 = arith.constant 0 : i32
      %scan3A_62 = arith.constant 5 : i32
      %scan3A_63 = arith.addi %scan3A_61, %scan3A_62 : i32
      %scan3A_64 = arith.constant 1 : i32
      scf.for %scan3A_66 = %scan3A_61 to %scan3A_63 step %scan3A_64  : i32 {
        %mul3A_67 = arith.constant 16 : i32
        %mul3A_68 = arith.muli %scan3A_66, %mul3A_67 : i32
        %get3A = arith.index_cast %mul3A_68 : i32 to index
        %get3A_69 = tpu.vector_load %arg9[%get3A] {strides = array<i32>} : memref<80xf32, #tpu.memory_space<vmem>>, vector<16xf32>,
        %get3A_70 = vector.shape_cast %get3A_69 : vector<16xf32> to vector<16xf32>
        %add3A_71 = arith.constant 1.000000e+00 : f32
        %add3A_72 = vector.broadcast %add3A_71 : f32 to vector<16xf32>
        %add3A_73 = arith.addf %get3A_70, %add3A_72 : vector<16xf32>
        %mul3A_74 = arith.constant 5.000000e-01 : f32
        %mul3A_75 = vector.broadcast %mul3A_74 : f32 to vector<16xf32>
        %mul3A_76 = arith.mulf %add3A_73, %mul3A_75 : vector<16xf32>
        %mul3A_77 = arith.constant 16 : i32
        %mul3A_78 = arith.muli %scan3A_66, %mul3A_77 : i32
        %slice3A = vector.extract_strided_slice %mul3A_76 {offsets = [0], sizes = [1], strides = [1]} : vector<16xf32> to vector<1xf32>
        %squeeze3A = vector.extract %slice3A[0] : f32 from vector<1xf32>
        %add3A_79 = arith.constant 0 : i32
        %add3A_80 = arith.addi %mul3A_78, %add3A_79 : i32
        %get3A_81 = arith.index_cast %add3A_80 : i32 to index
        %get3A_82 = arith.constant 0 : index
        %get3A_83 = tpu.vector_load %arg10[%get3A_81, %get3A_82] {strides = array<i32>} : memref<80x128xf32, #tpu.memory_space<vmem>>, vector<1x16xf32>,
        %get3A_84 = vector.shape_cast %get3A_83 : vector<1x16xf32> to vector<16xf32>
        %mul3A_85 = vector.broadcast %squeeze3A : f32 to vector<16xf32>
        %mul3A_86 = arith.mulf %get3A_84, %mul3A_85 : vector<16xf32>
        %add3A_87 = arith.constant 0 : i32
        %add3A_88 = arith.addi %mul3A_78, %add3A_87 : i32
        %swap3A = arith.index_cast %add3A_88 : i32 to index
        %swap3A_89 = arith.constant 0 : index
        %swap3A_90 = tpu.vector_load %arg10[%swap3A, %swap3A_89] {strides = array<i32>} : memref<80x128xf32, #tpu.memory_space<vmem>>, vector<1x16xf32>,
        %swap3A_91 = vector.shape_cast %swap3A_90 : vector<1x16xf32> to vector<16xf32>
        %swap3A_92 = vector.shape_cast %mul3A_86 : vector<16xf32> to vector<1x16xf32>
        tpu.vector_store %arg10[%swap3A, %swap3A_89], %swap3A_92 {strides = array<i32>} : memref<80x128xf32, #tpu.memory_space<vmem>>, vector<1x16xf32>,
        %add3A_93 = arith.constant 0 : i32
        %add3A_94 = arith.addi %mul3A_78, %add3A_93 : i32
        %get3A_95 = arith.index_cast %add3A_94 : i32 to index
        %get3A_96 = arith.constant 16 : index
        %get3A_97 = tpu.vector_load %arg10[%get3A_95, %get3A_96] {strides = array<i32>} : memref<80x128xf32, #tpu.memory_space<vmem>>, vector<1x16xf32>,
        %get3A_98 = vector.shape_cast %get3A_97 : vector<1x16xf32> to vector<16xf32>
        %mul3A_99 = vector.broadcast %squeeze3A : f32 to vector<16xf32>
        %mul3A_100 = arith.mulf %get3A_98, %mul3A_99 : vector<16xf32>
        %add3A_101 = arith.constant 0 : i32
        %add3A_102 = arith.addi %mul3A_78, %add3A_101 : i32
        %swap3A_103 = arith.index_cast %add3A_102 : i32 to index
        %swap3A_104 = arith.constant 16 : index
        %swap3A_105 = tpu.vector_load %arg10[%swap3A_103, %swap3A_104] {strides = array<i32>} : memref<80x128xf32, #tpu.memory_space<vmem>>, vector<1x16xf32>,
        %swap3A_106 = vector.shape_cast %swap3A_105 : vector<1x16xf32> to vector<16xf32>
        %swap3A_107 = vector.shape_cast %mul3A_100 : vector<16xf32> to vector<1x16xf32>
        tpu.vector_store %arg10[%swap3A_103, %swap3A_104], %swap3A_107 {strides = array<i32>} : memref<80x128xf32, #tpu.memory_space<vmem>>, vector<1x16xf32>,
        %add3A_108 = arith.constant 0 : i32
        %add3A_109 = arith.addi %mul3A_78, %add3A_108 : i32
        %get3A_110 = arith.index_cast %add3A_109 : i32 to index
        %get3A_111 = arith.constant 32 : index
        %get3A_112 = tpu.vector_load %arg10[%get3A_110, %get3A_111] {strides = array<i32>} : memref<80x128xf32, #tpu.memory_space<vmem>>, vector<1x16xf32>,
        %get3A_113 = vector.shape_cast %get3A_112 : vector<1x16xf32> to vector<16xf32>
        %mul3A_114 = vector.broadcast %squeeze3A : f32 to vector<16xf32>
        %mul3A_115 = arith.mulf %get3A_113, %mul3A_114 : vector<16xf32>
        %add3A_116 = arith.constant 0 : i32
        %add3A_117 = arith.addi %mul3A_78, %add3A_116 : i32
        %swap3A_118 = arith.index_cast %add3A_117 : i32 to index
        %swap3A_119 = arith.constant 32 : index
        %swap3A_120 = tpu.vector_load %arg10[%swap3A_118, %swap3A_119] {strides = array<i32>} : memref<80x128xf32, #tpu.memory_space<vmem>>, vector<1x16xf32>,
        %swap3A_121 = vector.shape_cast %swap3A_120 : vector<1x16xf32> to vector<16xf32>
        %swap3A_122 = vector.shape_cast %mul3A_115 : vector<16xf32> to vector<1x16xf32>
        tpu.vector_store %arg10[%swap3A_118, %swap3A_119], %swap3A_122 {strides = array<i32>} : memref<80x128xf32, #tpu.memory_space<vmem>>, vector<1x16xf32>,
        %add3A_123 = arith.constant 0 : i32
        %add3A_124 = arith.addi %mul3A_78, %add3A_123 : i32
        %get3A_125 = arith.index_cast %add3A_124 : i32 to index
        %get3A_126 = arith.constant 48 : index
        %get3A_127 = tpu.vector_load %arg10[%get3A_125, %get3A_126] {strides = array<i32>} : memref<80x128xf32, #tpu.memory_space<vmem>>, vector<1x16xf32>,
        %get3A_128 = vector.shape_cast %get3A_127 : vector<1x16xf32> to vector<16xf32>
        %mul3A_129 = vector.broadcast %squeeze3A : f32 to vector<16xf32>
        %mul3A_130 = arith.mulf %get3A_128, %mul3A_129 : vector<16xf32>
        %add3A_131 = arith.constant 0 : i32
        %add3A_132 = arith.addi %mul3A_78, %add3A_131 : i32
        %swap3A_133 = arith.index_cast %add3A_132 : i32 to index
        %swap3A_134 = arith.constant 48 : index
        %swap3A_135 = tpu.vector_load %arg10[%swap3A_133, %swap3A_134] {strides = array<i32>} : memref<80x128xf32, #tpu.memory_space<vmem>>, vector<1x16xf32>,
        %swap3A_136 = vector.shape_cast %swap3A_135 : vector<1x16xf32> to vector<16xf32>
        %swap3A_137 = vector.shape_cast %mul3A_130 : vector<16xf32> to vector<1x16xf32>
        tpu.vector_store %arg10[%swap3A_133, %swap3A_134], %swap3A_137 {strides = array<i32>} : memref<80x128xf32, #tpu.memory_space<vmem>>, vector<1x16xf32>,
        %add3A_138 = arith.constant 0 : i32
        %add3A_139 = arith.addi %mul3A_78, %add3A_138 : i32
        %get3A_140 = arith.index_cast %add3A_139 : i32 to index
        %get3A_141 = arith.constant 64 : index
        %get3A_142 = tpu.vector_load %arg10[%get3A_140, %get3A_141] {strides = array<i32>} : memref<80x128xf32, #tpu.memory_space<vmem>>, vector<1x16xf32>,
        %get3A_143 = vector.shape_cast %get3A_142 : vector<1x16xf32> to vector<16xf32>
        %mul3A_144 = vector.broadcast %squeeze3A : f32 to vector<16xf32>
        %mul3A_145 = arith.mulf %get3A_143, %mul3A_144 : vector<16xf32>
        %add3A_146 = arith.constant 0 : i32
        %add3A_147 = arith.addi %mul3A_78, %add3A_146 : i32
        %swap3A_148 = arith.index_cast %add3A_147 : i32 to index
        %swap3A_149 = arith.constant 64 : index
        %swap3A_150 = tpu.vector_load %arg10[%swap3A_148, %swap3A_149] {strides = array<i32>} : memref<80x128xf32, #tpu.memory_space<vmem>>, vector<1x16xf32>,
        %swap3A_151 = vector.shape_cast %swap3A_150 : vector<1x16xf32> to vector<16xf32>
        %swap3A_152 = vector.shape_cast %mul3A_145 : vector<16xf32> to vector<1x16xf32>
        tpu.vector_store %arg10[%swap3A_148, %swap3A_149], %swap3A_152 {strides = array<i32>} : memref<80x128xf32, #tpu.memory_space<vmem>>, vector<1x16xf32>,
        %add3A_153 = arith.constant 0 : i32
        %add3A_154 = arith.addi %mul3A_78, %add3A_153 : i32
        %get3A_155 = arith.index_cast %add3A_154 : i32 to index
        %get3A_156 = arith.constant 80 : index
        %get3A_157 = tpu.vector_load %arg10[%get3A_155, %get3A_156] {strides = array<i32>} : memref<80x128xf32, #tpu.memory_space<vmem>>, vector<1x16xf32>,
        %get3A_158 = vector.shape_cast %get3A_157 : vector<1x16xf32> to vector<16xf32>
        %mul3A_159 = vector.broadcast %squeeze3A : f32 to vector<16xf32>
        %mul3A_160 = arith.mulf %get3A_158, %mul3A_159 : vector<16xf32>
        %add3A_161 = arith.constant 0 : i32
        %add3A_162 = arith.addi %mul3A_78, %add3A_161 : i32
        %swap3A_163 = arith.index_cast %add3A_162 : i32 to index
        %swap3A_164 = arith.constant 80 : index
        %swap3A_165 = tpu.vector_load %arg10[%swap3A_163, %swap3A_164] {strides = array<i32>} : memref<80x128xf32, #tpu.memory_space<vmem>>, vector<1x16xf32>,
        %swap3A_166 = vector.shape_cast %swap3A_165 : vector<1x16xf32> to vector<16xf32>
        %swap3A_167 = vector.shape_cast %mul3A_160 : vector<16xf32> to vector<1x16xf32>
        tpu.vector_store %arg10[%swap3A_163, %swap3A_164], %swap3A_167 {strides = array<i32>} : memref<80x128xf32, #tpu.memory_space<vmem>>, vector<1x16xf32>,
        %add3A_168 = arith.constant 0 : i32
        %add3A_169 = arith.addi %mul3A_78, %add3A_168 : i32
        %get3A_170 = arith.index_cast %add3A_169 : i32 to index
        %get3A_171 = arith.constant 96 : index
        %get3A_172 = tpu.vector_load %arg10[%get3A_170, %get3A_171] {strides = array<i32>} : memref<80x128xf32, #tpu.memory_space<vmem>>, vector<1x16xf32>,
        %get3A_173 = vector.shape_cast %get3A_172 : vector<1x16xf32> to vector<16xf32>
        %mul3A_174 = vector.broadcast %squeeze3A : f32 to vector<16xf32>
        %mul3A_175 = arith.mulf %get3A_173, %mul3A_174 : vector<16xf32>
        %add3A_176 = arith.constant 0 : i32
        %add3A_177 = arith.addi %mul3A_78, %add3A_176 : i32
        %swap3A_178 = arith.index_cast %add3A_177 : i32 to index
        %swap3A_179 = arith.constant 96 : index
        %swap3A_180 = tpu.vector_load %arg10[%swap3A_178, %swap3A_179] {strides = array<i32>} : memref<80x128xf32, #tpu.memory_space<vmem>>, vector<1x16xf32>,
        %swap3A_181 = vector.shape_cast %swap3A_180 : vector<1x16xf32> to vector<16xf32>
        %swap3A_182 = vector.shape_cast %mul3A_175 : vector<16xf32> to vector<1x16xf32>
        tpu.vector_store %arg10[%swap3A_178, %swap3A_179], %swap3A_182 {strides = array<i32>} : memref<80x128xf32, #tpu.memory_space<vmem>>, vector<1x16xf32>,
        %add3A_183 = arith.constant 0 : i32
        %add3A_184 = arith.addi %mul3A_78, %add3A_183 : i32
        %get3A_185 = arith.index_cast %add3A_184 : i32 to index
        %get3A_186 = arith.constant 112 : index
        %get3A_187 = tpu.vector_load %arg10[%get3A_185, %get3A_186] {strides = array<i32>} : memref<80x128xf32, #tpu.memory_space<vmem>>, vector<1x16xf32>,
        %get3A_188 = vector.shape_cast %get3A_187 : vector<1x16xf32> to vector<16xf32>
        %mul3A_189 = vector.broadcast %squeeze3A : f32 to vector<16xf32>
        %mul3A_190 = arith.mulf %get3A_188, %mul3A_189 : vector<16xf32>
        %add3A_191 = arith.constant 0 : i32
        %add3A_192 = arith.addi %mul3A_78, %add3A_191 : i32
        %swap3A_193 = arith.index_cast %add3A_192 : i32 to index
        %swap3A_194 = arith.constant 112 : index
        %swap3A_195 = tpu.vector_load %arg10[%swap3A_193, %swap3A_194] {strides = array<i32>} : memref<80x128xf32, #tpu.memory_space<vmem>>, vector<1x16xf32>,
        %swap3A_196 = vector.shape_cast %swap3A_195 : vector<1x16xf32> to vector<16xf32>
        %swap3A_197 = vector.shape_cast %mul3A_190 : vector<16xf32> to vector<1x16xf32>
        tpu.vector_store %arg10[%swap3A_193, %swap3A_194], %swap3A_197 {strides = array<i32>} : memref<80x128xf32, #tpu.memory_space<vmem>>, vector<1x16xf32>,
        %slice3A_198 = vector.extract_strided_slice %mul3A_76 {offsets = [1], sizes = [1], strides = [1]} : vector<16xf32> to vector<1xf32>
        %squeeze3A_199 = vector.extract %slice3A_198[0] : f32 from vector<1xf32>
        %add3A_200 = arith.constant 1 : i32
        %add3A_201 = arith.addi %mul3A_78, %add3A_200 : i32
        %get3A_202 = arith.index_cast %add3A_201 : i32 to index
        %get3A_203 = arith.constant 0 : index
        %get3A_204 = tpu.vector_load %arg10[%get3A_202, %get3A_203] {strides = array<i32>} : memref<80x128xf32, #tpu.memory_space<vmem>>, vector<1x16xf32>,
        %get3A_205 = vector.shape_cast %get3A_204 : vector<1x16xf32> to vector<16xf32>
        %mul3A_206 = vector.broadcast %squeeze3A_199 : f32 to vector<16xf32>
        %mul3A_207 = arith.mulf %get3A_205, %mul3A_206 : vector<16xf32>
        %add3A_208 = arith.constant 1 : i32
        %add3A_209 = arith.addi %mul3A_78, %add3A_208 : i32
        %swap3A_210 = arith.index_cast %add3A_209 : i32 to index
        %swap3A_211 = arith.constant 0 : index
        %swap3A_212 = tpu.vector_load %arg10[%swap3A_210, %swap3A_211] {strides = array<i32>} : memref<80x128xf32, #tpu.memory_space<vmem>>, vector<1x16xf32>,
        %swap3A_213 = vector.shape_cast %swap3A_212 : vector<1x16xf32> to vector<16xf32>
        %swap3A_214 = vector.shape_cast %mul3A_207 : vector<16xf32> to vector<1x16xf32>
        tpu.vector_store %arg10[%swap3A_210, %swap3A_211], %swap3A_214 {strides = array<i32>} : memref<80x128xf32, #tpu.memory_space<vmem>>, vector<1x16xf32>,
        %add3A_215 = arith.constant 1 : i32
        %add3A_216 = arith.addi %mul3A_78, %add3A_215 : i32
        %get3A_217 = arith.index_cast %add3A_216 : i32 to index
        %get3A_218 = arith.constant 16 : index
        %get3A_219 = tpu.vector_load %arg10[%get3A_217, %get3A_218] {strides = array<i32>} : memref<80x128xf32, #tpu.memory_space<vmem>>, vector<1x16xf32>,
        %get3A_220 = vector.shape_cast %get3A_219 : vector<1x16xf32> to vector<16xf32>
        %mul3A_221 = vector.broadcast %squeeze3A_199 : f32 to vector<16xf32>
        %mul3A_222 = arith.mulf %get3A_220, %mul3A_221 : vector<16xf32>
        %add3A_223 = arith.constant 1 : i32
        %add3A_224 = arith.addi %mul3A_78, %add3A_223 : i32
        %swap3A_225 = arith.index_cast %add3A_224 : i32 to index
        %swap3A_226 = arith.constant 16 : index
        %swap3A_227 = tpu.vector_load %arg10[%swap3A_225, %swap3A_226] {strides = array<i32>} : memref<80x128xf32, #tpu.memory_space<vmem>>, vector<1x16xf32>,
        %swap3A_228 = vector.shape_cast %swap3A_227 : vector<1x16xf32> to vector<16xf32>
        %swap3A_229 = vector.shape_cast %mul3A_222 : vector<16xf32> to vector<1x16xf32>
        tpu.vector_store %arg10[%swap3A_225, %swap3A_226], %swap3A_229 {strides = array<i32>} : memref<80x128xf32, #tpu.memory_space<vmem>>, vector<1x16xf32>,
        %add3A_230 = arith.constant 1 : i32
        %add3A_231 = arith.addi %mul3A_78, %add3A_230 : i32
        %get3A_232 = arith.index_cast %add3A_231 : i32 to index
        %get3A_233 = arith.constant 32 : index
        %get3A_234 = tpu.vector_load %arg10[%get3A_232, %get3A_233] {strides = array<i32>} : memref<80x128xf32, #tpu.memory_space<vmem>>, vector<1x16xf32>,
        %get3A_235 = vector.shape_cast %get3A_234 : vector<1x16xf32> to vector<16xf32>
        %mul3A_236 = vector.broadcast %squeeze3A_199 : f32 to vector<16xf32>
        %mul3A_237 = arith.mulf %get3A_235, %mul3A_236 : vector<16xf32>
        %add3A_238 = arith.constant 1 : i32
        %add3A_239 = arith.addi %mul3A_78, %add3A_238 : i32
        %swap3A_240 = arith.index_cast %add3A_239 : i32 to index
        %swap3A_241 = arith.constant 32 : index
        %swap3A_242 = tpu.vector_load %arg10[%swap3A_240, %swap3A_241] {strides = array<i32>} : memref<80x128xf32, #tpu.memory_space<vmem>>, vector<1x16xf32>,
        %swap3A_243 = vector.shape_cast %swap3A_242 : vector<1x16xf32> to vector<16xf32>
        %swap3A_244 = vector.shape_cast %mul3A_237 : vector<16xf32> to vector<1x16xf32>
        tpu.vector_store %arg10[%swap3A_240, %swap3A_241], %swap3A_244 {strides = array<i32>} : memref<80x128xf32, #tpu.memory_space<vmem>>, vector<1x16xf32>,
        %add3A_245 = arith.constant 1 : i32
        %add3A_246 = arith.addi %mul3A_78, %add3A_245 : i32
        %get3A_247 = arith.index_cast %add3A_246 : i32 to index
        %get3A_248 = arith.constant 48 : index
        %get3A_249 = tpu.vector_load %arg10[%get3A_247, %get3A_248] {strides = array<i32>} : memref<80x128xf32, #tpu.memory_space<vmem>>, vector<1x16xf32>,
        %get3A_250 = vector.shape_cast %get3A_249 : vector<1x16xf32> to vector<16xf32>
        %mul3A_251 = vector.broadcast %squeeze3A_199 : f32 to vector<16xf32>
        %mul3A_252 = arith.mulf %get3A_250, %mul3A_251 : vector<16xf32>
        %add3A_253 = arith.constant 1 : i32
        %add3A_254 = arith.addi %mul3A_78, %add3A_253 : i32
        %swap3A_255 = arith.index_cast %add3A_254 : i32 to index
        %swap3A_256 = arith.constant 48 : index
        %swap3A_257 = tpu.vector_load %arg10[%swap3A_255, %swap3A_256] {strides = array<i32>} : memref<80x128xf32, #tpu.memory_space<vmem>>, vector<1x16xf32>,
        %swap3A_258 = vector.shape_cast %swap3A_257 : vector<1x16xf32> to vector<16xf32>
        %swap3A_259 = vector.shape_cast %mul3A_252 : vector<16xf32> to vector<1x16xf32>
        tpu.vector_store %arg10[%swap3A_255, %swap3A_256], %swap3A_259 {strides = array<i32>} : memref<80x128xf32, #tpu.memory_space<vmem>>, vector<1x16xf32>,
        %add3A_260 = arith.constant 1 : i32
        %add3A_261 = arith.addi %mul3A_78, %add3A_260 : i32
        %get3A_262 = arith.index_cast %add3A_261 : i32 to index
        %get3A_263 = arith.constant 64 : index
        %get3A_264 = tpu.vector_load %arg10[%get3A_262, %get3A_263] {strides = array<i32>} : memref<80x128xf32, #tpu.memory_space<vmem>>, vector<1x16xf32>,
        %get3A_265 = vector.shape_cast %get3A_264 : vector<1x16xf32> to vector<16xf32>
        %mul3A_266 = vector.broadcast %squeeze3A_199 : f32 to vector<16xf32>
        %mul3A_267 = arith.mulf %get3A_265, %mul3A_266 : vector<16xf32>
        %add3A_268 = arith.constant 1 : i32
        %add3A_269 = arith.addi %mul3A_78, %add3A_268 : i32
        %swap3A_270 = arith.index_cast %add3A_269 : i32 to index
        %swap3A_271 = arith.constant 64 : index
        %swap3A_272 = tpu.vector_load %arg10[%swap3A_270, %swap3A_271] {strides = array<i32>} : memref<80x128xf32, #tpu.memory_space<vmem>>, vector<1x16xf32>,
        %swap3A_273 = vector.shape_cast %swap3A_272 : vector<1x16xf32> to vector<16xf32>
        %swap3A_274 = vector.shape_cast %mul3A_267 : vector<16xf32> to vector<1x16xf32>
        tpu.vector_store %arg10[%swap3A_270, %swap3A_271], %swap3A_274 {strides = array<i32>} : memref<80x128xf32, #tpu.memory_space<vmem>>, vector<1x16xf32>,
        %add3A_275 = arith.constant 1 : i32
        %add3A_276 = arith.addi %mul3A_78, %add3A_275 : i32
        %get3A_277 = arith.index_cast %add3A_276 : i32 to index
        %get3A_278 = arith.constant 80 : index
        %get3A_279 = tpu.vector_load %arg10[%get3A_277, %get3A_278] {strides = array<i32>} : memref<80x128xf32, #tpu.memory_space<vmem>>, vector<1x16xf32>,
        %get3A_280 = vector.shape_cast %get3A_279 : vector<1x16xf32> to vector<16xf32>
        %mul3A_281 = vector.broadcast %squeeze3A_199 : f32 to vector<16xf32>
        %mul3A_282 = arith.mulf %get3A_280, %mul3A_281 : vector<16xf32>
        %add3A_283 = arith.constant 1 : i32
        %add3A_284 = arith.addi %mul3A_78, %add3A_283 : i32
        %swap3A_285 = arith.index_cast %add3A_284 : i32 to index
        %swap3A_286 = arith.constant 80 : index
        %swap3A_287 = tpu.vector_load %arg10[%swap3A_285, %swap3A_286] {strides = array<i32>} : memref<80x128xf32, #tpu.memory_space<vmem>>, vector<1x16xf32>,
        %swap3A_288 = vector.shape_cast %swap3A_287 : vector<1x16xf32> to vector<16xf32>
        %swap3A_289 = vector.shape_cast %mul3A_282 : vector<16xf32> to vector<1x16xf32>
        tpu.vector_store %arg10[%swap3A_285, %swap3A_286], %swap3A_289 {strides = array<i32>} : memref<80x128xf32, #tpu.memory_space<vmem>>, vector<1x16xf32>,
        %add3A_290 = arith.constant 1 : i32
        %add3A_291 = arith.addi %mul3A_78, %add3A_290 : i32
        %get3A_292 = arith.index_cast %add3A_291 : i32 to index
        %get3A_293 = arith.constant 96 : index
        %get3A_294 = tpu.vector_load %arg10[%get3A_292, %get3A_293] {strides = array<i32>} : memref<80x128xf32, #tpu.memory_space<vmem>>, vector<1x16xf32>,
        %get3A_295 = vector.shape_cast %get3A_294 : vector<1x16xf32> to vector<16xf32>
        %mul3A_296 = vector.broadcast %squeeze3A_199 : f32 to vector<16xf32>
        %mul3A_297 = arith.mulf %get3A_295, %mul3A_296 : vector<16xf32>
        %add3A_298 = arith.constant 1 : i32
        %add3A_299 = arith.addi %mul3A_78, %add3A_298 : i32
        %swap3A_300 = arith.index_cast %add3A_299 : i32 to index
        %swap3A_301 = arith.constant 96 : index
        %swap3A_302 = tpu.vector_load %arg10[%swap3A_300, %swap3A_301] {strides = array<i32>} : memref<80x128xf32, #tpu.memory_space<vmem>>, vector<1x16xf32>,
        %swap3A_303 = vector.shape_cast %swap3A_302 : vector<1x16xf32> to vector<16xf32>
        %swap3A_304 = vector.shape_cast %mul3A_297 : vector<16xf32> to vector<1x16xf32>
        tpu.vector_store %arg10[%swap3A_300, %swap3A_301], %swap3A_304 {strides = array<i32>} : memref<80x128xf32, #tpu.memory_space<vmem>>, vector<1x16xf32>,
        %add3A_305 = arith.constant 1 : i32
        %add3A_306 = arith.addi %mul3A_78, %add3A_305 : i32
        %get3A_307 = arith.index_cast %add3A_306 : i32 to index
        %get3A_308 = arith.constant 112 : index
        %get3A_309 = tpu.vector_load %arg10[%get3A_307, %get3A_308] {strides = array<i32>} : memref<80x128xf32, #tpu.memory_space<vmem>>, vector<1x16xf32>,
        %get3A_310 = vector.shape_cast %get3A_309 : vector<1x16xf32> to vector<16xf32>
        %mul3A_311 = vector.broadcast %squeeze3A_199 : f32 to vector<16xf32>
        %mul3A_312 = arith.mulf %get3A_310, %mul3A_311 : vector<16xf32>
        %add3A_313 = arith.constant 1 : i32
        %add3A_314 = arith.addi %mul3A_78, %add3A_313 : i32
        %swap3A_315 = arith.index_cast %add3A_314 : i32 to index
        %swap3A_316 = arith.constant 112 : index
        %swap3A_317 = tpu.vector_load %arg10[%swap3A_315, %swap3A_316] {strides = array<i32>} : memref<80x128xf32, #tpu.memory_space<vmem>>, vector<1x16xf32>,
        %swap3A_318 = vector.shape_cast %swap3A_317 : vector<1x16xf32> to vector<16xf32>
        %swap3A_319 = vector.shape_cast %mul3A_312 : vector<16xf32> to vector<1x16xf32>
        tpu.vector_store %arg10[%swap3A_315, %swap3A_316], %swap3A_319 {strides = array<i32>} : memref<80x128xf32, #tpu.memory_space<vmem>>, vector<1x16xf32>,
        %slice3A_320 = vector.extract_strided_slice %mul3A_76 {offsets = [2], sizes = [1], strides = [1]} : vector<16xf32> to vector<1xf32>
        %squeeze3A_321 = vector.extract %slice3A_320[0] : f32 from vector<1xf32>
        %add3A_322 = arith.constant 2 : i32
        %add3A_323 = arith.addi %mul3A_78, %add3A_322 : i32
        %get3A_324 = arith.index_cast %add3A_323 : i32 to index
        %get3A_325 = arith.constant 0 : index
        %get3A_326 = tpu.vector_load %arg10[%get3A_324, %get3A_325] {strides = array<i32>} : memref<80x128xf32, #tpu.memory_space<vmem>>, vector<1x16xf32>,
        %get3A_327 = vector.shape_cast %get3A_326 : vector<1x16xf32> to vector<16xf32>
        %mul3A_328 = vector.broadcast %squeeze3A_321 : f32 to vector<16xf32>
        %mul3A_329 = arith.mulf %get3A_327, %mul3A_328 : vector<16xf32>
        %add3A_330 = arith.constant 2 : i32
        %add3A_331 = arith.addi %mul3A_78, %add3A_330 : i32
        %swap3A_332 = arith.index_cast %add3A_331 : i32 to index
        %swap3A_333 = arith.constant 0 : index
        %swap3A_334 = tpu.vector_load %arg10[%swap3A_332, %swap3A_333] {strides = array<i32>} : memref<80x128xf32, #tpu.memory_space<vmem>>, vector<1x16xf32>,
        %swap3A_335 = vector.shape_cast %swap3A_334 : vector<1x16xf32> to vector<16xf32>
        %swap3A_336 = vector.shape_cast %mul3A_329 : vector<16xf32> to vector<1x16xf32>
        tpu.vector_store %arg10[%swap3A_332, %swap3A_333], %swap3A_336 {strides = array<i32>} : memref<80x128xf32, #tpu.memory_space<vmem>>, vector<1x16xf32>,
        %add3A_337 = arith.constant 2 : i32
        %add3A_338 = arith.addi %mul3A_78, %add3A_337 : i32
        %get3A_339 = arith.index_cast %add3A_338 : i32 to index
        %get3A_340 = arith.constant 16 : index
        %get3A_341 = tpu.vector_load %arg10[%get3A_339, %get3A_340] {strides = array<i32>} : memref<80x128xf32, #tpu.memory_space<vmem>>, vector<1x16xf32>,
        %get3A_342 = vector.shape_cast %get3A_341 : vector<1x16xf32> to vector<16xf32>
        %mul3A_343 = vector.broadcast %squeeze3A_321 : f32 to vector<16xf32>
        %mul3A_344 = arith.mulf %get3A_342, %mul3A_343 : vector<16xf32>
        %add3A_345 = arith.constant 2 : i32
        %add3A_346 = arith.addi %mul3A_78, %add3A_345 : i32
        %swap3A_347 = arith.index_cast %add3A_346 : i32 to index
        %swap3A_348 = arith.constant 16 : index
        %swap3A_349 = tpu.vector_load %arg10[%swap3A_347, %swap3A_348] {strides = array<i32>} : memref<80x128xf32, #tpu.memory_space<vmem>>, vector<1x16xf32>,
        %swap3A_350 = vector.shape_cast %swap3A_349 : vector<1x16xf32> to vector<16xf32>
        %swap3A_351 = vector.shape_cast %mul3A_344 : vector<16xf32> to vector<1x16xf32>
        tpu.vector_store %arg10[%swap3A_347, %swap3A_348], %swap3A_351 {strides = array<i32>} : memref<80x128xf32, #tpu.memory_space<vmem>>, vector<1x16xf32>,
        %add3A_352 = arith.constant 2 : i32
        %add3A_353 = arith.addi %mul3A_78, %add3A_352 : i32
        %get3A_354 = arith.index_cast %add3A_353 : i32 to index
        %get3A_355 = arith.constant 32 : index
        %get3A_356 = tpu.vector_load %arg10[%get3A_354, %get3A_355] {strides = array<i32>} : memref<80x128xf32, #tpu.memory_space<vmem>>, vector<1x16xf32>,
        %get3A_357 = vector.shape_cast %get3A_356 : vector<1x16xf32> to vector<16xf32>
        %mul3A_358 = vector.broadcast %squeeze3A_321 : f32 to vector<16xf32>
        %mul3A_359 = arith.mulf %get3A_357, %mul3A_358 : vector<16xf32>
        %add3A_360 = arith.constant 2 : i32
        %add3A_361 = arith.addi %mul3A_78, %add3A_360 : i32
        %swap3A_362 = arith.index_cast %add3A_361 : i32 to index
        %swap3A_363 = arith.constant 32 : index
        %swap3A_364 = tpu.vector_load %arg10[%swap3A_362, %swap3A_363] {strides = array<i32>} : memref<80x128xf32, #tpu.memory_space<vmem>>, vector<1x16xf32>,
        %swap3A_365 = vector.shape_cast %swap3A_364 : vector<1x16xf32> to vector<16xf32>
        %swap3A_366 = vector.shape_cast %mul3A_359 : vector<16xf32> to vector<1x16xf32>
        tpu.vector_store %arg10[%swap3A_362, %swap3A_363], %swap3A_366 {strides = array<i32>} : memref<80x128xf32, #tpu.memory_space<vmem>>, vector<1x16xf32>,
        %add3A_367 = arith.constant 2 : i32
        %add3A_368 = arith.addi %mul3A_78, %add3A_367 : i32
        %get3A_369 = arith.index_cast %add3A_368 : i32 to index
        %get3A_370 = arith.constant 48 : index
        %get3A_371 = tpu.vector_load %arg10[%get3A_369, %get3A_370] {strides = array<i32>} : memref<80x128xf32, #tpu.memory_space<vmem>>, vector<1x16xf32>,
        %get3A_372 = vector.shape_cast %get3A_371 : vector<1x16xf32> to vector<16xf32>
        %mul3A_373 = vector.broadcast %squeeze3A_321 : f32 to vector<16xf32>
        %mul3A_374 = arith.mulf %get3A_372, %mul3A_373 : vector<16xf32>
        %add3A_375 = arith.constant 2 : i32
        %add3A_376 = arith.addi %mul3A_78, %add3A_375 : i32
        %swap3A_377 = arith.index_cast %add3A_376 : i32 to index
        %swap3A_378 = arith.constant 48 : index
        %swap3A_379 = tpu.vector_load %arg10[%swap3A_377, %swap3A_378] {strides = array<i32>} : memref<80x128xf32, #tpu.memory_space<vmem>>, vector<1x16xf32>,
        %swap3A_380 = vector.shape_cast %swap3A_379 : vector<1x16xf32> to vector<16xf32>
        %swap3A_381 = vector.shape_cast %mul3A_374 : vector<16xf32> to vector<1x16xf32>
        tpu.vector_store %arg10[%swap3A_377, %swap3A_378], %swap3A_381 {strides = array<i32>} : memref<80x128xf32, #tpu.memory_space<vmem>>, vector<1x16xf32>,
        %add3A_382 = arith.constant 2 : i32
        %add3A_383 = arith.addi %mul3A_78, %add3A_382 : i32
        %get3A_384 = arith.index_cast %add3A_383 : i32 to index
        %get3A_385 = arith.constant 64 : index
        %get3A_386 = tpu.vector_load %arg10[%get3A_384, %get3A_385] {strides = array<i32>} : memref<80x128xf32, #tpu.memory_space<vmem>>, vector<1x16xf32>,
        %get3A_387 = vector.shape_cast %get3A_386 : vector<1x16xf32> to vector<16xf32>
        %mul3A_388 = vector.broadcast %squeeze3A_321 : f32 to vector<16xf32>
        %mul3A_389 = arith.mulf %get3A_387, %mul3A_388 : vector<16xf32>
        %add3A_390 = arith.constant 2 : i32
        %add3A_391 = arith.addi %mul3A_78, %add3A_390 : i32
        %swap3A_392 = arith.index_cast %add3A_391 : i32 to index
        %swap3A_393 = arith.constant 64 : index
        %swap3A_394 = tpu.vector_load %arg10[%swap3A_392, %swap3A_393] {strides = array<i32>} : memref<80x128xf32, #tpu.memory_space<vmem>>, vector<1x16xf32>,
        %swap3A_395 = vector.shape_cast %swap3A_394 : vector<1x16xf32> to vector<16xf32>
        %swap3A_396 = vector.shape_cast %mul3A_389 : vector<16xf32> to vector<1x16xf32>
        tpu.vector_store %arg10[%swap3A_392, %swap3A_393], %swap3A_396 {strides = array<i32>} : memref<80x128xf32, #tpu.memory_space<vmem>>, vector<1x16xf32>,
        %add3A_397 = arith.constant 2 : i32
        %add3A_398 = arith.addi %mul3A_78, %add3A_397 : i32
        %get3A_399 = arith.index_cast %add3A_398 : i32 to index
        %get3A_400 = arith.constant 80 : index
        %get3A_401 = tpu.vector_load %arg10[%get3A_399, %get3A_400] {strides = array<i32>} : memref<80x128xf32, #tpu.memory_space<vmem>>, vector<1x16xf32>,
        %get3A_402 = vector.shape_cast %get3A_401 : vector<1x16xf32> to vector<16xf32>
        %mul3A_403 = vector.broadcast %squeeze3A_321 : f32 to vector<16xf32>
        %mul3A_404 = arith.mulf %get3A_402, %mul3A_403 : vector<16xf32>
        %add3A_405 = arith.constant 2 : i32
        %add3A_406 = arith.addi %mul3A_78, %add3A_405 : i32
        %swap3A_407 = arith.index_cast %add3A_406 : i32 to index
        %swap3A_408 = arith.constant 80 : index
        %swap3A_409 = tpu.vector_load %arg10[%swap3A_407, %swap3A_408] {strides = array<i32>} : memref<80x128xf32, #tpu.memory_space<vmem>>, vector<1x16xf32>,
        %swap3A_410 = vector.shape_cast %swap3A_409 : vector<1x16xf32> to vector<16xf32>
        %swap3A_411 = vector.shape_cast %mul3A_404 : vector<16xf32> to vector<1x16xf32>
        tpu.vector_store %arg10[%swap3A_407, %swap3A_408], %swap3A_411 {strides = array<i32>} : memref<80x128xf32, #tpu.memory_space<vmem>>, vector<1x16xf32>,
        %add3A_412 = arith.constant 2 : i32
        %add3A_413 = arith.addi %mul3A_78, %add3A_412 : i32
        %get3A_414 = arith.index_cast %add3A_413 : i32 to index
        %get3A_415 = arith.constant 96 : index
        %get3A_416 = tpu.vector_load %arg10[%get3A_414, %get3A_415] {strides = array<i32>} : memref<80x128xf32, #tpu.memory_space<vmem>>, vector<1x16xf32>,
        %get3A_417 = vector.shape_cast %get3A_416 : vector<1x16xf32> to vector<16xf32>
        %mul3A_418 = vector.broadcast %squeeze3A_321 : f32 to vector<16xf32>
        %mul3A_419 = arith.mulf %get3A_417, %mul3A_418 : vector<16xf32>
        %add3A_420 = arith.constant 2 : i32
        %add3A_421 = arith.addi %mul3A_78, %add3A_420 : i32
        %swap3A_422 = arith.index_cast %add3A_421 : i32 to index
        %swap3A_423 = arith.constant 96 : index
        %swap3A_424 = tpu.vector_load %arg10[%swap3A_422, %swap3A_423] {strides = array<i32>} : memref<80x128xf32, #tpu.memory_space<vmem>>, vector<1x16xf32>,
        %swap3A_425 = vector.shape_cast %swap3A_424 : vector<1x16xf32> to vector<16xf32>
        %swap3A_426 = vector.shape_cast %mul3A_419 : vector<16xf32> to vector<1x16xf32>
        tpu.vector_store %arg10[%swap3A_422, %swap3A_423], %swap3A_426 {strides = array<i32>} : memref<80x128xf32, #tpu.memory_space<vmem>>, vector<1x16xf32>,
        %add3A_427 = arith.constant 2 : i32
        %add3A_428 = arith.addi %mul3A_78, %add3A_427 : i32
        %get3A_429 = arith.index_cast %add3A_428 : i32 to index
        %get3A_430 = arith.constant 112 : index
        %get3A_431 = tpu.vector_load %arg10[%get3A_429, %get3A_430] {strides = array<i32>} : memref<80x128xf32, #tpu.memory_space<vmem>>, vector<1x16xf32>,
        %get3A_432 = vector.shape_cast %get3A_431 : vector<1x16xf32> to vector<16xf32>
        %mul3A_433 = vector.broadcast %squeeze3A_321 : f32 to vector<16xf32>
        %mul3A_434 = arith.mulf %get3A_432, %mul3A_433 : vector<16xf32>
        %add3A_435 = arith.constant 2 : i32
        %add3A_436 = arith.addi %mul3A_78, %add3A_435 : i32
        %swap3A_437 = arith.index_cast %add3A_436 : i32 to index
        %swap3A_438 = arith.constant 112 : index
        %swap3A_439 = tpu.vector_load %arg10[%swap3A_437, %swap3A_438] {strides = array<i32>} : memref<80x128xf32, #tpu.memory_space<vmem>>, vector<1x16xf32>,
        %swap3A_440 = vector.shape_cast %swap3A_439 : vector<1x16xf32> to vector<16xf32>
        %swap3A_441 = vector.shape_cast %mul3A_434 : vector<16xf32> to vector<1x16xf32>
        tpu.vector_store %arg10[%swap3A_437, %swap3A_438], %swap3A_441 {strides = array<i32>} : memref<80x128xf32, #tpu.memory_space<vmem>>, vector<1x16xf32>,
        %slice3A_442 = vector.extract_strided_slice %mul3A_76 {offsets = [3], sizes = [1], strides = [1]} : vector<16xf32> to vector<1xf32>
        %squeeze3A_443 = vector.extract %slice3A_442[0] : f32 from vector<1xf32>
        %add3A_444 = arith.constant 3 : i32
        %add3A_445 = arith.addi %mul3A_78, %add3A_444 : i32
        %get3A_446 = arith.index_cast %add3A_445 : i32 to index
        %get3A_447 = arith.constant 0 : index
        %get3A_448 = tpu.vector_load %arg10[%get3A_446, %get3A_447] {strides = array<i32>} : memref<80x128xf32, #tpu.memory_space<vmem>>, vector<1x16xf32>,
        %get3A_449 = vector.shape_cast %get3A_448 : vector<1x16xf32> to vector<16xf32>
        %mul3A_450 = vector.broadcast %squeeze3A_443 : f32 to vector<16xf32>
        %mul3A_451 = arith.mulf %get3A_449, %mul3A_450 : vector<16xf32>
        %add3A_452 = arith.constant 3 : i32
        %add3A_453 = arith.addi %mul3A_78, %add3A_452 : i32
        %swap3A_454 = arith.index_cast %add3A_453 : i32 to index
        %swap3A_455 = arith.constant 0 : index
        %swap3A_456 = tpu.vector_load %arg10[%swap3A_454, %swap3A_455] {strides = array<i32>} : memref<80x128xf32, #tpu.memory_space<vmem>>, vector<1x16xf32>,
        %swap3A_457 = vector.shape_cast %swap3A_456 : vector<1x16xf32> to vector<16xf32>
        %swap3A_458 = vector.shape_cast %mul3A_451 : vector<16xf32> to vector<1x16xf32>
        tpu.vector_store %arg10[%swap3A_454, %swap3A_455], %swap3A_458 {strides = array<i32>} : memref<80x128xf32, #tpu.memory_space<vmem>>, vector<1x16xf32>,
        %add3A_459 = arith.constant 3 : i32
        %add3A_460 = arith.addi %mul3A_78, %add3A_459 : i32
        %get3A_461 = arith.index_cast %add3A_460 : i32 to index
        %get3A_462 = arith.constant 16 : index
        %get3A_463 = tpu.vector_load %arg10[%get3A_461, %get3A_462] {strides = array<i32>} : memref<80x128xf32, #tpu.memory_space<vmem>>, vector<1x16xf32>,
        %get3A_464 = vector.shape_cast %get3A_463 : vector<1x16xf32> to vector<16xf32>
        %mul3A_465 = vector.broadcast %squeeze3A_443 : f32 to vector<16xf32>
        %mul3A_466 = arith.mulf %get3A_464, %mul3A_465 : vector<16xf32>
        %add3A_467 = arith.constant 3 : i32
        %add3A_468 = arith.addi %mul3A_78, %add3A_467 : i32
        %swap3A_469 = arith.index_cast %add3A_468 : i32 to index
        %swap3A_470 = arith.constant 16 : index
        %swap3A_471 = tpu.vector_load %arg10[%swap3A_469, %swap3A_470] {strides = array<i32>} : memref<80x128xf32, #tpu.memory_space<vmem>>, vector<1x16xf32>,
        %swap3A_472 = vector.shape_cast %swap3A_471 : vector<1x16xf32> to vector<16xf32>
        %swap3A_473 = vector.shape_cast %mul3A_466 : vector<16xf32> to vector<1x16xf32>
        tpu.vector_store %arg10[%swap3A_469, %swap3A_470], %swap3A_473 {strides = array<i32>} : memref<80x128xf32, #tpu.memory_space<vmem>>, vector<1x16xf32>,
        %add3A_474 = arith.constant 3 : i32
        %add3A_475 = arith.addi %mul3A_78, %add3A_474 : i32
        %get3A_476 = arith.index_cast %add3A_475 : i32 to index
        %get3A_477 = arith.constant 32 : index
        %get3A_478 = tpu.vector_load %arg10[%get3A_476, %get3A_477] {strides = array<i32>} : memref<80x128xf32, #tpu.memory_space<vmem>>, vector<1x16xf32>,
        %get3A_479 = vector.shape_cast %get3A_478 : vector<1x16xf32> to vector<16xf32>
        %mul3A_480 = vector.broadcast %squeeze3A_443 : f32 to vector<16xf32>
        %mul3A_481 = arith.mulf %get3A_479, %mul3A_480 : vector<16xf32>
        %add3A_482 = arith.constant 3 : i32
        %add3A_483 = arith.addi %mul3A_78, %add3A_482 : i32
        %swap3A_484 = arith.index_cast %add3A_483 : i32 to index
        %swap3A_485 = arith.constant 32 : index
        %swap3A_486 = tpu.vector_load %arg10[%swap3A_484, %swap3A_485] {strides = array<i32>} : memref<80x128xf32, #tpu.memory_space<vmem>>, vector<1x16xf32>,
        %swap3A_487 = vector.shape_cast %swap3A_486 : vector<1x16xf32> to vector<16xf32>
        %swap3A_488 = vector.shape_cast %mul3A_481 : vector<16xf32> to vector<1x16xf32>
        tpu.vector_store %arg10[%swap3A_484, %swap3A_485], %swap3A_488 {strides = array<i32>} : memref<80x128xf32, #tpu.memory_space<vmem>>, vector<1x16xf32>,
        %add3A_489 = arith.constant 3 : i32
        %add3A_490 = arith.addi %mul3A_78, %add3A_489 : i32
        %get3A_491 = arith.index_cast %add3A_490 : i32 to index
        %get3A_492 = arith.constant 48 : index
        %get3A_493 = tpu.vector_load %arg10[%get3A_491, %get3A_492] {strides = array<i32>} : memref<80x128xf32, #tpu.memory_space<vmem>>, vector<1x16xf32>,
        %get3A_494 = vector.shape_cast %get3A_493 : vector<1x16xf32> to vector<16xf32>
        %mul3A_495 = vector.broadcast %squeeze3A_443 : f32 to vector<16xf32>
        %mul3A_496 = arith.mulf %get3A_494, %mul3A_495 : vector<16xf32>
        %add3A_497 = arith.constant 3 : i32
        %add3A_498 = arith.addi %mul3A_78, %add3A_497 : i32
        %swap3A_499 = arith.index_cast %add3A_498 : i32 to index
        %swap3A_500 = arith.constant 48 : index
        %swap3A_501 = tpu.vector_load %arg10[%swap3A_499, %swap3A_500] {strides = array<i32>} : memref<80x128xf32, #tpu.memory_space<vmem>>, vector<1x16xf32>,
        %swap3A_502 = vector.shape_cast %swap3A_501 : vector<1x16xf32> to vector<16xf32>
        %swap3A_503 = vector.shape_cast %mul3A_496 : vector<16xf32> to vector<1x16xf32>
        tpu.vector_store %arg10[%swap3A_499, %swap3A_500], %swap3A_503 {strides = array<i32>} : memref<80x128xf32, #tpu.memory_space<vmem>>, vector<1x16xf32>,
        %add3A_504 = arith.constant 3 : i32
        %add3A_505 = arith.addi %mul3A_78, %add3A_504 : i32
        %get3A_506 = arith.index_cast %add3A_505 : i32 to index
        %get3A_507 = arith.constant 64 : index
        %get3A_508 = tpu.vector_load %arg10[%get3A_506, %get3A_507] {strides = array<i32>} : memref<80x128xf32, #tpu.memory_space<vmem>>, vector<1x16xf32>,
        %get3A_509 = vector.shape_cast %get3A_508 : vector<1x16xf32> to vector<16xf32>
        %mul3A_510 = vector.broadcast %squeeze3A_443 : f32 to vector<16xf32>
        %mul3A_511 = arith.mulf %get3A_509, %mul3A_510 : vector<16xf32>
        %add3A_512 = arith.constant 3 : i32
        %add3A_513 = arith.addi %mul3A_78, %add3A_512 : i32
        %swap3A_514 = arith.index_cast %add3A_513 : i32 to index
        %swap3A_515 = arith.constant 64 : index
        %swap3A_516 = tpu.vector_load %arg10[%swap3A_514, %swap3A_515] {strides = array<i32>} : memref<80x128xf32, #tpu.memory_space<vmem>>, vector<1x16xf32>,
        %swap3A_517 = vector.shape_cast %swap3A_516 : vector<1x16xf32> to vector<16xf32>
        %swap3A_518 = vector.shape_cast %mul3A_511 : vector<16xf32> to vector<1x16xf32>
        tpu.vector_store %arg10[%swap3A_514, %swap3A_515], %swap3A_518 {strides = array<i32>} : memref<80x128xf32, #tpu.memory_space<vmem>>, vector<1x16xf32>,
        %add3A_519 = arith.constant 3 : i32
        %add3A_520 = arith.addi %mul3A_78, %add3A_519 : i32
        %get3A_521 = arith.index_cast %add3A_520 : i32 to index
        %get3A_522 = arith.constant 80 : index
        %get3A_523 = tpu.vector_load %arg10[%get3A_521, %get3A_522] {strides = array<i32>} : memref<80x128xf32, #tpu.memory_space<vmem>>, vector<1x16xf32>,
        %get3A_524 = vector.shape_cast %get3A_523 : vector<1x16xf32> to vector<16xf32>
        %mul3A_525 = vector.broadcast %squeeze3A_443 : f32 to vector<16xf32>
        %mul3A_526 = arith.mulf %get3A_524, %mul3A_525 : vector<16xf32>
        %add3A_527 = arith.constant 3 : i32
        %add3A_528 = arith.addi %mul3A_78, %add3A_527 : i32
        %swap3A_529 = arith.index_cast %add3A_528 : i32 to index
        %swap3A_530 = arith.constant 80 : index
        %swap3A_531 = tpu.vector_load %arg10[%swap3A_529, %swap3A_530] {strides = array<i32>} : memref<80x128xf32, #tpu.memory_space<vmem>>, vector<1x16xf32>,
        %swap3A_532 = vector.shape_cast %swap3A_531 : vector<1x16xf32> to vector<16xf32>
        %swap3A_533 = vector.shape_cast %mul3A_526 : vector<16xf32> to vector<1x16xf32>
        tpu.vector_store %arg10[%swap3A_529, %swap3A_530], %swap3A_533 {strides = array<i32>} : memref<80x128xf32, #tpu.memory_space<vmem>>, vector<1x16xf32>,
        %add3A_534 = arith.constant 3 : i32
        %add3A_535 = arith.addi %mul3A_78, %add3A_534 : i32
        %get3A_536 = arith.index_cast %add3A_535 : i32 to index
        %get3A_537 = arith.constant 96 : index
        %get3A_538 = tpu.vector_load %arg10[%get3A_536, %get3A_537] {strides = array<i32>} : memref<80x128xf32, #tpu.memory_space<vmem>>, vector<1x16xf32>,
        %get3A_539 = vector.shape_cast %get3A_538 : vector<1x16xf32> to vector<16xf32>
        %mul3A_540 = vector.broadcast %squeeze3A_443 : f32 to vector<16xf32>
        %mul3A_541 = arith.mulf %get3A_539, %mul3A_540 : vector<16xf32>
        %add3A_542 = arith.constant 3 : i32
        %add3A_543 = arith.addi %mul3A_78, %add3A_542 : i32
        %swap3A_544 = arith.index_cast %add3A_543 : i32 to index
        %swap3A_545 = arith.constant 96 : index
        %swap3A_546 = tpu.vector_load %arg10[%swap3A_544, %swap3A_545] {strides = array<i32>} : memref<80x128xf32, #tpu.memory_space<vmem>>, vector<1x16xf32>,
        %swap3A_547 = vector.shape_cast %swap3A_546 : vector<1x16xf32> to vector<16xf32>
        %swap3A_548 = vector.shape_cast %mul3A_541 : vector<16xf32> to vector<1x16xf32>
        tpu.vector_store %arg10[%swap3A_544, %swap3A_545], %swap3A_548 {strides = array<i32>} : memref<80x128xf32, #tpu.memory_space<vmem>>, vector<1x16xf32>,
        %add3A_549 = arith.constant 3 : i32
        %add3A_550 = arith.addi %mul3A_78, %add3A_549 : i32
        %get3A_551 = arith.index_cast %add3A_550 : i32 to index
        %get3A_552 = arith.constant 112 : index
        %get3A_553 = tpu.vector_load %arg10[%get3A_551, %get3A_552] {strides = array<i32>} : memref<80x128xf32, #tpu.memory_space<vmem>>, vector<1x16xf32>,
        %get3A_554 = vector.shape_cast %get3A_553 : vector<1x16xf32> to vector<16xf32>
        %mul3A_555 = vector.broadcast %squeeze3A_443 : f32 to vector<16xf32>
        %mul3A_556 = arith.mulf %get3A_554, %mul3A_555 : vector<16xf32>
        %add3A_557 = arith.constant 3 : i32
        %add3A_558 = arith.addi %mul3A_78, %add3A_557 : i32
        %swap3A_559 = arith.index_cast %add3A_558 : i32 to index
        %swap3A_560 = arith.constant 112 : index
        %swap3A_561 = tpu.vector_load %arg10[%swap3A_559, %swap3A_560] {strides = array<i32>} : memref<80x128xf32, #tpu.memory_space<vmem>>, vector<1x16xf32>,
        %swap3A_562 = vector.shape_cast %swap3A_561 : vector<1x16xf32> to vector<16xf32>
        %swap3A_563 = vector.shape_cast %mul3A_556 : vector<16xf32> to vector<1x16xf32>
        tpu.vector_store %arg10[%swap3A_559, %swap3A_560], %swap3A_563 {strides = array<i32>} : memref<80x128xf32, #tpu.memory_space<vmem>>, vector<1x16xf32>,
        %slice3A_564 = vector.extract_strided_slice %mul3A_76 {offsets = [4], sizes = [1], strides = [1]} : vector<16xf32> to vector<1xf32>
        %squeeze3A_565 = vector.extract %slice3A_564[0] : f32 from vector<1xf32>
        %add3A_566 = arith.constant 4 : i32
        %add3A_567 = arith.addi %mul3A_78, %add3A_566 : i32
        %get3A_568 = arith.index_cast %add3A_567 : i32 to index
        %get3A_569 = arith.constant 0 : index
        %get3A_570 = tpu.vector_load %arg10[%get3A_568, %get3A_569] {strides = array<i32>} : memref<80x128xf32, #tpu.memory_space<vmem>>, vector<1x16xf32>,
        %get3A_571 = vector.shape_cast %get3A_570 : vector<1x16xf32> to vector<16xf32>
        %mul3A_572 = vector.broadcast %squeeze3A_565 : f32 to vector<16xf32>
        %mul3A_573 = arith.mulf %get3A_571, %mul3A_572 : vector<16xf32>
        %add3A_574 = arith.constant 4 : i32
        %add3A_575 = arith.addi %mul3A_78, %add3A_574 : i32
        %swap3A_576 = arith.index_cast %add3A_575 : i32 to index
        %swap3A_577 = arith.constant 0 : index
        %swap3A_578 = tpu.vector_load %arg10[%swap3A_576, %swap3A_577] {strides = array<i32>} : memref<80x128xf32, #tpu.memory_space<vmem>>, vector<1x16xf32>,
        %swap3A_579 = vector.shape_cast %swap3A_578 : vector<1x16xf32> to vector<16xf32>
        %swap3A_580 = vector.shape_cast %mul3A_573 : vector<16xf32> to vector<1x16xf32>
        tpu.vector_store %arg10[%swap3A_576, %swap3A_577], %swap3A_580 {strides = array<i32>} : memref<80x128xf32, #tpu.memory_space<vmem>>, vector<1x16xf32>,
        %add3A_581 = arith.constant 4 : i32
        %add3A_582 = arith.addi %mul3A_78, %add3A_581 : i32
        %get3A_583 = arith.index_cast %add3A_582 : i32 to index
        %get3A_584 = arith.constant 16 : index
        %get3A_585 = tpu.vector_load %arg10[%get3A_583, %get3A_584] {strides = array<i32>} : memref<80x128xf32, #tpu.memory_space<vmem>>, vector<1x16xf32>,
        %get3A_586 = vector.shape_cast %get3A_585 : vector<1x16xf32> to vector<16xf32>
        %mul3A_587 = vector.broadcast %squeeze3A_565 : f32 to vector<16xf32>
        %mul3A_588 = arith.mulf %get3A_586, %mul3A_587 : vector<16xf32>
        %add3A_589 = arith.constant 4 : i32
        %add3A_590 = arith.addi %mul3A_78, %add3A_589 : i32
        %swap3A_591 = arith.index_cast %add3A_590 : i32 to index
        %swap3A_592 = arith.constant 16 : index
        %swap3A_593 = tpu.vector_load %arg10[%swap3A_591, %swap3A_592] {strides = array<i32>} : memref<80x128xf32, #tpu.memory_space<vmem>>, vector<1x16xf32>,
        %swap3A_594 = vector.shape_cast %swap3A_593 : vector<1x16xf32> to vector<16xf32>
        %swap3A_595 = vector.shape_cast %mul3A_588 : vector<16xf32> to vector<1x16xf32>
        tpu.vector_store %arg10[%swap3A_591, %swap3A_592], %swap3A_595 {strides = array<i32>} : memref<80x128xf32, #tpu.memory_space<vmem>>, vector<1x16xf32>,
        %add3A_596 = arith.constant 4 : i32
        %add3A_597 = arith.addi %mul3A_78, %add3A_596 : i32
        %get3A_598 = arith.index_cast %add3A_597 : i32 to index
        %get3A_599 = arith.constant 32 : index
        %get3A_600 = tpu.vector_load %arg10[%get3A_598, %get3A_599] {strides = array<i32>} : memref<80x128xf32, #tpu.memory_space<vmem>>, vector<1x16xf32>,
        %get3A_601 = vector.shape_cast %get3A_600 : vector<1x16xf32> to vector<16xf32>
        %mul3A_602 = vector.broadcast %squeeze3A_565 : f32 to vector<16xf32>
        %mul3A_603 = arith.mulf %get3A_601, %mul3A_602 : vector<16xf32>
        %add3A_604 = arith.constant 4 : i32
        %add3A_605 = arith.addi %mul3A_78, %add3A_604 : i32
        %swap3A_606 = arith.index_cast %add3A_605 : i32 to index
        %swap3A_607 = arith.constant 32 : index
        %swap3A_608 = tpu.vector_load %arg10[%swap3A_606, %swap3A_607] {strides = array<i32>} : memref<80x128xf32, #tpu.memory_space<vmem>>, vector<1x16xf32>,
        %swap3A_609 = vector.shape_cast %swap3A_608 : vector<1x16xf32> to vector<16xf32>
        %swap3A_610 = vector.shape_cast %mul3A_603 : vector<16xf32> to vector<1x16xf32>
        tpu.vector_store %arg10[%swap3A_606, %swap3A_607], %swap3A_610 {strides = array<i32>} : memref<80x128xf32, #tpu.memory_space<vmem>>, vector<1x16xf32>,
        %add3A_611 = arith.constant 4 : i32
        %add3A_612 = arith.addi %mul3A_78, %add3A_611 : i32
        %get3A_613 = arith.index_cast %add3A_612 : i32 to index
        %get3A_614 = arith.constant 48 : index
        %get3A_615 = tpu.vector_load %arg10[%get3A_613, %get3A_614] {strides = array<i32>} : memref<80x128xf32, #tpu.memory_space<vmem>>, vector<1x16xf32>,
        %get3A_616 = vector.shape_cast %get3A_615 : vector<1x16xf32> to vector<16xf32>
        %mul3A_617 = vector.broadcast %squeeze3A_565 : f32 to vector<16xf32>
        %mul3A_618 = arith.mulf %get3A_616, %mul3A_617 : vector<16xf32>
        %add3A_619 = arith.constant 4 : i32
        %add3A_620 = arith.addi %mul3A_78, %add3A_619 : i32
        %swap3A_621 = arith.index_cast %add3A_620 : i32 to index
        %swap3A_622 = arith.constant 48 : index
        %swap3A_623 = tpu.vector_load %arg10[%swap3A_621, %swap3A_622] {strides = array<i32>} : memref<80x128xf32, #tpu.memory_space<vmem>>, vector<1x16xf32>,
        %swap3A_624 = vector.shape_cast %swap3A_623 : vector<1x16xf32> to vector<16xf32>
        %swap3A_625 = vector.shape_cast %mul3A_618 : vector<16xf32> to vector<1x16xf32>
        tpu.vector_store %arg10[%swap3A_621, %swap3A_622], %swap3A_625 {strides = array<i32>} : memref<80x128xf32, #tpu.memory_space<vmem>>, vector<1x16xf32>,
        %add3A_626 = arith.constant 4 : i32
        %add3A_627 = arith.addi %mul3A_78, %add3A_626 : i32
        %get3A_628 = arith.index_cast %add3A_627 : i32 to index
        %get3A_629 = arith.constant 64 : index
        %get3A_630 = tpu.vector_load %arg10[%get3A_628, %get3A_629] {strides = array<i32>} : memref<80x128xf32, #tpu.memory_space<vmem>>, vector<1x16xf32>,
        %get3A_631 = vector.shape_cast %get3A_630 : vector<1x16xf32> to vector<16xf32>
        %mul3A_632 = vector.broadcast %squeeze3A_565 : f32 to vector<16xf32>
        %mul3A_633 = arith.mulf %get3A_631, %mul3A_632 : vector<16xf32>
        %add3A_634 = arith.constant 4 : i32
        %add3A_635 = arith.addi %mul3A_78, %add3A_634 : i32
        %swap3A_636 = arith.index_cast %add3A_635 : i32 to index
        %swap3A_637 = arith.constant 64 : index
        %swap3A_638 = tpu.vector_load %arg10[%swap3A_636, %swap3A_637] {strides = array<i32>} : memref<80x128xf32, #tpu.memory_space<vmem>>, vector<1x16xf32>,
        %swap3A_639 = vector.shape_cast %swap3A_638 : vector<1x16xf32> to vector<16xf32>
        %swap3A_640 = vector.shape_cast %mul3A_633 : vector<16xf32> to vector<1x16xf32>
        tpu.vector_store %arg10[%swap3A_636, %swap3A_637], %swap3A_640 {strides = array<i32>} : memref<80x128xf32, #tpu.memory_space<vmem>>, vector<1x16xf32>,
        %add3A_641 = arith.constant 4 : i32
        %add3A_642 = arith.addi %mul3A_78, %add3A_641 : i32
        %get3A_643 = arith.index_cast %add3A_642 : i32 to index
        %get3A_644 = arith.constant 80 : index
        %get3A_645 = tpu.vector_load %arg10[%get3A_643, %get3A_644] {strides = array<i32>} : memref<80x128xf32, #tpu.memory_space<vmem>>, vector<1x16xf32>,
        %get3A_646 = vector.shape_cast %get3A_645 : vector<1x16xf32> to vector<16xf32>
        %mul3A_647 = vector.broadcast %squeeze3A_565 : f32 to vector<16xf32>
        %mul3A_648 = arith.mulf %get3A_646, %mul3A_647 : vector<16xf32>
        %add3A_649 = arith.constant 4 : i32
        %add3A_650 = arith.addi %mul3A_78, %add3A_649 : i32
        %swap3A_651 = arith.index_cast %add3A_650 : i32 to index
        %swap3A_652 = arith.constant 80 : index
        %swap3A_653 = tpu.vector_load %arg10[%swap3A_651, %swap3A_652] {strides = array<i32>} : memref<80x128xf32, #tpu.memory_space<vmem>>, vector<1x16xf32>,
        %swap3A_654 = vector.shape_cast %swap3A_653 : vector<1x16xf32> to vector<16xf32>
        %swap3A_655 = vector.shape_cast %mul3A_648 : vector<16xf32> to vector<1x16xf32>
        tpu.vector_store %arg10[%swap3A_651, %swap3A_652], %swap3A_655 {strides = array<i32>} : memref<80x128xf32, #tpu.memory_space<vmem>>, vector<1x16xf32>,
        %add3A_656 = arith.constant 4 : i32
        %add3A_657 = arith.addi %mul3A_78, %add3A_656 : i32
        %get3A_658 = arith.index_cast %add3A_657 : i32 to index
        %get3A_659 = arith.constant 96 : index
        %get3A_660 = tpu.vector_load %arg10[%get3A_658, %get3A_659] {strides = array<i32>} : memref<80x128xf32, #tpu.memory_space<vmem>>, vector<1x16xf32>,
        %get3A_661 = vector.shape_cast %get3A_660 : vector<1x16xf32> to vector<16xf32>
        %mul3A_662 = vector.broadcast %squeeze3A_565 : f32 to vector<16xf32>
        %mul3A_663 = arith.mulf %get3A_661, %mul3A_662 : vector<16xf32>
        %add3A_664 = arith.constant 4 : i32
        %add3A_665 = arith.addi %mul3A_78, %add3A_664 : i32
        %swap3A_666 = arith.index_cast %add3A_665 : i32 to index
        %swap3A_667 = arith.constant 96 : index
        %swap3A_668 = tpu.vector_load %arg10[%swap3A_666, %swap3A_667] {strides = array<i32>} : memref<80x128xf32, #tpu.memory_space<vmem>>, vector<1x16xf32>,
        %swap3A_669 = vector.shape_cast %swap3A_668 : vector<1x16xf32> to vector<16xf32>
        %swap3A_670 = vector.shape_cast %mul3A_663 : vector<16xf32> to vector<1x16xf32>
        tpu.vector_store %arg10[%swap3A_666, %swap3A_667], %swap3A_670 {strides = array<i32>} : memref<80x128xf32, #tpu.memory_space<vmem>>, vector<1x16xf32>,
        %add3A_671 = arith.constant 4 : i32
        %add3A_672 = arith.addi %mul3A_78, %add3A_671 : i32
        %get3A_673 = arith.index_cast %add3A_672 : i32 to index
        %get3A_674 = arith.constant 112 : index
        %get3A_675 = tpu.vector_load %arg10[%get3A_673, %get3A_674] {strides = array<i32>} : memref<80x128xf32, #tpu.memory_space<vmem>>, vector<1x16xf32>,
        %get3A_676 = vector.shape_cast %get3A_675 : vector<1x16xf32> to vector<16xf32>
        %mul3A_677 = vector.broadcast %squeeze3A_565 : f32 to vector<16xf32>
        %mul3A_678 = arith.mulf %get3A_676, %mul3A_677 : vector<16xf32>
        %add3A_679 = arith.constant 4 : i32
        %add3A_680 = arith.addi %mul3A_78, %add3A_679 : i32
        %swap3A_681 = arith.index_cast %add3A_680 : i32 to index
        %swap3A_682 = arith.constant 112 : index
        %swap3A_683 = tpu.vector_load %arg10[%swap3A_681, %swap3A_682] {strides = array<i32>} : memref<80x128xf32, #tpu.memory_space<vmem>>, vector<1x16xf32>,
        %swap3A_684 = vector.shape_cast %swap3A_683 : vector<1x16xf32> to vector<16xf32>
        %swap3A_685 = vector.shape_cast %mul3A_678 : vector<16xf32> to vector<1x16xf32>
        tpu.vector_store %arg10[%swap3A_681, %swap3A_682], %swap3A_685 {strides = array<i32>} : memref<80x128xf32, #tpu.memory_space<vmem>>, vector<1x16xf32>,
        %slice3A_686 = vector.extract_strided_slice %mul3A_76 {offsets = [5], sizes = [1], strides = [1]} : vector<16xf32> to vector<1xf32>
        %squeeze3A_687 = vector.extract %slice3A_686[0] : f32 from vector<1xf32>
        %add3A_688 = arith.constant 5 : i32
        %add3A_689 = arith.addi %mul3A_78, %add3A_688 : i32
        %get3A_690 = arith.index_cast %add3A_689 : i32 to index
        %get3A_691 = arith.constant 0 : index
        %get3A_692 = tpu.vector_load %arg10[%get3A_690, %get3A_691] {strides = array<i32>} : memref<80x128xf32, #tpu.memory_space<vmem>>, vector<1x16xf32>,
        %get3A_693 = vector.shape_cast %get3A_692 : vector<1x16xf32> to vector<16xf32>
        %mul3A_694 = vector.broadcast %squeeze3A_687 : f32 to vector<16xf32>
        %mul3A_695 = arith.mulf %get3A_693, %mul3A_694 : vector<16xf32>
        %add3A_696 = arith.constant 5 : i32
        %add3A_697 = arith.addi %mul3A_78, %add3A_696 : i32
        %swap3A_698 = arith.index_cast %add3A_697 : i32 to index
        %swap3A_699 = arith.constant 0 : index
        %swap3A_700 = tpu.vector_load %arg10[%swap3A_698, %swap3A_699] {strides = array<i32>} : memref<80x128xf32, #tpu.memory_space<vmem>>, vector<1x16xf32>,
        %swap3A_701 = vector.shape_cast %swap3A_700 : vector<1x16xf32> to vector<16xf32>
        %swap3A_702 = vector.shape_cast %mul3A_695 : vector<16xf32> to vector<1x16xf32>
        tpu.vector_store %arg10[%swap3A_698, %swap3A_699], %swap3A_702 {strides = array<i32>} : memref<80x128xf32, #tpu.memory_space<vmem>>, vector<1x16xf32>,
        %add3A_703 = arith.constant 5 : i32
        %add3A_704 = arith.addi %mul3A_78, %add3A_703 : i32
        %get3A_705 = arith.index_cast %add3A_704 : i32 to index
        %get3A_706 = arith.constant 16 : index
        %get3A_707 = tpu.vector_load %arg10[%get3A_705, %get3A_706] {strides = array<i32>} : memref<80x128xf32, #tpu.memory_space<vmem>>, vector<1x16xf32>,
        %get3A_708 = vector.shape_cast %get3A_707 : vector<1x16xf32> to vector<16xf32>
        %mul3A_709 = vector.broadcast %squeeze3A_687 : f32 to vector<16xf32>
        %mul3A_710 = arith.mulf %get3A_708, %mul3A_709 : vector<16xf32>
        %add3A_711 = arith.constant 5 : i32
        %add3A_712 = arith.addi %mul3A_78, %add3A_711 : i32
        %swap3A_713 = arith.index_cast %add3A_712 : i32 to index
        %swap3A_714 = arith.constant 16 : index
        %swap3A_715 = tpu.vector_load %arg10[%swap3A_713, %swap3A_714] {strides = array<i32>} : memref<80x128xf32, #tpu.memory_space<vmem>>, vector<1x16xf32>,
        %swap3A_716 = vector.shape_cast %swap3A_715 : vector<1x16xf32> to vector<16xf32>
        %swap3A_717 = vector.shape_cast %mul3A_710 : vector<16xf32> to vector<1x16xf32>
        tpu.vector_store %arg10[%swap3A_713, %swap3A_714], %swap3A_717 {strides = array<i32>} : memref<80x128xf32, #tpu.memory_space<vmem>>, vector<1x16xf32>,
        %add3A_718 = arith.constant 5 : i32
        %add3A_719 = arith.addi %mul3A_78, %add3A_718 : i32
        %get3A_720 = arith.index_cast %add3A_719 : i32 to index
        %get3A_721 = arith.constant 32 : index
        %get3A_722 = tpu.vector_load %arg10[%get3A_720, %get3A_721] {strides = array<i32>} : memref<80x128xf32, #tpu.memory_space<vmem>>, vector<1x16xf32>,
        %get3A_723 = vector.shape_cast %get3A_722 : vector<1x16xf32> to vector<16xf32>
        %mul3A_724 = vector.broadcast %squeeze3A_687 : f32 to vector<16xf32>
        %mul3A_725 = arith.mulf %get3A_723, %mul3A_724 : vector<16xf32>
        %add3A_726 = arith.constant 5 : i32
        %add3A_727 = arith.addi %mul3A_78, %add3A_726 : i32
        %swap3A_728 = arith.index_cast %add3A_727 : i32 to index
        %swap3A_729 = arith.constant 32 : index
        %swap3A_730 = tpu.vector_load %arg10[%swap3A_728, %swap3A_729] {strides = array<i32>} : memref<80x128xf32, #tpu.memory_space<vmem>>, vector<1x16xf32>,
        %swap3A_731 = vector.shape_cast %swap3A_730 : vector<1x16xf32> to vector<16xf32>
        %swap3A_732 = vector.shape_cast %mul3A_725 : vector<16xf32> to vector<1x16xf32>
        tpu.vector_store %arg10[%swap3A_728, %swap3A_729], %swap3A_732 {strides = array<i32>} : memref<80x128xf32, #tpu.memory_space<vmem>>, vector<1x16xf32>,
        %add3A_733 = arith.constant 5 : i32
        %add3A_734 = arith.addi %mul3A_78, %add3A_733 : i32
        %get3A_735 = arith.index_cast %add3A_734 : i32 to index
        %get3A_736 = arith.constant 48 : index
        %get3A_737 = tpu.vector_load %arg10[%get3A_735, %get3A_736] {strides = array<i32>} : memref<80x128xf32, #tpu.memory_space<vmem>>, vector<1x16xf32>,
        %get3A_738 = vector.shape_cast %get3A_737 : vector<1x16xf32> to vector<16xf32>
        %mul3A_739 = vector.broadcast %squeeze3A_687 : f32 to vector<16xf32>
        %mul3A_740 = arith.mulf %get3A_738, %mul3A_739 : vector<16xf32>
        %add3A_741 = arith.constant 5 : i32
        %add3A_742 = arith.addi %mul3A_78, %add3A_741 : i32
        %swap3A_743 = arith.index_cast %add3A_742 : i32 to index
        %swap3A_744 = arith.constant 48 : index
        %swap3A_745 = tpu.vector_load %arg10[%swap3A_743, %swap3A_744] {strides = array<i32>} : memref<80x128xf32, #tpu.memory_space<vmem>>, vector<1x16xf32>,
        %swap3A_746 = vector.shape_cast %swap3A_745 : vector<1x16xf32> to vector<16xf32>
        %swap3A_747 = vector.shape_cast %mul3A_740 : vector<16xf32> to vector<1x16xf32>
        tpu.vector_store %arg10[%swap3A_743, %swap3A_744], %swap3A_747 {strides = array<i32>} : memref<80x128xf32, #tpu.memory_space<vmem>>, vector<1x16xf32>,
        %add3A_748 = arith.constant 5 : i32
        %add3A_749 = arith.addi %mul3A_78, %add3A_748 : i32
        %get3A_750 = arith.index_cast %add3A_749 : i32 to index
        %get3A_751 = arith.constant 64 : index
        %get3A_752 = tpu.vector_load %arg10[%get3A_750, %get3A_751] {strides = array<i32>} : memref<80x128xf32, #tpu.memory_space<vmem>>, vector<1x16xf32>,
        %get3A_753 = vector.shape_cast %get3A_752 : vector<1x16xf32> to vector<16xf32>
        %mul3A_754 = vector.broadcast %squeeze3A_687 : f32 to vector<16xf32>
        %mul3A_755 = arith.mulf %get3A_753, %mul3A_754 : vector<16xf32>
        %add3A_756 = arith.constant 5 : i32
        %add3A_757 = arith.addi %mul3A_78, %add3A_756 : i32
        %swap3A_758 = arith.index_cast %add3A_757 : i32 to index
        %swap3A_759 = arith.constant 64 : index
        %swap3A_760 = tpu.vector_load %arg10[%swap3A_758, %swap3A_759] {strides = array<i32>} : memref<80x128xf32, #tpu.memory_space<vmem>>, vector<1x16xf32>,
        %swap3A_761 = vector.shape_cast %swap3A_760 : vector<1x16xf32> to vector<16xf32>
        %swap3A_762 = vector.shape_cast %mul3A_755 : vector<16xf32> to vector<1x16xf32>
        tpu.vector_store %arg10[%swap3A_758, %swap3A_759], %swap3A_762 {strides = array<i32>} : memref<80x128xf32, #tpu.memory_space<vmem>>, vector<1x16xf32>,
        %add3A_763 = arith.constant 5 : i32
        %add3A_764 = arith.addi %mul3A_78, %add3A_763 : i32
        %get3A_765 = arith.index_cast %add3A_764 : i32 to index
        %get3A_766 = arith.constant 80 : index
        %get3A_767 = tpu.vector_load %arg10[%get3A_765, %get3A_766] {strides = array<i32>} : memref<80x128xf32, #tpu.memory_space<vmem>>, vector<1x16xf32>,
        %get3A_768 = vector.shape_cast %get3A_767 : vector<1x16xf32> to vector<16xf32>
        %mul3A_769 = vector.broadcast %squeeze3A_687 : f32 to vector<16xf32>
        %mul3A_770 = arith.mulf %get3A_768, %mul3A_769 : vector<16xf32>
        %add3A_771 = arith.constant 5 : i32
        %add3A_772 = arith.addi %mul3A_78, %add3A_771 : i32
        %swap3A_773 = arith.index_cast %add3A_772 : i32 to index
        %swap3A_774 = arith.constant 80 : index
        %swap3A_775 = tpu.vector_load %arg10[%swap3A_773, %swap3A_774] {strides = array<i32>} : memref<80x128xf32, #tpu.memory_space<vmem>>, vector<1x16xf32>,
        %swap3A_776 = vector.shape_cast %swap3A_775 : vector<1x16xf32> to vector<16xf32>
        %swap3A_777 = vector.shape_cast %mul3A_770 : vector<16xf32> to vector<1x16xf32>
        tpu.vector_store %arg10[%swap3A_773, %swap3A_774], %swap3A_777 {strides = array<i32>} : memref<80x128xf32, #tpu.memory_space<vmem>>, vector<1x16xf32>,
        %add3A_778 = arith.constant 5 : i32
        %add3A_779 = arith.addi %mul3A_78, %add3A_778 : i32
        %get3A_780 = arith.index_cast %add3A_779 : i32 to index
        %get3A_781 = arith.constant 96 : index
        %get3A_782 = tpu.vector_load %arg10[%get3A_780, %get3A_781] {strides = array<i32>} : memref<80x128xf32, #tpu.memory_space<vmem>>, vector<1x16xf32>,
        %get3A_783 = vector.shape_cast %get3A_782 : vector<1x16xf32> to vector<16xf32>
        %mul3A_784 = vector.broadcast %squeeze3A_687 : f32 to vector<16xf32>
        %mul3A_785 = arith.mulf %get3A_783, %mul3A_784 : vector<16xf32>
        %add3A_786 = arith.constant 5 : i32
        %add3A_787 = arith.addi %mul3A_78, %add3A_786 : i32
        %swap3A_788 = arith.index_cast %add3A_787 : i32 to index
        %swap3A_789 = arith.constant 96 : index
        %swap3A_790 = tpu.vector_load %arg10[%swap3A_788, %swap3A_789] {strides = array<i32>} : memref<80x128xf32, #tpu.memory_space<vmem>>, vector<1x16xf32>,
        %swap3A_791 = vector.shape_cast %swap3A_790 : vector<1x16xf32> to vector<16xf32>
        %swap3A_792 = vector.shape_cast %mul3A_785 : vector<16xf32> to vector<1x16xf32>
        tpu.vector_store %arg10[%swap3A_788, %swap3A_789], %swap3A_792 {strides = array<i32>} : memref<80x128xf32, #tpu.memory_space<vmem>>, vector<1x16xf32>,
        %add3A_793 = arith.constant 5 : i32
        %add3A_794 = arith.addi %mul3A_78, %add3A_793 : i32
        %get3A_795 = arith.index_cast %add3A_794 : i32 to index
        %get3A_796 = arith.constant 112 : index
        %get3A_797 = tpu.vector_load %arg10[%get3A_795, %get3A_796] {strides = array<i32>} : memref<80x128xf32, #tpu.memory_space<vmem>>, vector<1x16xf32>,
        %get3A_798 = vector.shape_cast %get3A_797 : vector<1x16xf32> to vector<16xf32>
        %mul3A_799 = vector.broadcast %squeeze3A_687 : f32 to vector<16xf32>
        %mul3A_800 = arith.mulf %get3A_798, %mul3A_799 : vector<16xf32>
        %add3A_801 = arith.constant 5 : i32
        %add3A_802 = arith.addi %mul3A_78, %add3A_801 : i32
        %swap3A_803 = arith.index_cast %add3A_802 : i32 to index
        %swap3A_804 = arith.constant 112 : index
        %swap3A_805 = tpu.vector_load %arg10[%swap3A_803, %swap3A_804] {strides = array<i32>} : memref<80x128xf32, #tpu.memory_space<vmem>>, vector<1x16xf32>,
        %swap3A_806 = vector.shape_cast %swap3A_805 : vector<1x16xf32> to vector<16xf32>
        %swap3A_807 = vector.shape_cast %mul3A_800 : vector<16xf32> to vector<1x16xf32>
        tpu.vector_store %arg10[%swap3A_803, %swap3A_804], %swap3A_807 {strides = array<i32>} : memref<80x128xf32, #tpu.memory_space<vmem>>, vector<1x16xf32>,
        %slice3A_808 = vector.extract_strided_slice %mul3A_76 {offsets = [6], sizes = [1], strides = [1]} : vector<16xf32> to vector<1xf32>
        %squeeze3A_809 = vector.extract %slice3A_808[0] : f32 from vector<1xf32>
        %add3A_810 = arith.constant 6 : i32
        %add3A_811 = arith.addi %mul3A_78, %add3A_810 : i32
        %get3A_812 = arith.index_cast %add3A_811 : i32 to index
        %get3A_813 = arith.constant 0 : index
        %get3A_814 = tpu.vector_load %arg10[%get3A_812, %get3A_813] {strides = array<i32>} : memref<80x128xf32, #tpu.memory_space<vmem>>, vector<1x16xf32>,
        %get3A_815 = vector.shape_cast %get3A_814 : vector<1x16xf32> to vector<16xf32>
        %mul3A_816 = vector.broadcast %squeeze3A_809 : f32 to vector<16xf32>
        %mul3A_817 = arith.mulf %get3A_815, %mul3A_816 : vector<16xf32>
        %add3A_818 = arith.constant 6 : i32
        %add3A_819 = arith.addi %mul3A_78, %add3A_818 : i32
        %swap3A_820 = arith.index_cast %add3A_819 : i32 to index
        %swap3A_821 = arith.constant 0 : index
        %swap3A_822 = tpu.vector_load %arg10[%swap3A_820, %swap3A_821] {strides = array<i32>} : memref<80x128xf32, #tpu.memory_space<vmem>>, vector<1x16xf32>,
        %swap3A_823 = vector.shape_cast %swap3A_822 : vector<1x16xf32> to vector<16xf32>
        %swap3A_824 = vector.shape_cast %mul3A_817 : vector<16xf32> to vector<1x16xf32>
        tpu.vector_store %arg10[%swap3A_820, %swap3A_821], %swap3A_824 {strides = array<i32>} : memref<80x128xf32, #tpu.memory_space<vmem>>, vector<1x16xf32>,
        %add3A_825 = arith.constant 6 : i32
        %add3A_826 = arith.addi %mul3A_78, %add3A_825 : i32
        %get3A_827 = arith.index_cast %add3A_826 : i32 to index
        %get3A_828 = arith.constant 16 : index
        %get3A_829 = tpu.vector_load %arg10[%get3A_827, %get3A_828] {strides = array<i32>} : memref<80x128xf32, #tpu.memory_space<vmem>>, vector<1x16xf32>,
        %get3A_830 = vector.shape_cast %get3A_829 : vector<1x16xf32> to vector<16xf32>
        %mul3A_831 = vector.broadcast %squeeze3A_809 : f32 to vector<16xf32>
        %mul3A_832 = arith.mulf %get3A_830, %mul3A_831 : vector<16xf32>
        %add3A_833 = arith.constant 6 : i32
        %add3A_834 = arith.addi %mul3A_78, %add3A_833 : i32
        %swap3A_835 = arith.index_cast %add3A_834 : i32 to index
        %swap3A_836 = arith.constant 16 : index
        %swap3A_837 = tpu.vector_load %arg10[%swap3A_835, %swap3A_836] {strides = array<i32>} : memref<80x128xf32, #tpu.memory_space<vmem>>, vector<1x16xf32>,
        %swap3A_838 = vector.shape_cast %swap3A_837 : vector<1x16xf32> to vector<16xf32>
        %swap3A_839 = vector.shape_cast %mul3A_832 : vector<16xf32> to vector<1x16xf32>
        tpu.vector_store %arg10[%swap3A_835, %swap3A_836], %swap3A_839 {strides = array<i32>} : memref<80x128xf32, #tpu.memory_space<vmem>>, vector<1x16xf32>,
        %add3A_840 = arith.constant 6 : i32
        %add3A_841 = arith.addi %mul3A_78, %add3A_840 : i32
        %get3A_842 = arith.index_cast %add3A_841 : i32 to index
        %get3A_843 = arith.constant 32 : index
        %get3A_844 = tpu.vector_load %arg10[%get3A_842, %get3A_843] {strides = array<i32>} : memref<80x128xf32, #tpu.memory_space<vmem>>, vector<1x16xf32>,
        %get3A_845 = vector.shape_cast %get3A_844 : vector<1x16xf32> to vector<16xf32>
        %mul3A_846 = vector.broadcast %squeeze3A_809 : f32 to vector<16xf32>
        %mul3A_847 = arith.mulf %get3A_845, %mul3A_846 : vector<16xf32>
        %add3A_848 = arith.constant 6 : i32
        %add3A_849 = arith.addi %mul3A_78, %add3A_848 : i32
        %swap3A_850 = arith.index_cast %add3A_849 : i32 to index
        %swap3A_851 = arith.constant 32 : index
        %swap3A_852 = tpu.vector_load %arg10[%swap3A_850, %swap3A_851] {strides = array<i32>} : memref<80x128xf32, #tpu.memory_space<vmem>>, vector<1x16xf32>,
        %swap3A_853 = vector.shape_cast %swap3A_852 : vector<1x16xf32> to vector<16xf32>
        %swap3A_854 = vector.shape_cast %mul3A_847 : vector<16xf32> to vector<1x16xf32>
        tpu.vector_store %arg10[%swap3A_850, %swap3A_851], %swap3A_854 {strides = array<i32>} : memref<80x128xf32, #tpu.memory_space<vmem>>, vector<1x16xf32>,
        %add3A_855 = arith.constant 6 : i32
        %add3A_856 = arith.addi %mul3A_78, %add3A_855 : i32
        %get3A_857 = arith.index_cast %add3A_856 : i32 to index
        %get3A_858 = arith.constant 48 : index
        %get3A_859 = tpu.vector_load %arg10[%get3A_857, %get3A_858] {strides = array<i32>} : memref<80x128xf32, #tpu.memory_space<vmem>>, vector<1x16xf32>,
        %get3A_860 = vector.shape_cast %get3A_859 : vector<1x16xf32> to vector<16xf32>
        %mul3A_861 = vector.broadcast %squeeze3A_809 : f32 to vector<16xf32>
        %mul3A_862 = arith.mulf %get3A_860, %mul3A_861 : vector<16xf32>
        %add3A_863 = arith.constant 6 : i32
        %add3A_864 = arith.addi %mul3A_78, %add3A_863 : i32
        %swap3A_865 = arith.index_cast %add3A_864 : i32 to index
        %swap3A_866 = arith.constant 48 : index
        %swap3A_867 = tpu.vector_load %arg10[%swap3A_865, %swap3A_866] {strides = array<i32>} : memref<80x128xf32, #tpu.memory_space<vmem>>, vector<1x16xf32>,
        %swap3A_868 = vector.shape_cast %swap3A_867 : vector<1x16xf32> to vector<16xf32>
        %swap3A_869 = vector.shape_cast %mul3A_862 : vector<16xf32> to vector<1x16xf32>
        tpu.vector_store %arg10[%swap3A_865, %swap3A_866], %swap3A_869 {strides = array<i32>} : memref<80x128xf32, #tpu.memory_space<vmem>>, vector<1x16xf32>,
        %add3A_870 = arith.constant 6 : i32
        %add3A_871 = arith.addi %mul3A_78, %add3A_870 : i32
        %get3A_872 = arith.index_cast %add3A_871 : i32 to index
        %get3A_873 = arith.constant 64 : index
        %get3A_874 = tpu.vector_load %arg10[%get3A_872, %get3A_873] {strides = array<i32>} : memref<80x128xf32, #tpu.memory_space<vmem>>, vector<1x16xf32>,
        %get3A_875 = vector.shape_cast %get3A_874 : vector<1x16xf32> to vector<16xf32>
        %mul3A_876 = vector.broadcast %squeeze3A_809 : f32 to vector<16xf32>
        %mul3A_877 = arith.mulf %get3A_875, %mul3A_876 : vector<16xf32>
        %add3A_878 = arith.constant 6 : i32
        %add3A_879 = arith.addi %mul3A_78, %add3A_878 : i32
        %swap3A_880 = arith.index_cast %add3A_879 : i32 to index
        %swap3A_881 = arith.constant 64 : index
        %swap3A_882 = tpu.vector_load %arg10[%swap3A_880, %swap3A_881] {strides = array<i32>} : memref<80x128xf32, #tpu.memory_space<vmem>>, vector<1x16xf32>,
        %swap3A_883 = vector.shape_cast %swap3A_882 : vector<1x16xf32> to vector<16xf32>
        %swap3A_884 = vector.shape_cast %mul3A_877 : vector<16xf32> to vector<1x16xf32>
        tpu.vector_store %arg10[%swap3A_880, %swap3A_881], %swap3A_884 {strides = array<i32>} : memref<80x128xf32, #tpu.memory_space<vmem>>, vector<1x16xf32>,
        %add3A_885 = arith.constant 6 : i32
        %add3A_886 = arith.addi %mul3A_78, %add3A_885 : i32
        %get3A_887 = arith.index_cast %add3A_886 : i32 to index
        %get3A_888 = arith.constant 80 : index
        %get3A_889 = tpu.vector_load %arg10[%get3A_887, %get3A_888] {strides = array<i32>} : memref<80x128xf32, #tpu.memory_space<vmem>>, vector<1x16xf32>,
        %get3A_890 = vector.shape_cast %get3A_889 : vector<1x16xf32> to vector<16xf32>
        %mul3A_891 = vector.broadcast %squeeze3A_809 : f32 to vector<16xf32>
        %mul3A_892 = arith.mulf %get3A_890, %mul3A_891 : vector<16xf32>
        %add3A_893 = arith.constant 6 : i32
        %add3A_894 = arith.addi %mul3A_78, %add3A_893 : i32
        %swap3A_895 = arith.index_cast %add3A_894 : i32 to index
        %swap3A_896 = arith.constant 80 : index
        %swap3A_897 = tpu.vector_load %arg10[%swap3A_895, %swap3A_896] {strides = array<i32>} : memref<80x128xf32, #tpu.memory_space<vmem>>, vector<1x16xf32>,
        %swap3A_898 = vector.shape_cast %swap3A_897 : vector<1x16xf32> to vector<16xf32>
        %swap3A_899 = vector.shape_cast %mul3A_892 : vector<16xf32> to vector<1x16xf32>
        tpu.vector_store %arg10[%swap3A_895, %swap3A_896], %swap3A_899 {strides = array<i32>} : memref<80x128xf32, #tpu.memory_space<vmem>>, vector<1x16xf32>,
        %add3A_900 = arith.constant 6 : i32
        %add3A_901 = arith.addi %mul3A_78, %add3A_900 : i32
        %get3A_902 = arith.index_cast %add3A_901 : i32 to index
        %get3A_903 = arith.constant 96 : index
        %get3A_904 = tpu.vector_load %arg10[%get3A_902, %get3A_903] {strides = array<i32>} : memref<80x128xf32, #tpu.memory_space<vmem>>, vector<1x16xf32>,
        %get3A_905 = vector.shape_cast %get3A_904 : vector<1x16xf32> to vector<16xf32>
        %mul3A_906 = vector.broadcast %squeeze3A_809 : f32 to vector<16xf32>
        %mul3A_907 = arith.mulf %get3A_905, %mul3A_906 : vector<16xf32>
        %add3A_908 = arith.constant 6 : i32
        %add3A_909 = arith.addi %mul3A_78, %add3A_908 : i32
        %swap3A_910 = arith.index_cast %add3A_909 : i32 to index
        %swap3A_911 = arith.constant 96 : index
        %swap3A_912 = tpu.vector_load %arg10[%swap3A_910, %swap3A_911] {strides = array<i32>} : memref<80x128xf32, #tpu.memory_space<vmem>>, vector<1x16xf32>,
        %swap3A_913 = vector.shape_cast %swap3A_912 : vector<1x16xf32> to vector<16xf32>
        %swap3A_914 = vector.shape_cast %mul3A_907 : vector<16xf32> to vector<1x16xf32>
        tpu.vector_store %arg10[%swap3A_910, %swap3A_911], %swap3A_914 {strides = array<i32>} : memref<80x128xf32, #tpu.memory_space<vmem>>, vector<1x16xf32>,
        %add3A_915 = arith.constant 6 : i32
        %add3A_916 = arith.addi %mul3A_78, %add3A_915 : i32
        %get3A_917 = arith.index_cast %add3A_916 : i32 to index
        %get3A_918 = arith.constant 112 : index
        %get3A_919 = tpu.vector_load %arg10[%get3A_917, %get3A_918] {strides = array<i32>} : memref<80x128xf32, #tpu.memory_space<vmem>>, vector<1x16xf32>,
        %get3A_920 = vector.shape_cast %get3A_919 : vector<1x16xf32> to vector<16xf32>
        %mul3A_921 = vector.broadcast %squeeze3A_809 : f32 to vector<16xf32>
        %mul3A_922 = arith.mulf %get3A_920, %mul3A_921 : vector<16xf32>
        %add3A_923 = arith.constant 6 : i32
        %add3A_924 = arith.addi %mul3A_78, %add3A_923 : i32
        %swap3A_925 = arith.index_cast %add3A_924 : i32 to index
        %swap3A_926 = arith.constant 112 : index
        %swap3A_927 = tpu.vector_load %arg10[%swap3A_925, %swap3A_926] {strides = array<i32>} : memref<80x128xf32, #tpu.memory_space<vmem>>, vector<1x16xf32>,
        %swap3A_928 = vector.shape_cast %swap3A_927 : vector<1x16xf32> to vector<16xf32>
        %swap3A_929 = vector.shape_cast %mul3A_922 : vector<16xf32> to vector<1x16xf32>
        tpu.vector_store %arg10[%swap3A_925, %swap3A_926], %swap3A_929 {strides = array<i32>} : memref<80x128xf32, #tpu.memory_space<vmem>>, vector<1x16xf32>,
        %slice3A_930 = vector.extract_strided_slice %mul3A_76 {offsets = [7], sizes = [1], strides = [1]} : vector<16xf32> to vector<1xf32>
        %squeeze3A_931 = vector.extract %slice3A_930[0] : f32 from vector<1xf32>
        %add3A_932 = arith.constant 7 : i32
        %add3A_933 = arith.addi %mul3A_78, %add3A_932 : i32
        %get3A_934 = arith.index_cast %add3A_933 : i32 to index
        %get3A_935 = arith.constant 0 : index
        %get3A_936 = tpu.vector_load %arg10[%get3A_934, %get3A_935] {strides = array<i32>} : memref<80x128xf32, #tpu.memory_space<vmem>>, vector<1x16xf32>,
        %get3A_937 = vector.shape_cast %get3A_936 : vector<1x16xf32> to vector<16xf32>
        %mul3A_938 = vector.broadcast %squeeze3A_931 : f32 to vector<16xf32>
        %mul3A_939 = arith.mulf %get3A_937, %mul3A_938 : vector<16xf32>
        %add3A_940 = arith.constant 7 : i32
        %add3A_941 = arith.addi %mul3A_78, %add3A_940 : i32
        %swap3A_942 = arith.index_cast %add3A_941 : i32 to index
        %swap3A_943 = arith.constant 0 : index
        %swap3A_944 = tpu.vector_load %arg10[%swap3A_942, %swap3A_943] {strides = array<i32>} : memref<80x128xf32, #tpu.memory_space<vmem>>, vector<1x16xf32>,
        %swap3A_945 = vector.shape_cast %swap3A_944 : vector<1x16xf32> to vector<16xf32>
        %swap3A_946 = vector.shape_cast %mul3A_939 : vector<16xf32> to vector<1x16xf32>
        tpu.vector_store %arg10[%swap3A_942, %swap3A_943], %swap3A_946 {strides = array<i32>} : memref<80x128xf32, #tpu.memory_space<vmem>>, vector<1x16xf32>,
        %add3A_947 = arith.constant 7 : i32
        %add3A_948 = arith.addi %mul3A_78, %add3A_947 : i32
        %get3A_949 = arith.index_cast %add3A_948 : i32 to index
        %get3A_950 = arith.constant 16 : index
        %get3A_951 = tpu.vector_load %arg10[%get3A_949, %get3A_950] {strides = array<i32>} : memref<80x128xf32, #tpu.memory_space<vmem>>, vector<1x16xf32>,
        %get3A_952 = vector.shape_cast %get3A_951 : vector<1x16xf32> to vector<16xf32>
        %mul3A_953 = vector.broadcast %squeeze3A_931 : f32 to vector<16xf32>
        %mul3A_954 = arith.mulf %get3A_952, %mul3A_953 : vector<16xf32>
        %add3A_955 = arith.constant 7 : i32
        %add3A_956 = arith.addi %mul3A_78, %add3A_955 : i32
        %swap3A_957 = arith.index_cast %add3A_956 : i32 to index
        %swap3A_958 = arith.constant 16 : index
        %swap3A_959 = tpu.vector_load %arg10[%swap3A_957, %swap3A_958] {strides = array<i32>} : memref<80x128xf32, #tpu.memory_space<vmem>>, vector<1x16xf32>,
        %swap3A_960 = vector.shape_cast %swap3A_959 : vector<1x16xf32> to vector<16xf32>
        %swap3A_961 = vector.shape_cast %mul3A_954 : vector<16xf32> to vector<1x16xf32>
        tpu.vector_store %arg10[%swap3A_957, %swap3A_958], %swap3A_961 {strides = array<i32>} : memref<80x128xf32, #tpu.memory_space<vmem>>, vector<1x16xf32>,
        %add3A_962 = arith.constant 7 : i32
        %add3A_963 = arith.addi %mul3A_78, %add3A_962 : i32
        %get3A_964 = arith.index_cast %add3A_963 : i32 to index
        %get3A_965 = arith.constant 32 : index
        %get3A_966 = tpu.vector_load %arg10[%get3A_964, %get3A_965] {strides = array<i32>} : memref<80x128xf32, #tpu.memory_space<vmem>>, vector<1x16xf32>,
        %get3A_967 = vector.shape_cast %get3A_966 : vector<1x16xf32> to vector<16xf32>
        %mul3A_968 = vector.broadcast %squeeze3A_931 : f32 to vector<16xf32>
        %mul3A_969 = arith.mulf %get3A_967, %mul3A_968 : vector<16xf32>
        %add3A_970 = arith.constant 7 : i32
        %add3A_971 = arith.addi %mul3A_78, %add3A_970 : i32
        %swap3A_972 = arith.index_cast %add3A_971 : i32 to index
        %swap3A_973 = arith.constant 32 : index
        %swap3A_974 = tpu.vector_load %arg10[%swap3A_972, %swap3A_973] {strides = array<i32>} : memref<80x128xf32, #tpu.memory_space<vmem>>, vector<1x16xf32>,
        %swap3A_975 = vector.shape_cast %swap3A_974 : vector<1x16xf32> to vector<16xf32>
        %swap3A_976 = vector.shape_cast %mul3A_969 : vector<16xf32> to vector<1x16xf32>
        tpu.vector_store %arg10[%swap3A_972, %swap3A_973], %swap3A_976 {strides = array<i32>} : memref<80x128xf32, #tpu.memory_space<vmem>>, vector<1x16xf32>,
        %add3A_977 = arith.constant 7 : i32
        %add3A_978 = arith.addi %mul3A_78, %add3A_977 : i32
        %get3A_979 = arith.index_cast %add3A_978 : i32 to index
        %get3A_980 = arith.constant 48 : index
        %get3A_981 = tpu.vector_load %arg10[%get3A_979, %get3A_980] {strides = array<i32>} : memref<80x128xf32, #tpu.memory_space<vmem>>, vector<1x16xf32>,
        %get3A_982 = vector.shape_cast %get3A_981 : vector<1x16xf32> to vector<16xf32>
        %mul3A_983 = vector.broadcast %squeeze3A_931 : f32 to vector<16xf32>
        %mul3A_984 = arith.mulf %get3A_982, %mul3A_983 : vector<16xf32>
        %add3A_985 = arith.constant 7 : i32
        %add3A_986 = arith.addi %mul3A_78, %add3A_985 : i32
        %swap3A_987 = arith.index_cast %add3A_986 : i32 to index
        %swap3A_988 = arith.constant 48 : index
        %swap3A_989 = tpu.vector_load %arg10[%swap3A_987, %swap3A_988] {strides = array<i32>} : memref<80x128xf32, #tpu.memory_space<vmem>>, vector<1x16xf32>,
        %swap3A_990 = vector.shape_cast %swap3A_989 : vector<1x16xf32> to vector<16xf32>
        %swap3A_991 = vector.shape_cast %mul3A_984 : vector<16xf32> to vector<1x16xf32>
        tpu.vector_store %arg10[%swap3A_987, %swap3A_988], %swap3A_991 {strides = array<i32>} : memref<80x128xf32, #tpu.memory_space<vmem>>, vector<1x16xf32>,
        %add3A_992 = arith.constant 7 : i32
        %add3A_993 = arith.addi %mul3A_78, %add3A_992 : i32
        %get3A_994 = arith.index_cast %add3A_993 : i32 to index
        %get3A_995 = arith.constant 64 : index
        %get3A_996 = tpu.vector_load %arg10[%get3A_994, %get3A_995] {strides = array<i32>} : memref<80x128xf32, #tpu.memory_space<vmem>>, vector<1x16xf32>,
        %get3A_997 = vector.shape_cast %get3A_996 : vector<1x16xf32> to vector<16xf32>
        %mul3A_998 = vector.broadcast %squeeze3A_931 : f32 to vector<16xf32>
        %mul3A_999 = arith.mulf %get3A_997, %mul3A_998 : vector<16xf32>
        %add3A_1000 = arith.constant 7 : i32
        %add3A_1001 = arith.addi %mul3A_78, %add3A_1000 : i32
        %swap3A_1002 = arith.index_cast %add3A_1001 : i32 to index
        %swap3A_1003 = arith.constant 64 : index
        %swap3A_1004 = tpu.vector_load %arg10[%swap3A_1002, %swap3A_1003] {strides = array<i32>} : memref<80x128xf32, #tpu.memory_space<vmem>>, vector<1x16xf32>,
        %swap3A_1005 = vector.shape_cast %swap3A_1004 : vector<1x16xf32> to vector<16xf32>
        %swap3A_1006 = vector.shape_cast %mul3A_999 : vector<16xf32> to vector<1x16xf32>
        tpu.vector_store %arg10[%swap3A_1002, %swap3A_1003], %swap3A_1006 {strides = array<i32>} : memref<80x128xf32, #tpu.memory_space<vmem>>, vector<1x16xf32>,
        %add3A_1007 = arith.constant 7 : i32
        %add3A_1008 = arith.addi %mul3A_78, %add3A_1007 : i32
        %get3A_1009 = arith.index_cast %add3A_1008 : i32 to index
        %get3A_1010 = arith.constant 80 : index
        %get3A_1011 = tpu.vector_load %arg10[%get3A_1009, %get3A_1010] {strides = array<i32>} : memref<80x128xf32, #tpu.memory_space<vmem>>, vector<1x16xf32>,
        %get3A_1012 = vector.shape_cast %get3A_1011 : vector<1x16xf32> to vector<16xf32>
        %mul3A_1013 = vector.broadcast %squeeze3A_931 : f32 to vector<16xf32>
        %mul3A_1014 = arith.mulf %get3A_1012, %mul3A_1013 : vector<16xf32>
        %add3A_1015 = arith.constant 7 : i32
        %add3A_1016 = arith.addi %mul3A_78, %add3A_1015 : i32
        %swap3A_1017 = arith.index_cast %add3A_1016 : i32 to index
        %swap3A_1018 = arith.constant 80 : index
        %swap3A_1019 = tpu.vector_load %arg10[%swap3A_1017, %swap3A_1018] {strides = array<i32>} : memref<80x128xf32, #tpu.memory_space<vmem>>, vector<1x16xf32>,
        %swap3A_1020 = vector.shape_cast %swap3A_1019 : vector<1x16xf32> to vector<16xf32>
        %swap3A_1021 = vector.shape_cast %mul3A_1014 : vector<16xf32> to vector<1x16xf32>
        tpu.vector_store %arg10[%swap3A_1017, %swap3A_1018], %swap3A_1021 {strides = array<i32>} : memref<80x128xf32, #tpu.memory_space<vmem>>, vector<1x16xf32>,
        %add3A_1022 = arith.constant 7 : i32
        %add3A_1023 = arith.addi %mul3A_78, %add3A_1022 : i32
        %get3A_1024 = arith.index_cast %add3A_1023 : i32 to index
        %get3A_1025 = arith.constant 96 : index
        %get3A_1026 = tpu.vector_load %arg10[%get3A_1024, %get3A_1025] {strides = array<i32>} : memref<80x128xf32, #tpu.memory_space<vmem>>, vector<1x16xf32>,
        %get3A_1027 = vector.shape_cast %get3A_1026 : vector<1x16xf32> to vector<16xf32>
        %mul3A_1028 = vector.broadcast %squeeze3A_931 : f32 to vector<16xf32>
        %mul3A_1029 = arith.mulf %get3A_1027, %mul3A_1028 : vector<16xf32>
        %add3A_1030 = arith.constant 7 : i32
        %add3A_1031 = arith.addi %mul3A_78, %add3A_1030 : i32
        %swap3A_1032 = arith.index_cast %add3A_1031 : i32 to index
        %swap3A_1033 = arith.constant 96 : index
        %swap3A_1034 = tpu.vector_load %arg10[%swap3A_1032, %swap3A_1033] {strides = array<i32>} : memref<80x128xf32, #tpu.memory_space<vmem>>, vector<1x16xf32>,
        %swap3A_1035 = vector.shape_cast %swap3A_1034 : vector<1x16xf32> to vector<16xf32>
        %swap3A_1036 = vector.shape_cast %mul3A_1029 : vector<16xf32> to vector<1x16xf32>
        tpu.vector_store %arg10[%swap3A_1032, %swap3A_1033], %swap3A_1036 {strides = array<i32>} : memref<80x128xf32, #tpu.memory_space<vmem>>, vector<1x16xf32>,
        %add3A_1037 = arith.constant 7 : i32
        %add3A_1038 = arith.addi %mul3A_78, %add3A_1037 : i32
        %get3A_1039 = arith.index_cast %add3A_1038 : i32 to index
        %get3A_1040 = arith.constant 112 : index
        %get3A_1041 = tpu.vector_load %arg10[%get3A_1039, %get3A_1040] {strides = array<i32>} : memref<80x128xf32, #tpu.memory_space<vmem>>, vector<1x16xf32>,
        %get3A_1042 = vector.shape_cast %get3A_1041 : vector<1x16xf32> to vector<16xf32>
        %mul3A_1043 = vector.broadcast %squeeze3A_931 : f32 to vector<16xf32>
        %mul3A_1044 = arith.mulf %get3A_1042, %mul3A_1043 : vector<16xf32>
        %add3A_1045 = arith.constant 7 : i32
        %add3A_1046 = arith.addi %mul3A_78, %add3A_1045 : i32
        %swap3A_1047 = arith.index_cast %add3A_1046 : i32 to index
        %swap3A_1048 = arith.constant 112 : index
        %swap3A_1049 = tpu.vector_load %arg10[%swap3A_1047, %swap3A_1048] {strides = array<i32>} : memref<80x128xf32, #tpu.memory_space<vmem>>, vector<1x16xf32>,
        %swap3A_1050 = vector.shape_cast %swap3A_1049 : vector<1x16xf32> to vector<16xf32>
        %swap3A_1051 = vector.shape_cast %mul3A_1044 : vector<16xf32> to vector<1x16xf32>
        tpu.vector_store %arg10[%swap3A_1047, %swap3A_1048], %swap3A_1051 {strides = array<i32>} : memref<80x128xf32, #tpu.memory_space<vmem>>, vector<1x16xf32>,
        %slice3A_1052 = vector.extract_strided_slice %mul3A_76 {offsets = [8], sizes = [1], strides = [1]} : vector<16xf32> to vector<1xf32>
        %squeeze3A_1053 = vector.extract %slice3A_1052[0] : f32 from vector<1xf32>
        %add3A_1054 = arith.constant 8 : i32
        %add3A_1055 = arith.addi %mul3A_78, %add3A_1054 : i32
        %get3A_1056 = arith.index_cast %add3A_1055 : i32 to index
        %get3A_1057 = arith.constant 0 : index
        %get3A_1058 = tpu.vector_load %arg10[%get3A_1056, %get3A_1057] {strides = array<i32>} : memref<80x128xf32, #tpu.memory_space<vmem>>, vector<1x16xf32>,
        %get3A_1059 = vector.shape_cast %get3A_1058 : vector<1x16xf32> to vector<16xf32>
        %mul3A_1060 = vector.broadcast %squeeze3A_1053 : f32 to vector<16xf32>
        %mul3A_1061 = arith.mulf %get3A_1059, %mul3A_1060 : vector<16xf32>
        %add3A_1062 = arith.constant 8 : i32
        %add3A_1063 = arith.addi %mul3A_78, %add3A_1062 : i32
        %swap3A_1064 = arith.index_cast %add3A_1063 : i32 to index
        %swap3A_1065 = arith.constant 0 : index
        %swap3A_1066 = tpu.vector_load %arg10[%swap3A_1064, %swap3A_1065] {strides = array<i32>} : memref<80x128xf32, #tpu.memory_space<vmem>>, vector<1x16xf32>,
        %swap3A_1067 = vector.shape_cast %swap3A_1066 : vector<1x16xf32> to vector<16xf32>
        %swap3A_1068 = vector.shape_cast %mul3A_1061 : vector<16xf32> to vector<1x16xf32>
        tpu.vector_store %arg10[%swap3A_1064, %swap3A_1065], %swap3A_1068 {strides = array<i32>} : memref<80x128xf32, #tpu.memory_space<vmem>>, vector<1x16xf32>,
        %add3A_1069 = arith.constant 8 : i32
        %add3A_1070 = arith.addi %mul3A_78, %add3A_1069 : i32
        %get3A_1071 = arith.index_cast %add3A_1070 : i32 to index
        %get3A_1072 = arith.constant 16 : index
        %get3A_1073 = tpu.vector_load %arg10[%get3A_1071, %get3A_1072] {strides = array<i32>} : memref<80x128xf32, #tpu.memory_space<vmem>>, vector<1x16xf32>,
        %get3A_1074 = vector.shape_cast %get3A_1073 : vector<1x16xf32> to vector<16xf32>
        %mul3A_1075 = vector.broadcast %squeeze3A_1053 : f32 to vector<16xf32>
        %mul3A_1076 = arith.mulf %get3A_1074, %mul3A_1075 : vector<16xf32>
        %add3A_1077 = arith.constant 8 : i32
        %add3A_1078 = arith.addi %mul3A_78, %add3A_1077 : i32
        %swap3A_1079 = arith.index_cast %add3A_1078 : i32 to index
        %swap3A_1080 = arith.constant 16 : index
        %swap3A_1081 = tpu.vector_load %arg10[%swap3A_1079, %swap3A_1080] {strides = array<i32>} : memref<80x128xf32, #tpu.memory_space<vmem>>, vector<1x16xf32>,
        %swap3A_1082 = vector.shape_cast %swap3A_1081 : vector<1x16xf32> to vector<16xf32>
        %swap3A_1083 = vector.shape_cast %mul3A_1076 : vector<16xf32> to vector<1x16xf32>
        tpu.vector_store %arg10[%swap3A_1079, %swap3A_1080], %swap3A_1083 {strides = array<i32>} : memref<80x128xf32, #tpu.memory_space<vmem>>, vector<1x16xf32>,
        %add3A_1084 = arith.constant 8 : i32
        %add3A_1085 = arith.addi %mul3A_78, %add3A_1084 : i32
        %get3A_1086 = arith.index_cast %add3A_1085 : i32 to index
        %get3A_1087 = arith.constant 32 : index
        %get3A_1088 = tpu.vector_load %arg10[%get3A_1086, %get3A_1087] {strides = array<i32>} : memref<80x128xf32, #tpu.memory_space<vmem>>, vector<1x16xf32>,
        %get3A_1089 = vector.shape_cast %get3A_1088 : vector<1x16xf32> to vector<16xf32>
        %mul3A_1090 = vector.broadcast %squeeze3A_1053 : f32 to vector<16xf32>
        %mul3A_1091 = arith.mulf %get3A_1089, %mul3A_1090 : vector<16xf32>
        %add3A_1092 = arith.constant 8 : i32
        %add3A_1093 = arith.addi %mul3A_78, %add3A_1092 : i32
        %swap3A_1094 = arith.index_cast %add3A_1093 : i32 to index
        %swap3A_1095 = arith.constant 32 : index
        %swap3A_1096 = tpu.vector_load %arg10[%swap3A_1094, %swap3A_1095] {strides = array<i32>} : memref<80x128xf32, #tpu.memory_space<vmem>>, vector<1x16xf32>,
        %swap3A_1097 = vector.shape_cast %swap3A_1096 : vector<1x16xf32> to vector<16xf32>
        %swap3A_1098 = vector.shape_cast %mul3A_1091 : vector<16xf32> to vector<1x16xf32>
        tpu.vector_store %arg10[%swap3A_1094, %swap3A_1095], %swap3A_1098 {strides = array<i32>} : memref<80x128xf32, #tpu.memory_space<vmem>>, vector<1x16xf32>,
        %add3A_1099 = arith.constant 8 : i32
        %add3A_1100 = arith.addi %mul3A_78, %add3A_1099 : i32
        %get3A_1101 = arith.index_cast %add3A_1100 : i32 to index
        %get3A_1102 = arith.constant 48 : index
        %get3A_1103 = tpu.vector_load %arg10[%get3A_1101, %get3A_1102] {strides = array<i32>} : memref<80x128xf32, #tpu.memory_space<vmem>>, vector<1x16xf32>,
        %get3A_1104 = vector.shape_cast %get3A_1103 : vector<1x16xf32> to vector<16xf32>
        %mul3A_1105 = vector.broadcast %squeeze3A_1053 : f32 to vector<16xf32>
        %mul3A_1106 = arith.mulf %get3A_1104, %mul3A_1105 : vector<16xf32>
        %add3A_1107 = arith.constant 8 : i32
        %add3A_1108 = arith.addi %mul3A_78, %add3A_1107 : i32
        %swap3A_1109 = arith.index_cast %add3A_1108 : i32 to index
        %swap3A_1110 = arith.constant 48 : index
        %swap3A_1111 = tpu.vector_load %arg10[%swap3A_1109, %swap3A_1110] {strides = array<i32>} : memref<80x128xf32, #tpu.memory_space<vmem>>, vector<1x16xf32>,
        %swap3A_1112 = vector.shape_cast %swap3A_1111 : vector<1x16xf32> to vector<16xf32>
        %swap3A_1113 = vector.shape_cast %mul3A_1106 : vector<16xf32> to vector<1x16xf32>
        tpu.vector_store %arg10[%swap3A_1109, %swap3A_1110], %swap3A_1113 {strides = array<i32>} : memref<80x128xf32, #tpu.memory_space<vmem>>, vector<1x16xf32>,
        %add3A_1114 = arith.constant 8 : i32
        %add3A_1115 = arith.addi %mul3A_78, %add3A_1114 : i32
        %get3A_1116 = arith.index_cast %add3A_1115 : i32 to index
        %get3A_1117 = arith.constant 64 : index
        %get3A_1118 = tpu.vector_load %arg10[%get3A_1116, %get3A_1117] {strides = array<i32>} : memref<80x128xf32, #tpu.memory_space<vmem>>, vector<1x16xf32>,
        %get3A_1119 = vector.shape_cast %get3A_1118 : vector<1x16xf32> to vector<16xf32>
        %mul3A_1120 = vector.broadcast %squeeze3A_1053 : f32 to vector<16xf32>
        %mul3A_1121 = arith.mulf %get3A_1119, %mul3A_1120 : vector<16xf32>
        %add3A_1122 = arith.constant 8 : i32
        %add3A_1123 = arith.addi %mul3A_78, %add3A_1122 : i32
        %swap3A_1124 = arith.index_cast %add3A_1123 : i32 to index
        %swap3A_1125 = arith.constant 64 : index
        %swap3A_1126 = tpu.vector_load %arg10[%swap3A_1124, %swap3A_1125] {strides = array<i32>} : memref<80x128xf32, #tpu.memory_space<vmem>>, vector<1x16xf32>,
        %swap3A_1127 = vector.shape_cast %swap3A_1126 : vector<1x16xf32> to vector<16xf32>
        %swap3A_1128 = vector.shape_cast %mul3A_1121 : vector<16xf32> to vector<1x16xf32>
        tpu.vector_store %arg10[%swap3A_1124, %swap3A_1125], %swap3A_1128 {strides = array<i32>} : memref<80x128xf32, #tpu.memory_space<vmem>>, vector<1x16xf32>,
        %add3A_1129 = arith.constant 8 : i32
        %add3A_1130 = arith.addi %mul3A_78, %add3A_1129 : i32
        %get3A_1131 = arith.index_cast %add3A_1130 : i32 to index
        %get3A_1132 = arith.constant 80 : index
        %get3A_1133 = tpu.vector_load %arg10[%get3A_1131, %get3A_1132] {strides = array<i32>} : memref<80x128xf32, #tpu.memory_space<vmem>>, vector<1x16xf32>,
        %get3A_1134 = vector.shape_cast %get3A_1133 : vector<1x16xf32> to vector<16xf32>
        %mul3A_1135 = vector.broadcast %squeeze3A_1053 : f32 to vector<16xf32>
        %mul3A_1136 = arith.mulf %get3A_1134, %mul3A_1135 : vector<16xf32>
        %add3A_1137 = arith.constant 8 : i32
        %add3A_1138 = arith.addi %mul3A_78, %add3A_1137 : i32
        %swap3A_1139 = arith.index_cast %add3A_1138 : i32 to index
        %swap3A_1140 = arith.constant 80 : index
        %swap3A_1141 = tpu.vector_load %arg10[%swap3A_1139, %swap3A_1140] {strides = array<i32>} : memref<80x128xf32, #tpu.memory_space<vmem>>, vector<1x16xf32>,
        %swap3A_1142 = vector.shape_cast %swap3A_1141 : vector<1x16xf32> to vector<16xf32>
        %swap3A_1143 = vector.shape_cast %mul3A_1136 : vector<16xf32> to vector<1x16xf32>
        tpu.vector_store %arg10[%swap3A_1139, %swap3A_1140], %swap3A_1143 {strides = array<i32>} : memref<80x128xf32, #tpu.memory_space<vmem>>, vector<1x16xf32>,
        %add3A_1144 = arith.constant 8 : i32
        %add3A_1145 = arith.addi %mul3A_78, %add3A_1144 : i32
        %get3A_1146 = arith.index_cast %add3A_1145 : i32 to index
        %get3A_1147 = arith.constant 96 : index
        %get3A_1148 = tpu.vector_load %arg10[%get3A_1146, %get3A_1147] {strides = array<i32>} : memref<80x128xf32, #tpu.memory_space<vmem>>, vector<1x16xf32>,
        %get3A_1149 = vector.shape_cast %get3A_1148 : vector<1x16xf32> to vector<16xf32>
        %mul3A_1150 = vector.broadcast %squeeze3A_1053 : f32 to vector<16xf32>
        %mul3A_1151 = arith.mulf %get3A_1149, %mul3A_1150 : vector<16xf32>
        %add3A_1152 = arith.constant 8 : i32
        %add3A_1153 = arith.addi %mul3A_78, %add3A_1152 : i32
        %swap3A_1154 = arith.index_cast %add3A_1153 : i32 to index
        %swap3A_1155 = arith.constant 96 : index
        %swap3A_1156 = tpu.vector_load %arg10[%swap3A_1154, %swap3A_1155] {strides = array<i32>} : memref<80x128xf32, #tpu.memory_space<vmem>>, vector<1x16xf32>,
        %swap3A_1157 = vector.shape_cast %swap3A_1156 : vector<1x16xf32> to vector<16xf32>
        %swap3A_1158 = vector.shape_cast %mul3A_1151 : vector<16xf32> to vector<1x16xf32>
        tpu.vector_store %arg10[%swap3A_1154, %swap3A_1155], %swap3A_1158 {strides = array<i32>} : memref<80x128xf32, #tpu.memory_space<vmem>>, vector<1x16xf32>,
        %add3A_1159 = arith.constant 8 : i32
        %add3A_1160 = arith.addi %mul3A_78, %add3A_1159 : i32
        %get3A_1161 = arith.index_cast %add3A_1160 : i32 to index
        %get3A_1162 = arith.constant 112 : index
        %get3A_1163 = tpu.vector_load %arg10[%get3A_1161, %get3A_1162] {strides = array<i32>} : memref<80x128xf32, #tpu.memory_space<vmem>>, vector<1x16xf32>,
        %get3A_1164 = vector.shape_cast %get3A_1163 : vector<1x16xf32> to vector<16xf32>
        %mul3A_1165 = vector.broadcast %squeeze3A_1053 : f32 to vector<16xf32>
        %mul3A_1166 = arith.mulf %get3A_1164, %mul3A_1165 : vector<16xf32>
        %add3A_1167 = arith.constant 8 : i32
        %add3A_1168 = arith.addi %mul3A_78, %add3A_1167 : i32
        %swap3A_1169 = arith.index_cast %add3A_1168 : i32 to index
        %swap3A_1170 = arith.constant 112 : index
        %swap3A_1171 = tpu.vector_load %arg10[%swap3A_1169, %swap3A_1170] {strides = array<i32>} : memref<80x128xf32, #tpu.memory_space<vmem>>, vector<1x16xf32>,
        %swap3A_1172 = vector.shape_cast %swap3A_1171 : vector<1x16xf32> to vector<16xf32>
        %swap3A_1173 = vector.shape_cast %mul3A_1166 : vector<16xf32> to vector<1x16xf32>
        tpu.vector_store %arg10[%swap3A_1169, %swap3A_1170], %swap3A_1173 {strides = array<i32>} : memref<80x128xf32, #tpu.memory_space<vmem>>, vector<1x16xf32>,
        %slice3A_1174 = vector.extract_strided_slice %mul3A_76 {offsets = [9], sizes = [1], strides = [1]} : vector<16xf32> to vector<1xf32>
        %squeeze3A_1175 = vector.extract %slice3A_1174[0] : f32 from vector<1xf32>
        %add3A_1176 = arith.constant 9 : i32
        %add3A_1177 = arith.addi %mul3A_78, %add3A_1176 : i32
        %get3A_1178 = arith.index_cast %add3A_1177 : i32 to index
        %get3A_1179 = arith.constant 0 : index
        %get3A_1180 = tpu.vector_load %arg10[%get3A_1178, %get3A_1179] {strides = array<i32>} : memref<80x128xf32, #tpu.memory_space<vmem>>, vector<1x16xf32>,
        %get3A_1181 = vector.shape_cast %get3A_1180 : vector<1x16xf32> to vector<16xf32>
        %mul3A_1182 = vector.broadcast %squeeze3A_1175 : f32 to vector<16xf32>
        %mul3A_1183 = arith.mulf %get3A_1181, %mul3A_1182 : vector<16xf32>
        %add3A_1184 = arith.constant 9 : i32
        %add3A_1185 = arith.addi %mul3A_78, %add3A_1184 : i32
        %swap3A_1186 = arith.index_cast %add3A_1185 : i32 to index
        %swap3A_1187 = arith.constant 0 : index
        %swap3A_1188 = tpu.vector_load %arg10[%swap3A_1186, %swap3A_1187] {strides = array<i32>} : memref<80x128xf32, #tpu.memory_space<vmem>>, vector<1x16xf32>,
        %swap3A_1189 = vector.shape_cast %swap3A_1188 : vector<1x16xf32> to vector<16xf32>
        %swap3A_1190 = vector.shape_cast %mul3A_1183 : vector<16xf32> to vector<1x16xf32>
        tpu.vector_store %arg10[%swap3A_1186, %swap3A_1187], %swap3A_1190 {strides = array<i32>} : memref<80x128xf32, #tpu.memory_space<vmem>>, vector<1x16xf32>,
        %add3A_1191 = arith.constant 9 : i32
        %add3A_1192 = arith.addi %mul3A_78, %add3A_1191 : i32
        %get3A_1193 = arith.index_cast %add3A_1192 : i32 to index
        %get3A_1194 = arith.constant 16 : index
        %get3A_1195 = tpu.vector_load %arg10[%get3A_1193, %get3A_1194] {strides = array<i32>} : memref<80x128xf32, #tpu.memory_space<vmem>>, vector<1x16xf32>,
        %get3A_1196 = vector.shape_cast %get3A_1195 : vector<1x16xf32> to vector<16xf32>
        %mul3A_1197 = vector.broadcast %squeeze3A_1175 : f32 to vector<16xf32>
        %mul3A_1198 = arith.mulf %get3A_1196, %mul3A_1197 : vector<16xf32>
        %add3A_1199 = arith.constant 9 : i32
        %add3A_1200 = arith.addi %mul3A_78, %add3A_1199 : i32
        %swap3A_1201 = arith.index_cast %add3A_1200 : i32 to index
        %swap3A_1202 = arith.constant 16 : index
        %swap3A_1203 = tpu.vector_load %arg10[%swap3A_1201, %swap3A_1202] {strides = array<i32>} : memref<80x128xf32, #tpu.memory_space<vmem>>, vector<1x16xf32>,
        %swap3A_1204 = vector.shape_cast %swap3A_1203 : vector<1x16xf32> to vector<16xf32>
        %swap3A_1205 = vector.shape_cast %mul3A_1198 : vector<16xf32> to vector<1x16xf32>
        tpu.vector_store %arg10[%swap3A_1201, %swap3A_1202], %swap3A_1205 {strides = array<i32>} : memref<80x128xf32, #tpu.memory_space<vmem>>, vector<1x16xf32>,
        %add3A_1206 = arith.constant 9 : i32
        %add3A_1207 = arith.addi %mul3A_78, %add3A_1206 : i32
        %get3A_1208 = arith.index_cast %add3A_1207 : i32 to index
        %get3A_1209 = arith.constant 32 : index
        %get3A_1210 = tpu.vector_load %arg10[%get3A_1208, %get3A_1209] {strides = array<i32>} : memref<80x128xf32, #tpu.memory_space<vmem>>, vector<1x16xf32>,
        %get3A_1211 = vector.shape_cast %get3A_1210 : vector<1x16xf32> to vector<16xf32>
        %mul3A_1212 = vector.broadcast %squeeze3A_1175 : f32 to vector<16xf32>
        %mul3A_1213 = arith.mulf %get3A_1211, %mul3A_1212 : vector<16xf32>
        %add3A_1214 = arith.constant 9 : i32
        %add3A_1215 = arith.addi %mul3A_78, %add3A_1214 : i32
        %swap3A_1216 = arith.index_cast %add3A_1215 : i32 to index
        %swap3A_1217 = arith.constant 32 : index
        %swap3A_1218 = tpu.vector_load %arg10[%swap3A_1216, %swap3A_1217] {strides = array<i32>} : memref<80x128xf32, #tpu.memory_space<vmem>>, vector<1x16xf32>,
        %swap3A_1219 = vector.shape_cast %swap3A_1218 : vector<1x16xf32> to vector<16xf32>
        %swap3A_1220 = vector.shape_cast %mul3A_1213 : vector<16xf32> to vector<1x16xf32>
        tpu.vector_store %arg10[%swap3A_1216, %swap3A_1217], %swap3A_1220 {strides = array<i32>} : memref<80x128xf32, #tpu.memory_space<vmem>>, vector<1x16xf32>,
        %add3A_1221 = arith.constant 9 : i32
        %add3A_1222 = arith.addi %mul3A_78, %add3A_1221 : i32
        %get3A_1223 = arith.index_cast %add3A_1222 : i32 to index
        %get3A_1224 = arith.constant 48 : index
        %get3A_1225 = tpu.vector_load %arg10[%get3A_1223, %get3A_1224] {strides = array<i32>} : memref<80x128xf32, #tpu.memory_space<vmem>>, vector<1x16xf32>,
        %get3A_1226 = vector.shape_cast %get3A_1225 : vector<1x16xf32> to vector<16xf32>
        %mul3A_1227 = vector.broadcast %squeeze3A_1175 : f32 to vector<16xf32>
        %mul3A_1228 = arith.mulf %get3A_1226, %mul3A_1227 : vector<16xf32>
        %add3A_1229 = arith.constant 9 : i32
        %add3A_1230 = arith.addi %mul3A_78, %add3A_1229 : i32
        %swap3A_1231 = arith.index_cast %add3A_1230 : i32 to index
        %swap3A_1232 = arith.constant 48 : index
        %swap3A_1233 = tpu.vector_load %arg10[%swap3A_1231, %swap3A_1232] {strides = array<i32>} : memref<80x128xf32, #tpu.memory_space<vmem>>, vector<1x16xf32>,
        %swap3A_1234 = vector.shape_cast %swap3A_1233 : vector<1x16xf32> to vector<16xf32>
        %swap3A_1235 = vector.shape_cast %mul3A_1228 : vector<16xf32> to vector<1x16xf32>
        tpu.vector_store %arg10[%swap3A_1231, %swap3A_1232], %swap3A_1235 {strides = array<i32>} : memref<80x128xf32, #tpu.memory_space<vmem>>, vector<1x16xf32>,
        %add3A_1236 = arith.constant 9 : i32
        %add3A_1237 = arith.addi %mul3A_78, %add3A_1236 : i32
        %get3A_1238 = arith.index_cast %add3A_1237 : i32 to index
        %get3A_1239 = arith.constant 64 : index
        %get3A_1240 = tpu.vector_load %arg10[%get3A_1238, %get3A_1239] {strides = array<i32>} : memref<80x128xf32, #tpu.memory_space<vmem>>, vector<1x16xf32>,
        %get3A_1241 = vector.shape_cast %get3A_1240 : vector<1x16xf32> to vector<16xf32>
        %mul3A_1242 = vector.broadcast %squeeze3A_1175 : f32 to vector<16xf32>
        %mul3A_1243 = arith.mulf %get3A_1241, %mul3A_1242 : vector<16xf32>
        %add3A_1244 = arith.constant 9 : i32
        %add3A_1245 = arith.addi %mul3A_78, %add3A_1244 : i32
        %swap3A_1246 = arith.index_cast %add3A_1245 : i32 to index
        %swap3A_1247 = arith.constant 64 : index
        %swap3A_1248 = tpu.vector_load %arg10[%swap3A_1246, %swap3A_1247] {strides = array<i32>} : memref<80x128xf32, #tpu.memory_space<vmem>>, vector<1x16xf32>,
        %swap3A_1249 = vector.shape_cast %swap3A_1248 : vector<1x16xf32> to vector<16xf32>
        %swap3A_1250 = vector.shape_cast %mul3A_1243 : vector<16xf32> to vector<1x16xf32>
        tpu.vector_store %arg10[%swap3A_1246, %swap3A_1247], %swap3A_1250 {strides = array<i32>} : memref<80x128xf32, #tpu.memory_space<vmem>>, vector<1x16xf32>,
        %add3A_1251 = arith.constant 9 : i32
        %add3A_1252 = arith.addi %mul3A_78, %add3A_1251 : i32
        %get3A_1253 = arith.index_cast %add3A_1252 : i32 to index
        %get3A_1254 = arith.constant 80 : index
        %get3A_1255 = tpu.vector_load %arg10[%get3A_1253, %get3A_1254] {strides = array<i32>} : memref<80x128xf32, #tpu.memory_space<vmem>>, vector<1x16xf32>,
        %get3A_1256 = vector.shape_cast %get3A_1255 : vector<1x16xf32> to vector<16xf32>
        %mul3A_1257 = vector.broadcast %squeeze3A_1175 : f32 to vector<16xf32>
        %mul3A_1258 = arith.mulf %get3A_1256, %mul3A_1257 : vector<16xf32>
        %add3A_1259 = arith.constant 9 : i32
        %add3A_1260 = arith.addi %mul3A_78, %add3A_1259 : i32
        %swap3A_1261 = arith.index_cast %add3A_1260 : i32 to index
        %swap3A_1262 = arith.constant 80 : index
        %swap3A_1263 = tpu.vector_load %arg10[%swap3A_1261, %swap3A_1262] {strides = array<i32>} : memref<80x128xf32, #tpu.memory_space<vmem>>, vector<1x16xf32>,
        %swap3A_1264 = vector.shape_cast %swap3A_1263 : vector<1x16xf32> to vector<16xf32>
        %swap3A_1265 = vector.shape_cast %mul3A_1258 : vector<16xf32> to vector<1x16xf32>
        tpu.vector_store %arg10[%swap3A_1261, %swap3A_1262], %swap3A_1265 {strides = array<i32>} : memref<80x128xf32, #tpu.memory_space<vmem>>, vector<1x16xf32>,
        %add3A_1266 = arith.constant 9 : i32
        %add3A_1267 = arith.addi %mul3A_78, %add3A_1266 : i32
        %get3A_1268 = arith.index_cast %add3A_1267 : i32 to index
        %get3A_1269 = arith.constant 96 : index
        %get3A_1270 = tpu.vector_load %arg10[%get3A_1268, %get3A_1269] {strides = array<i32>} : memref<80x128xf32, #tpu.memory_space<vmem>>, vector<1x16xf32>,
        %get3A_1271 = vector.shape_cast %get3A_1270 : vector<1x16xf32> to vector<16xf32>
        %mul3A_1272 = vector.broadcast %squeeze3A_1175 : f32 to vector<16xf32>
        %mul3A_1273 = arith.mulf %get3A_1271, %mul3A_1272 : vector<16xf32>
        %add3A_1274 = arith.constant 9 : i32
        %add3A_1275 = arith.addi %mul3A_78, %add3A_1274 : i32
        %swap3A_1276 = arith.index_cast %add3A_1275 : i32 to index
        %swap3A_1277 = arith.constant 96 : index
        %swap3A_1278 = tpu.vector_load %arg10[%swap3A_1276, %swap3A_1277] {strides = array<i32>} : memref<80x128xf32, #tpu.memory_space<vmem>>, vector<1x16xf32>,
        %swap3A_1279 = vector.shape_cast %swap3A_1278 : vector<1x16xf32> to vector<16xf32>
        %swap3A_1280 = vector.shape_cast %mul3A_1273 : vector<16xf32> to vector<1x16xf32>
        tpu.vector_store %arg10[%swap3A_1276, %swap3A_1277], %swap3A_1280 {strides = array<i32>} : memref<80x128xf32, #tpu.memory_space<vmem>>, vector<1x16xf32>,
        %add3A_1281 = arith.constant 9 : i32
        %add3A_1282 = arith.addi %mul3A_78, %add3A_1281 : i32
        %get3A_1283 = arith.index_cast %add3A_1282 : i32 to index
        %get3A_1284 = arith.constant 112 : index
        %get3A_1285 = tpu.vector_load %arg10[%get3A_1283, %get3A_1284] {strides = array<i32>} : memref<80x128xf32, #tpu.memory_space<vmem>>, vector<1x16xf32>,
        %get3A_1286 = vector.shape_cast %get3A_1285 : vector<1x16xf32> to vector<16xf32>
        %mul3A_1287 = vector.broadcast %squeeze3A_1175 : f32 to vector<16xf32>
        %mul3A_1288 = arith.mulf %get3A_1286, %mul3A_1287 : vector<16xf32>
        %add3A_1289 = arith.constant 9 : i32
        %add3A_1290 = arith.addi %mul3A_78, %add3A_1289 : i32
        %swap3A_1291 = arith.index_cast %add3A_1290 : i32 to index
        %swap3A_1292 = arith.constant 112 : index
        %swap3A_1293 = tpu.vector_load %arg10[%swap3A_1291, %swap3A_1292] {strides = array<i32>} : memref<80x128xf32, #tpu.memory_space<vmem>>, vector<1x16xf32>,
        %swap3A_1294 = vector.shape_cast %swap3A_1293 : vector<1x16xf32> to vector<16xf32>
        %swap3A_1295 = vector.shape_cast %mul3A_1288 : vector<16xf32> to vector<1x16xf32>
        tpu.vector_store %arg10[%swap3A_1291, %swap3A_1292], %swap3A_1295 {strides = array<i32>} : memref<80x128xf32, #tpu.memory_space<vmem>>, vector<1x16xf32>,
        %slice3A_1296 = vector.extract_strided_slice %mul3A_76 {offsets = [10], sizes = [1], strides = [1]} : vector<16xf32> to vector<1xf32>
        %squeeze3A_1297 = vector.extract %slice3A_1296[0] : f32 from vector<1xf32>
        %add3A_1298 = arith.constant 10 : i32
        %add3A_1299 = arith.addi %mul3A_78, %add3A_1298 : i32
        %get3A_1300 = arith.index_cast %add3A_1299 : i32 to index
        %get3A_1301 = arith.constant 0 : index
        %get3A_1302 = tpu.vector_load %arg10[%get3A_1300, %get3A_1301] {strides = array<i32>} : memref<80x128xf32, #tpu.memory_space<vmem>>, vector<1x16xf32>,
        %get3A_1303 = vector.shape_cast %get3A_1302 : vector<1x16xf32> to vector<16xf32>
        %mul3A_1304 = vector.broadcast %squeeze3A_1297 : f32 to vector<16xf32>
        %mul3A_1305 = arith.mulf %get3A_1303, %mul3A_1304 : vector<16xf32>
        %add3A_1306 = arith.constant 10 : i32
        %add3A_1307 = arith.addi %mul3A_78, %add3A_1306 : i32
        %swap3A_1308 = arith.index_cast %add3A_1307 : i32 to index
        %swap3A_1309 = arith.constant 0 : index
        %swap3A_1310 = tpu.vector_load %arg10[%swap3A_1308, %swap3A_1309] {strides = array<i32>} : memref<80x128xf32, #tpu.memory_space<vmem>>, vector<1x16xf32>,
        %swap3A_1311 = vector.shape_cast %swap3A_1310 : vector<1x16xf32> to vector<16xf32>
        %swap3A_1312 = vector.shape_cast %mul3A_1305 : vector<16xf32> to vector<1x16xf32>
        tpu.vector_store %arg10[%swap3A_1308, %swap3A_1309], %swap3A_1312 {strides = array<i32>} : memref<80x128xf32, #tpu.memory_space<vmem>>, vector<1x16xf32>,
        %add3A_1313 = arith.constant 10 : i32
        %add3A_1314 = arith.addi %mul3A_78, %add3A_1313 : i32
        %get3A_1315 = arith.index_cast %add3A_1314 : i32 to index
        %get3A_1316 = arith.constant 16 : index
        %get3A_1317 = tpu.vector_load %arg10[%get3A_1315, %get3A_1316] {strides = array<i32>} : memref<80x128xf32, #tpu.memory_space<vmem>>, vector<1x16xf32>,
        %get3A_1318 = vector.shape_cast %get3A_1317 : vector<1x16xf32> to vector<16xf32>
        %mul3A_1319 = vector.broadcast %squeeze3A_1297 : f32 to vector<16xf32>
        %mul3A_1320 = arith.mulf %get3A_1318, %mul3A_1319 : vector<16xf32>
        %add3A_1321 = arith.constant 10 : i32
        %add3A_1322 = arith.addi %mul3A_78, %add3A_1321 : i32
        %swap3A_1323 = arith.index_cast %add3A_1322 : i32 to index
        %swap3A_1324 = arith.constant 16 : index
        %swap3A_1325 = tpu.vector_load %arg10[%swap3A_1323, %swap3A_1324] {strides = array<i32>} : memref<80x128xf32, #tpu.memory_space<vmem>>, vector<1x16xf32>,
        %swap3A_1326 = vector.shape_cast %swap3A_1325 : vector<1x16xf32> to vector<16xf32>
        %swap3A_1327 = vector.shape_cast %mul3A_1320 : vector<16xf32> to vector<1x16xf32>
        tpu.vector_store %arg10[%swap3A_1323, %swap3A_1324], %swap3A_1327 {strides = array<i32>} : memref<80x128xf32, #tpu.memory_space<vmem>>, vector<1x16xf32>,
        %add3A_1328 = arith.constant 10 : i32
        %add3A_1329 = arith.addi %mul3A_78, %add3A_1328 : i32
        %get3A_1330 = arith.index_cast %add3A_1329 : i32 to index
        %get3A_1331 = arith.constant 32 : index
        %get3A_1332 = tpu.vector_load %arg10[%get3A_1330, %get3A_1331] {strides = array<i32>} : memref<80x128xf32, #tpu.memory_space<vmem>>, vector<1x16xf32>,
        %get3A_1333 = vector.shape_cast %get3A_1332 : vector<1x16xf32> to vector<16xf32>
        %mul3A_1334 = vector.broadcast %squeeze3A_1297 : f32 to vector<16xf32>
        %mul3A_1335 = arith.mulf %get3A_1333, %mul3A_1334 : vector<16xf32>
        %add3A_1336 = arith.constant 10 : i32
        %add3A_1337 = arith.addi %mul3A_78, %add3A_1336 : i32
        %swap3A_1338 = arith.index_cast %add3A_1337 : i32 to index
        %swap3A_1339 = arith.constant 32 : index
        %swap3A_1340 = tpu.vector_load %arg10[%swap3A_1338, %swap3A_1339] {strides = array<i32>} : memref<80x128xf32, #tpu.memory_space<vmem>>, vector<1x16xf32>,
        %swap3A_1341 = vector.shape_cast %swap3A_1340 : vector<1x16xf32> to vector<16xf32>
        %swap3A_1342 = vector.shape_cast %mul3A_1335 : vector<16xf32> to vector<1x16xf32>
        tpu.vector_store %arg10[%swap3A_1338, %swap3A_1339], %swap3A_1342 {strides = array<i32>} : memref<80x128xf32, #tpu.memory_space<vmem>>, vector<1x16xf32>,
        %add3A_1343 = arith.constant 10 : i32
        %add3A_1344 = arith.addi %mul3A_78, %add3A_1343 : i32
        %get3A_1345 = arith.index_cast %add3A_1344 : i32 to index
        %get3A_1346 = arith.constant 48 : index
        %get3A_1347 = tpu.vector_load %arg10[%get3A_1345, %get3A_1346] {strides = array<i32>} : memref<80x128xf32, #tpu.memory_space<vmem>>, vector<1x16xf32>,
        %get3A_1348 = vector.shape_cast %get3A_1347 : vector<1x16xf32> to vector<16xf32>
        %mul3A_1349 = vector.broadcast %squeeze3A_1297 : f32 to vector<16xf32>
        %mul3A_1350 = arith.mulf %get3A_1348, %mul3A_1349 : vector<16xf32>
        %add3A_1351 = arith.constant 10 : i32
        %add3A_1352 = arith.addi %mul3A_78, %add3A_1351 : i32
        %swap3A_1353 = arith.index_cast %add3A_1352 : i32 to index
        %swap3A_1354 = arith.constant 48 : index
        %swap3A_1355 = tpu.vector_load %arg10[%swap3A_1353, %swap3A_1354] {strides = array<i32>} : memref<80x128xf32, #tpu.memory_space<vmem>>, vector<1x16xf32>,
        %swap3A_1356 = vector.shape_cast %swap3A_1355 : vector<1x16xf32> to vector<16xf32>
        %swap3A_1357 = vector.shape_cast %mul3A_1350 : vector<16xf32> to vector<1x16xf32>
        tpu.vector_store %arg10[%swap3A_1353, %swap3A_1354], %swap3A_1357 {strides = array<i32>} : memref<80x128xf32, #tpu.memory_space<vmem>>, vector<1x16xf32>,
        %add3A_1358 = arith.constant 10 : i32
        %add3A_1359 = arith.addi %mul3A_78, %add3A_1358 : i32
        %get3A_1360 = arith.index_cast %add3A_1359 : i32 to index
        %get3A_1361 = arith.constant 64 : index
        %get3A_1362 = tpu.vector_load %arg10[%get3A_1360, %get3A_1361] {strides = array<i32>} : memref<80x128xf32, #tpu.memory_space<vmem>>, vector<1x16xf32>,
        %get3A_1363 = vector.shape_cast %get3A_1362 : vector<1x16xf32> to vector<16xf32>
        %mul3A_1364 = vector.broadcast %squeeze3A_1297 : f32 to vector<16xf32>
        %mul3A_1365 = arith.mulf %get3A_1363, %mul3A_1364 : vector<16xf32>
        %add3A_1366 = arith.constant 10 : i32
        %add3A_1367 = arith.addi %mul3A_78, %add3A_1366 : i32
        %swap3A_1368 = arith.index_cast %add3A_1367 : i32 to index
        %swap3A_1369 = arith.constant 64 : index
        %swap3A_1370 = tpu.vector_load %arg10[%swap3A_1368, %swap3A_1369] {strides = array<i32>} : memref<80x128xf32, #tpu.memory_space<vmem>>, vector<1x16xf32>,
        %swap3A_1371 = vector.shape_cast %swap3A_1370 : vector<1x16xf32> to vector<16xf32>
        %swap3A_1372 = vector.shape_cast %mul3A_1365 : vector<16xf32> to vector<1x16xf32>
        tpu.vector_store %arg10[%swap3A_1368, %swap3A_1369], %swap3A_1372 {strides = array<i32>} : memref<80x128xf32, #tpu.memory_space<vmem>>, vector<1x16xf32>,
        %add3A_1373 = arith.constant 10 : i32
        %add3A_1374 = arith.addi %mul3A_78, %add3A_1373 : i32
        %get3A_1375 = arith.index_cast %add3A_1374 : i32 to index
        %get3A_1376 = arith.constant 80 : index
        %get3A_1377 = tpu.vector_load %arg10[%get3A_1375, %get3A_1376] {strides = array<i32>} : memref<80x128xf32, #tpu.memory_space<vmem>>, vector<1x16xf32>,
        %get3A_1378 = vector.shape_cast %get3A_1377 : vector<1x16xf32> to vector<16xf32>
        %mul3A_1379 = vector.broadcast %squeeze3A_1297 : f32 to vector<16xf32>
        %mul3A_1380 = arith.mulf %get3A_1378, %mul3A_1379 : vector<16xf32>
        %add3A_1381 = arith.constant 10 : i32
        %add3A_1382 = arith.addi %mul3A_78, %add3A_1381 : i32
        %swap3A_1383 = arith.index_cast %add3A_1382 : i32 to index
        %swap3A_1384 = arith.constant 80 : index
        %swap3A_1385 = tpu.vector_load %arg10[%swap3A_1383, %swap3A_1384] {strides = array<i32>} : memref<80x128xf32, #tpu.memory_space<vmem>>, vector<1x16xf32>,
        %swap3A_1386 = vector.shape_cast %swap3A_1385 : vector<1x16xf32> to vector<16xf32>
        %swap3A_1387 = vector.shape_cast %mul3A_1380 : vector<16xf32> to vector<1x16xf32>
        tpu.vector_store %arg10[%swap3A_1383, %swap3A_1384], %swap3A_1387 {strides = array<i32>} : memref<80x128xf32, #tpu.memory_space<vmem>>, vector<1x16xf32>,
        %add3A_1388 = arith.constant 10 : i32
        %add3A_1389 = arith.addi %mul3A_78, %add3A_1388 : i32
        %get3A_1390 = arith.index_cast %add3A_1389 : i32 to index
        %get3A_1391 = arith.constant 96 : index
        %get3A_1392 = tpu.vector_load %arg10[%get3A_1390, %get3A_1391] {strides = array<i32>} : memref<80x128xf32, #tpu.memory_space<vmem>>, vector<1x16xf32>,
        %get3A_1393 = vector.shape_cast %get3A_1392 : vector<1x16xf32> to vector<16xf32>
        %mul3A_1394 = vector.broadcast %squeeze3A_1297 : f32 to vector<16xf32>
        %mul3A_1395 = arith.mulf %get3A_1393, %mul3A_1394 : vector<16xf32>
        %add3A_1396 = arith.constant 10 : i32
        %add3A_1397 = arith.addi %mul3A_78, %add3A_1396 : i32
        %swap3A_1398 = arith.index_cast %add3A_1397 : i32 to index
        %swap3A_1399 = arith.constant 96 : index
        %swap3A_1400 = tpu.vector_load %arg10[%swap3A_1398, %swap3A_1399] {strides = array<i32>} : memref<80x128xf32, #tpu.memory_space<vmem>>, vector<1x16xf32>,
        %swap3A_1401 = vector.shape_cast %swap3A_1400 : vector<1x16xf32> to vector<16xf32>
        %swap3A_1402 = vector.shape_cast %mul3A_1395 : vector<16xf32> to vector<1x16xf32>
        tpu.vector_store %arg10[%swap3A_1398, %swap3A_1399], %swap3A_1402 {strides = array<i32>} : memref<80x128xf32, #tpu.memory_space<vmem>>, vector<1x16xf32>,
        %add3A_1403 = arith.constant 10 : i32
        %add3A_1404 = arith.addi %mul3A_78, %add3A_1403 : i32
        %get3A_1405 = arith.index_cast %add3A_1404 : i32 to index
        %get3A_1406 = arith.constant 112 : index
        %get3A_1407 = tpu.vector_load %arg10[%get3A_1405, %get3A_1406] {strides = array<i32>} : memref<80x128xf32, #tpu.memory_space<vmem>>, vector<1x16xf32>,
        %get3A_1408 = vector.shape_cast %get3A_1407 : vector<1x16xf32> to vector<16xf32>
        %mul3A_1409 = vector.broadcast %squeeze3A_1297 : f32 to vector<16xf32>
        %mul3A_1410 = arith.mulf %get3A_1408, %mul3A_1409 : vector<16xf32>
        %add3A_1411 = arith.constant 10 : i32
        %add3A_1412 = arith.addi %mul3A_78, %add3A_1411 : i32
        %swap3A_1413 = arith.index_cast %add3A_1412 : i32 to index
        %swap3A_1414 = arith.constant 112 : index
        %swap3A_1415 = tpu.vector_load %arg10[%swap3A_1413, %swap3A_1414] {strides = array<i32>} : memref<80x128xf32, #tpu.memory_space<vmem>>, vector<1x16xf32>,
        %swap3A_1416 = vector.shape_cast %swap3A_1415 : vector<1x16xf32> to vector<16xf32>
        %swap3A_1417 = vector.shape_cast %mul3A_1410 : vector<16xf32> to vector<1x16xf32>
        tpu.vector_store %arg10[%swap3A_1413, %swap3A_1414], %swap3A_1417 {strides = array<i32>} : memref<80x128xf32, #tpu.memory_space<vmem>>, vector<1x16xf32>,
        %slice3A_1418 = vector.extract_strided_slice %mul3A_76 {offsets = [11], sizes = [1], strides = [1]} : vector<16xf32> to vector<1xf32>
        %squeeze3A_1419 = vector.extract %slice3A_1418[0] : f32 from vector<1xf32>
        %add3A_1420 = arith.constant 11 : i32
        %add3A_1421 = arith.addi %mul3A_78, %add3A_1420 : i32
        %get3A_1422 = arith.index_cast %add3A_1421 : i32 to index
        %get3A_1423 = arith.constant 0 : index
        %get3A_1424 = tpu.vector_load %arg10[%get3A_1422, %get3A_1423] {strides = array<i32>} : memref<80x128xf32, #tpu.memory_space<vmem>>, vector<1x16xf32>,
        %get3A_1425 = vector.shape_cast %get3A_1424 : vector<1x16xf32> to vector<16xf32>
        %mul3A_1426 = vector.broadcast %squeeze3A_1419 : f32 to vector<16xf32>
        %mul3A_1427 = arith.mulf %get3A_1425, %mul3A_1426 : vector<16xf32>
        %add3A_1428 = arith.constant 11 : i32
        %add3A_1429 = arith.addi %mul3A_78, %add3A_1428 : i32
        %swap3A_1430 = arith.index_cast %add3A_1429 : i32 to index
        %swap3A_1431 = arith.constant 0 : index
        %swap3A_1432 = tpu.vector_load %arg10[%swap3A_1430, %swap3A_1431] {strides = array<i32>} : memref<80x128xf32, #tpu.memory_space<vmem>>, vector<1x16xf32>,
        %swap3A_1433 = vector.shape_cast %swap3A_1432 : vector<1x16xf32> to vector<16xf32>
        %swap3A_1434 = vector.shape_cast %mul3A_1427 : vector<16xf32> to vector<1x16xf32>
        tpu.vector_store %arg10[%swap3A_1430, %swap3A_1431], %swap3A_1434 {strides = array<i32>} : memref<80x128xf32, #tpu.memory_space<vmem>>, vector<1x16xf32>,
        %add3A_1435 = arith.constant 11 : i32
        %add3A_1436 = arith.addi %mul3A_78, %add3A_1435 : i32
        %get3A_1437 = arith.index_cast %add3A_1436 : i32 to index
        %get3A_1438 = arith.constant 16 : index
        %get3A_1439 = tpu.vector_load %arg10[%get3A_1437, %get3A_1438] {strides = array<i32>} : memref<80x128xf32, #tpu.memory_space<vmem>>, vector<1x16xf32>,
        %get3A_1440 = vector.shape_cast %get3A_1439 : vector<1x16xf32> to vector<16xf32>
        %mul3A_1441 = vector.broadcast %squeeze3A_1419 : f32 to vector<16xf32>
        %mul3A_1442 = arith.mulf %get3A_1440, %mul3A_1441 : vector<16xf32>
        %add3A_1443 = arith.constant 11 : i32
        %add3A_1444 = arith.addi %mul3A_78, %add3A_1443 : i32
        %swap3A_1445 = arith.index_cast %add3A_1444 : i32 to index
        %swap3A_1446 = arith.constant 16 : index
        %swap3A_1447 = tpu.vector_load %arg10[%swap3A_1445, %swap3A_1446] {strides = array<i32>} : memref<80x128xf32, #tpu.memory_space<vmem>>, vector<1x16xf32>,
        %swap3A_1448 = vector.shape_cast %swap3A_1447 : vector<1x16xf32> to vector<16xf32>
        %swap3A_1449 = vector.shape_cast %mul3A_1442 : vector<16xf32> to vector<1x16xf32>
        tpu.vector_store %arg10[%swap3A_1445, %swap3A_1446], %swap3A_1449 {strides = array<i32>} : memref<80x128xf32, #tpu.memory_space<vmem>>, vector<1x16xf32>,
        %add3A_1450 = arith.constant 11 : i32
        %add3A_1451 = arith.addi %mul3A_78, %add3A_1450 : i32
        %get3A_1452 = arith.index_cast %add3A_1451 : i32 to index
        %get3A_1453 = arith.constant 32 : index
        %get3A_1454 = tpu.vector_load %arg10[%get3A_1452, %get3A_1453] {strides = array<i32>} : memref<80x128xf32, #tpu.memory_space<vmem>>, vector<1x16xf32>,
        %get3A_1455 = vector.shape_cast %get3A_1454 : vector<1x16xf32> to vector<16xf32>
        %mul3A_1456 = vector.broadcast %squeeze3A_1419 : f32 to vector<16xf32>
        %mul3A_1457 = arith.mulf %get3A_1455, %mul3A_1456 : vector<16xf32>
        %add3A_1458 = arith.constant 11 : i32
        %add3A_1459 = arith.addi %mul3A_78, %add3A_1458 : i32
        %swap3A_1460 = arith.index_cast %add3A_1459 : i32 to index
        %swap3A_1461 = arith.constant 32 : index
        %swap3A_1462 = tpu.vector_load %arg10[%swap3A_1460, %swap3A_1461] {strides = array<i32>} : memref<80x128xf32, #tpu.memory_space<vmem>>, vector<1x16xf32>,
        %swap3A_1463 = vector.shape_cast %swap3A_1462 : vector<1x16xf32> to vector<16xf32>
        %swap3A_1464 = vector.shape_cast %mul3A_1457 : vector<16xf32> to vector<1x16xf32>
        tpu.vector_store %arg10[%swap3A_1460, %swap3A_1461], %swap3A_1464 {strides = array<i32>} : memref<80x128xf32, #tpu.memory_space<vmem>>, vector<1x16xf32>,
        %add3A_1465 = arith.constant 11 : i32
        %add3A_1466 = arith.addi %mul3A_78, %add3A_1465 : i32
        %get3A_1467 = arith.index_cast %add3A_1466 : i32 to index
        %get3A_1468 = arith.constant 48 : index
        %get3A_1469 = tpu.vector_load %arg10[%get3A_1467, %get3A_1468] {strides = array<i32>} : memref<80x128xf32, #tpu.memory_space<vmem>>, vector<1x16xf32>,
        %get3A_1470 = vector.shape_cast %get3A_1469 : vector<1x16xf32> to vector<16xf32>
        %mul3A_1471 = vector.broadcast %squeeze3A_1419 : f32 to vector<16xf32>
        %mul3A_1472 = arith.mulf %get3A_1470, %mul3A_1471 : vector<16xf32>
        %add3A_1473 = arith.constant 11 : i32
        %add3A_1474 = arith.addi %mul3A_78, %add3A_1473 : i32
        %swap3A_1475 = arith.index_cast %add3A_1474 : i32 to index
        %swap3A_1476 = arith.constant 48 : index
        %swap3A_1477 = tpu.vector_load %arg10[%swap3A_1475, %swap3A_1476] {strides = array<i32>} : memref<80x128xf32, #tpu.memory_space<vmem>>, vector<1x16xf32>,
        %swap3A_1478 = vector.shape_cast %swap3A_1477 : vector<1x16xf32> to vector<16xf32>
        %swap3A_1479 = vector.shape_cast %mul3A_1472 : vector<16xf32> to vector<1x16xf32>
        tpu.vector_store %arg10[%swap3A_1475, %swap3A_1476], %swap3A_1479 {strides = array<i32>} : memref<80x128xf32, #tpu.memory_space<vmem>>, vector<1x16xf32>,
        %add3A_1480 = arith.constant 11 : i32
        %add3A_1481 = arith.addi %mul3A_78, %add3A_1480 : i32
        %get3A_1482 = arith.index_cast %add3A_1481 : i32 to index
        %get3A_1483 = arith.constant 64 : index
        %get3A_1484 = tpu.vector_load %arg10[%get3A_1482, %get3A_1483] {strides = array<i32>} : memref<80x128xf32, #tpu.memory_space<vmem>>, vector<1x16xf32>,
        %get3A_1485 = vector.shape_cast %get3A_1484 : vector<1x16xf32> to vector<16xf32>
        %mul3A_1486 = vector.broadcast %squeeze3A_1419 : f32 to vector<16xf32>
        %mul3A_1487 = arith.mulf %get3A_1485, %mul3A_1486 : vector<16xf32>
        %add3A_1488 = arith.constant 11 : i32
        %add3A_1489 = arith.addi %mul3A_78, %add3A_1488 : i32
        %swap3A_1490 = arith.index_cast %add3A_1489 : i32 to index
        %swap3A_1491 = arith.constant 64 : index
        %swap3A_1492 = tpu.vector_load %arg10[%swap3A_1490, %swap3A_1491] {strides = array<i32>} : memref<80x128xf32, #tpu.memory_space<vmem>>, vector<1x16xf32>,
        %swap3A_1493 = vector.shape_cast %swap3A_1492 : vector<1x16xf32> to vector<16xf32>
        %swap3A_1494 = vector.shape_cast %mul3A_1487 : vector<16xf32> to vector<1x16xf32>
        tpu.vector_store %arg10[%swap3A_1490, %swap3A_1491], %swap3A_1494 {strides = array<i32>} : memref<80x128xf32, #tpu.memory_space<vmem>>, vector<1x16xf32>,
        %add3A_1495 = arith.constant 11 : i32
        %add3A_1496 = arith.addi %mul3A_78, %add3A_1495 : i32
        %get3A_1497 = arith.index_cast %add3A_1496 : i32 to index
        %get3A_1498 = arith.constant 80 : index
        %get3A_1499 = tpu.vector_load %arg10[%get3A_1497, %get3A_1498] {strides = array<i32>} : memref<80x128xf32, #tpu.memory_space<vmem>>, vector<1x16xf32>,
        %get3A_1500 = vector.shape_cast %get3A_1499 : vector<1x16xf32> to vector<16xf32>
        %mul3A_1501 = vector.broadcast %squeeze3A_1419 : f32 to vector<16xf32>
        %mul3A_1502 = arith.mulf %get3A_1500, %mul3A_1501 : vector<16xf32>
        %add3A_1503 = arith.constant 11 : i32
        %add3A_1504 = arith.addi %mul3A_78, %add3A_1503 : i32
        %swap3A_1505 = arith.index_cast %add3A_1504 : i32 to index
        %swap3A_1506 = arith.constant 80 : index
        %swap3A_1507 = tpu.vector_load %arg10[%swap3A_1505, %swap3A_1506] {strides = array<i32>} : memref<80x128xf32, #tpu.memory_space<vmem>>, vector<1x16xf32>,
        %swap3A_1508 = vector.shape_cast %swap3A_1507 : vector<1x16xf32> to vector<16xf32>
        %swap3A_1509 = vector.shape_cast %mul3A_1502 : vector<16xf32> to vector<1x16xf32>
        tpu.vector_store %arg10[%swap3A_1505, %swap3A_1506], %swap3A_1509 {strides = array<i32>} : memref<80x128xf32, #tpu.memory_space<vmem>>, vector<1x16xf32>,
        %add3A_1510 = arith.constant 11 : i32
        %add3A_1511 = arith.addi %mul3A_78, %add3A_1510 : i32
        %get3A_1512 = arith.index_cast %add3A_1511 : i32 to index
        %get3A_1513 = arith.constant 96 : index
        %get3A_1514 = tpu.vector_load %arg10[%get3A_1512, %get3A_1513] {strides = array<i32>} : memref<80x128xf32, #tpu.memory_space<vmem>>, vector<1x16xf32>,
        %get3A_1515 = vector.shape_cast %get3A_1514 : vector<1x16xf32> to vector<16xf32>
        %mul3A_1516 = vector.broadcast %squeeze3A_1419 : f32 to vector<16xf32>
        %mul3A_1517 = arith.mulf %get3A_1515, %mul3A_1516 : vector<16xf32>
        %add3A_1518 = arith.constant 11 : i32
        %add3A_1519 = arith.addi %mul3A_78, %add3A_1518 : i32
        %swap3A_1520 = arith.index_cast %add3A_1519 : i32 to index
        %swap3A_1521 = arith.constant 96 : index
        %swap3A_1522 = tpu.vector_load %arg10[%swap3A_1520, %swap3A_1521] {strides = array<i32>} : memref<80x128xf32, #tpu.memory_space<vmem>>, vector<1x16xf32>,
        %swap3A_1523 = vector.shape_cast %swap3A_1522 : vector<1x16xf32> to vector<16xf32>
        %swap3A_1524 = vector.shape_cast %mul3A_1517 : vector<16xf32> to vector<1x16xf32>
        tpu.vector_store %arg10[%swap3A_1520, %swap3A_1521], %swap3A_1524 {strides = array<i32>} : memref<80x128xf32, #tpu.memory_space<vmem>>, vector<1x16xf32>,
        %add3A_1525 = arith.constant 11 : i32
        %add3A_1526 = arith.addi %mul3A_78, %add3A_1525 : i32
        %get3A_1527 = arith.index_cast %add3A_1526 : i32 to index
        %get3A_1528 = arith.constant 112 : index
        %get3A_1529 = tpu.vector_load %arg10[%get3A_1527, %get3A_1528] {strides = array<i32>} : memref<80x128xf32, #tpu.memory_space<vmem>>, vector<1x16xf32>,
        %get3A_1530 = vector.shape_cast %get3A_1529 : vector<1x16xf32> to vector<16xf32>
        %mul3A_1531 = vector.broadcast %squeeze3A_1419 : f32 to vector<16xf32>
        %mul3A_1532 = arith.mulf %get3A_1530, %mul3A_1531 : vector<16xf32>
        %add3A_1533 = arith.constant 11 : i32
        %add3A_1534 = arith.addi %mul3A_78, %add3A_1533 : i32
        %swap3A_1535 = arith.index_cast %add3A_1534 : i32 to index
        %swap3A_1536 = arith.constant 112 : index
        %swap3A_1537 = tpu.vector_load %arg10[%swap3A_1535, %swap3A_1536] {strides = array<i32>} : memref<80x128xf32, #tpu.memory_space<vmem>>, vector<1x16xf32>,
        %swap3A_1538 = vector.shape_cast %swap3A_1537 : vector<1x16xf32> to vector<16xf32>
        %swap3A_1539 = vector.shape_cast %mul3A_1532 : vector<16xf32> to vector<1x16xf32>
        tpu.vector_store %arg10[%swap3A_1535, %swap3A_1536], %swap3A_1539 {strides = array<i32>} : memref<80x128xf32, #tpu.memory_space<vmem>>, vector<1x16xf32>,
        %slice3A_1540 = vector.extract_strided_slice %mul3A_76 {offsets = [12], sizes = [1], strides = [1]} : vector<16xf32> to vector<1xf32>
        %squeeze3A_1541 = vector.extract %slice3A_1540[0] : f32 from vector<1xf32>
        %add3A_1542 = arith.constant 12 : i32
        %add3A_1543 = arith.addi %mul3A_78, %add3A_1542 : i32
        %get3A_1544 = arith.index_cast %add3A_1543 : i32 to index
        %get3A_1545 = arith.constant 0 : index
        %get3A_1546 = tpu.vector_load %arg10[%get3A_1544, %get3A_1545] {strides = array<i32>} : memref<80x128xf32, #tpu.memory_space<vmem>>, vector<1x16xf32>,
        %get3A_1547 = vector.shape_cast %get3A_1546 : vector<1x16xf32> to vector<16xf32>
        %mul3A_1548 = vector.broadcast %squeeze3A_1541 : f32 to vector<16xf32>
        %mul3A_1549 = arith.mulf %get3A_1547, %mul3A_1548 : vector<16xf32>
        %add3A_1550 = arith.constant 12 : i32
        %add3A_1551 = arith.addi %mul3A_78, %add3A_1550 : i32
        %swap3A_1552 = arith.index_cast %add3A_1551 : i32 to index
        %swap3A_1553 = arith.constant 0 : index
        %swap3A_1554 = tpu.vector_load %arg10[%swap3A_1552, %swap3A_1553] {strides = array<i32>} : memref<80x128xf32, #tpu.memory_space<vmem>>, vector<1x16xf32>,
        %swap3A_1555 = vector.shape_cast %swap3A_1554 : vector<1x16xf32> to vector<16xf32>
        %swap3A_1556 = vector.shape_cast %mul3A_1549 : vector<16xf32> to vector<1x16xf32>
        tpu.vector_store %arg10[%swap3A_1552, %swap3A_1553], %swap3A_1556 {strides = array<i32>} : memref<80x128xf32, #tpu.memory_space<vmem>>, vector<1x16xf32>,
        %add3A_1557 = arith.constant 12 : i32
        %add3A_1558 = arith.addi %mul3A_78, %add3A_1557 : i32
        %get3A_1559 = arith.index_cast %add3A_1558 : i32 to index
        %get3A_1560 = arith.constant 16 : index
        %get3A_1561 = tpu.vector_load %arg10[%get3A_1559, %get3A_1560] {strides = array<i32>} : memref<80x128xf32, #tpu.memory_space<vmem>>, vector<1x16xf32>,
        %get3A_1562 = vector.shape_cast %get3A_1561 : vector<1x16xf32> to vector<16xf32>
        %mul3A_1563 = vector.broadcast %squeeze3A_1541 : f32 to vector<16xf32>
        %mul3A_1564 = arith.mulf %get3A_1562, %mul3A_1563 : vector<16xf32>
        %add3A_1565 = arith.constant 12 : i32
        %add3A_1566 = arith.addi %mul3A_78, %add3A_1565 : i32
        %swap3A_1567 = arith.index_cast %add3A_1566 : i32 to index
        %swap3A_1568 = arith.constant 16 : index
        %swap3A_1569 = tpu.vector_load %arg10[%swap3A_1567, %swap3A_1568] {strides = array<i32>} : memref<80x128xf32, #tpu.memory_space<vmem>>, vector<1x16xf32>,
        %swap3A_1570 = vector.shape_cast %swap3A_1569 : vector<1x16xf32> to vector<16xf32>
        %swap3A_1571 = vector.shape_cast %mul3A_1564 : vector<16xf32> to vector<1x16xf32>
        tpu.vector_store %arg10[%swap3A_1567, %swap3A_1568], %swap3A_1571 {strides = array<i32>} : memref<80x128xf32, #tpu.memory_space<vmem>>, vector<1x16xf32>,
        %add3A_1572 = arith.constant 12 : i32
        %add3A_1573 = arith.addi %mul3A_78, %add3A_1572 : i32
        %get3A_1574 = arith.index_cast %add3A_1573 : i32 to index
        %get3A_1575 = arith.constant 32 : index
        %get3A_1576 = tpu.vector_load %arg10[%get3A_1574, %get3A_1575] {strides = array<i32>} : memref<80x128xf32, #tpu.memory_space<vmem>>, vector<1x16xf32>,
        %get3A_1577 = vector.shape_cast %get3A_1576 : vector<1x16xf32> to vector<16xf32>
        %mul3A_1578 = vector.broadcast %squeeze3A_1541 : f32 to vector<16xf32>
        %mul3A_1579 = arith.mulf %get3A_1577, %mul3A_1578 : vector<16xf32>
        %add3A_1580 = arith.constant 12 : i32
        %add3A_1581 = arith.addi %mul3A_78, %add3A_1580 : i32
        %swap3A_1582 = arith.index_cast %add3A_1581 : i32 to index
        %swap3A_1583 = arith.constant 32 : index
        %swap3A_1584 = tpu.vector_load %arg10[%swap3A_1582, %swap3A_1583] {strides = array<i32>} : memref<80x128xf32, #tpu.memory_space<vmem>>, vector<1x16xf32>,
        %swap3A_1585 = vector.shape_cast %swap3A_1584 : vector<1x16xf32> to vector<16xf32>
        %swap3A_1586 = vector.shape_cast %mul3A_1579 : vector<16xf32> to vector<1x16xf32>
        tpu.vector_store %arg10[%swap3A_1582, %swap3A_1583], %swap3A_1586 {strides = array<i32>} : memref<80x128xf32, #tpu.memory_space<vmem>>, vector<1x16xf32>,
        %add3A_1587 = arith.constant 12 : i32
        %add3A_1588 = arith.addi %mul3A_78, %add3A_1587 : i32
        %get3A_1589 = arith.index_cast %add3A_1588 : i32 to index
        %get3A_1590 = arith.constant 48 : index
        %get3A_1591 = tpu.vector_load %arg10[%get3A_1589, %get3A_1590] {strides = array<i32>} : memref<80x128xf32, #tpu.memory_space<vmem>>, vector<1x16xf32>,
        %get3A_1592 = vector.shape_cast %get3A_1591 : vector<1x16xf32> to vector<16xf32>
        %mul3A_1593 = vector.broadcast %squeeze3A_1541 : f32 to vector<16xf32>
        %mul3A_1594 = arith.mulf %get3A_1592, %mul3A_1593 : vector<16xf32>
        %add3A_1595 = arith.constant 12 : i32
        %add3A_1596 = arith.addi %mul3A_78, %add3A_1595 : i32
        %swap3A_1597 = arith.index_cast %add3A_1596 : i32 to index
        %swap3A_1598 = arith.constant 48 : index
        %swap3A_1599 = tpu.vector_load %arg10[%swap3A_1597, %swap3A_1598] {strides = array<i32>} : memref<80x128xf32, #tpu.memory_space<vmem>>, vector<1x16xf32>,
        %swap3A_1600 = vector.shape_cast %swap3A_1599 : vector<1x16xf32> to vector<16xf32>
        %swap3A_1601 = vector.shape_cast %mul3A_1594 : vector<16xf32> to vector<1x16xf32>
        tpu.vector_store %arg10[%swap3A_1597, %swap3A_1598], %swap3A_1601 {strides = array<i32>} : memref<80x128xf32, #tpu.memory_space<vmem>>, vector<1x16xf32>,
        %add3A_1602 = arith.constant 12 : i32
        %add3A_1603 = arith.addi %mul3A_78, %add3A_1602 : i32
        %get3A_1604 = arith.index_cast %add3A_1603 : i32 to index
        %get3A_1605 = arith.constant 64 : index
        %get3A_1606 = tpu.vector_load %arg10[%get3A_1604, %get3A_1605] {strides = array<i32>} : memref<80x128xf32, #tpu.memory_space<vmem>>, vector<1x16xf32>,
        %get3A_1607 = vector.shape_cast %get3A_1606 : vector<1x16xf32> to vector<16xf32>
        %mul3A_1608 = vector.broadcast %squeeze3A_1541 : f32 to vector<16xf32>
        %mul3A_1609 = arith.mulf %get3A_1607, %mul3A_1608 : vector<16xf32>
        %add3A_1610 = arith.constant 12 : i32
        %add3A_1611 = arith.addi %mul3A_78, %add3A_1610 : i32
        %swap3A_1612 = arith.index_cast %add3A_1611 : i32 to index
        %swap3A_1613 = arith.constant 64 : index
        %swap3A_1614 = tpu.vector_load %arg10[%swap3A_1612, %swap3A_1613] {strides = array<i32>} : memref<80x128xf32, #tpu.memory_space<vmem>>, vector<1x16xf32>,
        %swap3A_1615 = vector.shape_cast %swap3A_1614 : vector<1x16xf32> to vector<16xf32>
        %swap3A_1616 = vector.shape_cast %mul3A_1609 : vector<16xf32> to vector<1x16xf32>
        tpu.vector_store %arg10[%swap3A_1612, %swap3A_1613], %swap3A_1616 {strides = array<i32>} : memref<80x128xf32, #tpu.memory_space<vmem>>, vector<1x16xf32>,
        %add3A_1617 = arith.constant 12 : i32
        %add3A_1618 = arith.addi %mul3A_78, %add3A_1617 : i32
        %get3A_1619 = arith.index_cast %add3A_1618 : i32 to index
        %get3A_1620 = arith.constant 80 : index
        %get3A_1621 = tpu.vector_load %arg10[%get3A_1619, %get3A_1620] {strides = array<i32>} : memref<80x128xf32, #tpu.memory_space<vmem>>, vector<1x16xf32>,
        %get3A_1622 = vector.shape_cast %get3A_1621 : vector<1x16xf32> to vector<16xf32>
        %mul3A_1623 = vector.broadcast %squeeze3A_1541 : f32 to vector<16xf32>
        %mul3A_1624 = arith.mulf %get3A_1622, %mul3A_1623 : vector<16xf32>
        %add3A_1625 = arith.constant 12 : i32
        %add3A_1626 = arith.addi %mul3A_78, %add3A_1625 : i32
        %swap3A_1627 = arith.index_cast %add3A_1626 : i32 to index
        %swap3A_1628 = arith.constant 80 : index
        %swap3A_1629 = tpu.vector_load %arg10[%swap3A_1627, %swap3A_1628] {strides = array<i32>} : memref<80x128xf32, #tpu.memory_space<vmem>>, vector<1x16xf32>,
        %swap3A_1630 = vector.shape_cast %swap3A_1629 : vector<1x16xf32> to vector<16xf32>
        %swap3A_1631 = vector.shape_cast %mul3A_1624 : vector<16xf32> to vector<1x16xf32>
        tpu.vector_store %arg10[%swap3A_1627, %swap3A_1628], %swap3A_1631 {strides = array<i32>} : memref<80x128xf32, #tpu.memory_space<vmem>>, vector<1x16xf32>,
        %add3A_1632 = arith.constant 12 : i32
        %add3A_1633 = arith.addi %mul3A_78, %add3A_1632 : i32
        %get3A_1634 = arith.index_cast %add3A_1633 : i32 to index
        %get3A_1635 = arith.constant 96 : index
        %get3A_1636 = tpu.vector_load %arg10[%get3A_1634, %get3A_1635] {strides = array<i32>} : memref<80x128xf32, #tpu.memory_space<vmem>>, vector<1x16xf32>,
        %get3A_1637 = vector.shape_cast %get3A_1636 : vector<1x16xf32> to vector<16xf32>
        %mul3A_1638 = vector.broadcast %squeeze3A_1541 : f32 to vector<16xf32>
        %mul3A_1639 = arith.mulf %get3A_1637, %mul3A_1638 : vector<16xf32>
        %add3A_1640 = arith.constant 12 : i32
        %add3A_1641 = arith.addi %mul3A_78, %add3A_1640 : i32
        %swap3A_1642 = arith.index_cast %add3A_1641 : i32 to index
        %swap3A_1643 = arith.constant 96 : index
        %swap3A_1644 = tpu.vector_load %arg10[%swap3A_1642, %swap3A_1643] {strides = array<i32>} : memref<80x128xf32, #tpu.memory_space<vmem>>, vector<1x16xf32>,
        %swap3A_1645 = vector.shape_cast %swap3A_1644 : vector<1x16xf32> to vector<16xf32>
        %swap3A_1646 = vector.shape_cast %mul3A_1639 : vector<16xf32> to vector<1x16xf32>
        tpu.vector_store %arg10[%swap3A_1642, %swap3A_1643], %swap3A_1646 {strides = array<i32>} : memref<80x128xf32, #tpu.memory_space<vmem>>, vector<1x16xf32>,
        %add3A_1647 = arith.constant 12 : i32
        %add3A_1648 = arith.addi %mul3A_78, %add3A_1647 : i32
        %get3A_1649 = arith.index_cast %add3A_1648 : i32 to index
        %get3A_1650 = arith.constant 112 : index
        %get3A_1651 = tpu.vector_load %arg10[%get3A_1649, %get3A_1650] {strides = array<i32>} : memref<80x128xf32, #tpu.memory_space<vmem>>, vector<1x16xf32>,
        %get3A_1652 = vector.shape_cast %get3A_1651 : vector<1x16xf32> to vector<16xf32>
        %mul3A_1653 = vector.broadcast %squeeze3A_1541 : f32 to vector<16xf32>
        %mul3A_1654 = arith.mulf %get3A_1652, %mul3A_1653 : vector<16xf32>
        %add3A_1655 = arith.constant 12 : i32
        %add3A_1656 = arith.addi %mul3A_78, %add3A_1655 : i32
        %swap3A_1657 = arith.index_cast %add3A_1656 : i32 to index
        %swap3A_1658 = arith.constant 112 : index
        %swap3A_1659 = tpu.vector_load %arg10[%swap3A_1657, %swap3A_1658] {strides = array<i32>} : memref<80x128xf32, #tpu.memory_space<vmem>>, vector<1x16xf32>,
        %swap3A_1660 = vector.shape_cast %swap3A_1659 : vector<1x16xf32> to vector<16xf32>
        %swap3A_1661 = vector.shape_cast %mul3A_1654 : vector<16xf32> to vector<1x16xf32>
        tpu.vector_store %arg10[%swap3A_1657, %swap3A_1658], %swap3A_1661 {strides = array<i32>} : memref<80x128xf32, #tpu.memory_space<vmem>>, vector<1x16xf32>,
        %slice3A_1662 = vector.extract_strided_slice %mul3A_76 {offsets = [13], sizes = [1], strides = [1]} : vector<16xf32> to vector<1xf32>
        %squeeze3A_1663 = vector.extract %slice3A_1662[0] : f32 from vector<1xf32>
        %add3A_1664 = arith.constant 13 : i32
        %add3A_1665 = arith.addi %mul3A_78, %add3A_1664 : i32
        %get3A_1666 = arith.index_cast %add3A_1665 : i32 to index
        %get3A_1667 = arith.constant 0 : index
        %get3A_1668 = tpu.vector_load %arg10[%get3A_1666, %get3A_1667] {strides = array<i32>} : memref<80x128xf32, #tpu.memory_space<vmem>>, vector<1x16xf32>,
        %get3A_1669 = vector.shape_cast %get3A_1668 : vector<1x16xf32> to vector<16xf32>
        %mul3A_1670 = vector.broadcast %squeeze3A_1663 : f32 to vector<16xf32>
        %mul3A_1671 = arith.mulf %get3A_1669, %mul3A_1670 : vector<16xf32>
        %add3A_1672 = arith.constant 13 : i32
        %add3A_1673 = arith.addi %mul3A_78, %add3A_1672 : i32
        %swap3A_1674 = arith.index_cast %add3A_1673 : i32 to index
        %swap3A_1675 = arith.constant 0 : index
        %swap3A_1676 = tpu.vector_load %arg10[%swap3A_1674, %swap3A_1675] {strides = array<i32>} : memref<80x128xf32, #tpu.memory_space<vmem>>, vector<1x16xf32>,
        %swap3A_1677 = vector.shape_cast %swap3A_1676 : vector<1x16xf32> to vector<16xf32>
        %swap3A_1678 = vector.shape_cast %mul3A_1671 : vector<16xf32> to vector<1x16xf32>
        tpu.vector_store %arg10[%swap3A_1674, %swap3A_1675], %swap3A_1678 {strides = array<i32>} : memref<80x128xf32, #tpu.memory_space<vmem>>, vector<1x16xf32>,
        %add3A_1679 = arith.constant 13 : i32
        %add3A_1680 = arith.addi %mul3A_78, %add3A_1679 : i32
        %get3A_1681 = arith.index_cast %add3A_1680 : i32 to index
        %get3A_1682 = arith.constant 16 : index
        %get3A_1683 = tpu.vector_load %arg10[%get3A_1681, %get3A_1682] {strides = array<i32>} : memref<80x128xf32, #tpu.memory_space<vmem>>, vector<1x16xf32>,
        %get3A_1684 = vector.shape_cast %get3A_1683 : vector<1x16xf32> to vector<16xf32>
        %mul3A_1685 = vector.broadcast %squeeze3A_1663 : f32 to vector<16xf32>
        %mul3A_1686 = arith.mulf %get3A_1684, %mul3A_1685 : vector<16xf32>
        %add3A_1687 = arith.constant 13 : i32
        %add3A_1688 = arith.addi %mul3A_78, %add3A_1687 : i32
        %swap3A_1689 = arith.index_cast %add3A_1688 : i32 to index
        %swap3A_1690 = arith.constant 16 : index
        %swap3A_1691 = tpu.vector_load %arg10[%swap3A_1689, %swap3A_1690] {strides = array<i32>} : memref<80x128xf32, #tpu.memory_space<vmem>>, vector<1x16xf32>,
        %swap3A_1692 = vector.shape_cast %swap3A_1691 : vector<1x16xf32> to vector<16xf32>
        %swap3A_1693 = vector.shape_cast %mul3A_1686 : vector<16xf32> to vector<1x16xf32>
        tpu.vector_store %arg10[%swap3A_1689, %swap3A_1690], %swap3A_1693 {strides = array<i32>} : memref<80x128xf32, #tpu.memory_space<vmem>>, vector<1x16xf32>,
        %add3A_1694 = arith.constant 13 : i32
        %add3A_1695 = arith.addi %mul3A_78, %add3A_1694 : i32
        %get3A_1696 = arith.index_cast %add3A_1695 : i32 to index
        %get3A_1697 = arith.constant 32 : index
        %get3A_1698 = tpu.vector_load %arg10[%get3A_1696, %get3A_1697] {strides = array<i32>} : memref<80x128xf32, #tpu.memory_space<vmem>>, vector<1x16xf32>,
        %get3A_1699 = vector.shape_cast %get3A_1698 : vector<1x16xf32> to vector<16xf32>
        %mul3A_1700 = vector.broadcast %squeeze3A_1663 : f32 to vector<16xf32>
        %mul3A_1701 = arith.mulf %get3A_1699, %mul3A_1700 : vector<16xf32>
        %add3A_1702 = arith.constant 13 : i32
        %add3A_1703 = arith.addi %mul3A_78, %add3A_1702 : i32
        %swap3A_1704 = arith.index_cast %add3A_1703 : i32 to index
        %swap3A_1705 = arith.constant 32 : index
        %swap3A_1706 = tpu.vector_load %arg10[%swap3A_1704, %swap3A_1705] {strides = array<i32>} : memref<80x128xf32, #tpu.memory_space<vmem>>, vector<1x16xf32>,
        %swap3A_1707 = vector.shape_cast %swap3A_1706 : vector<1x16xf32> to vector<16xf32>
        %swap3A_1708 = vector.shape_cast %mul3A_1701 : vector<16xf32> to vector<1x16xf32>
        tpu.vector_store %arg10[%swap3A_1704, %swap3A_1705], %swap3A_1708 {strides = array<i32>} : memref<80x128xf32, #tpu.memory_space<vmem>>, vector<1x16xf32>,
        %add3A_1709 = arith.constant 13 : i32
        %add3A_1710 = arith.addi %mul3A_78, %add3A_1709 : i32
        %get3A_1711 = arith.index_cast %add3A_1710 : i32 to index
        %get3A_1712 = arith.constant 48 : index
        %get3A_1713 = tpu.vector_load %arg10[%get3A_1711, %get3A_1712] {strides = array<i32>} : memref<80x128xf32, #tpu.memory_space<vmem>>, vector<1x16xf32>,
        %get3A_1714 = vector.shape_cast %get3A_1713 : vector<1x16xf32> to vector<16xf32>
        %mul3A_1715 = vector.broadcast %squeeze3A_1663 : f32 to vector<16xf32>
        %mul3A_1716 = arith.mulf %get3A_1714, %mul3A_1715 : vector<16xf32>
        %add3A_1717 = arith.constant 13 : i32
        %add3A_1718 = arith.addi %mul3A_78, %add3A_1717 : i32
        %swap3A_1719 = arith.index_cast %add3A_1718 : i32 to index
        %swap3A_1720 = arith.constant 48 : index
        %swap3A_1721 = tpu.vector_load %arg10[%swap3A_1719, %swap3A_1720] {strides = array<i32>} : memref<80x128xf32, #tpu.memory_space<vmem>>, vector<1x16xf32>,
        %swap3A_1722 = vector.shape_cast %swap3A_1721 : vector<1x16xf32> to vector<16xf32>
        %swap3A_1723 = vector.shape_cast %mul3A_1716 : vector<16xf32> to vector<1x16xf32>
        tpu.vector_store %arg10[%swap3A_1719, %swap3A_1720], %swap3A_1723 {strides = array<i32>} : memref<80x128xf32, #tpu.memory_space<vmem>>, vector<1x16xf32>,
        %add3A_1724 = arith.constant 13 : i32
        %add3A_1725 = arith.addi %mul3A_78, %add3A_1724 : i32
        %get3A_1726 = arith.index_cast %add3A_1725 : i32 to index
        %get3A_1727 = arith.constant 64 : index
        %get3A_1728 = tpu.vector_load %arg10[%get3A_1726, %get3A_1727] {strides = array<i32>} : memref<80x128xf32, #tpu.memory_space<vmem>>, vector<1x16xf32>,
        %get3A_1729 = vector.shape_cast %get3A_1728 : vector<1x16xf32> to vector<16xf32>
        %mul3A_1730 = vector.broadcast %squeeze3A_1663 : f32 to vector<16xf32>
        %mul3A_1731 = arith.mulf %get3A_1729, %mul3A_1730 : vector<16xf32>
        %add3A_1732 = arith.constant 13 : i32
        %add3A_1733 = arith.addi %mul3A_78, %add3A_1732 : i32
        %swap3A_1734 = arith.index_cast %add3A_1733 : i32 to index
        %swap3A_1735 = arith.constant 64 : index
        %swap3A_1736 = tpu.vector_load %arg10[%swap3A_1734, %swap3A_1735] {strides = array<i32>} : memref<80x128xf32, #tpu.memory_space<vmem>>, vector<1x16xf32>,
        %swap3A_1737 = vector.shape_cast %swap3A_1736 : vector<1x16xf32> to vector<16xf32>
        %swap3A_1738 = vector.shape_cast %mul3A_1731 : vector<16xf32> to vector<1x16xf32>
        tpu.vector_store %arg10[%swap3A_1734, %swap3A_1735], %swap3A_1738 {strides = array<i32>} : memref<80x128xf32, #tpu.memory_space<vmem>>, vector<1x16xf32>,
        %add3A_1739 = arith.constant 13 : i32
        %add3A_1740 = arith.addi %mul3A_78, %add3A_1739 : i32
        %get3A_1741 = arith.index_cast %add3A_1740 : i32 to index
        %get3A_1742 = arith.constant 80 : index
        %get3A_1743 = tpu.vector_load %arg10[%get3A_1741, %get3A_1742] {strides = array<i32>} : memref<80x128xf32, #tpu.memory_space<vmem>>, vector<1x16xf32>,
        %get3A_1744 = vector.shape_cast %get3A_1743 : vector<1x16xf32> to vector<16xf32>
        %mul3A_1745 = vector.broadcast %squeeze3A_1663 : f32 to vector<16xf32>
        %mul3A_1746 = arith.mulf %get3A_1744, %mul3A_1745 : vector<16xf32>
        %add3A_1747 = arith.constant 13 : i32
        %add3A_1748 = arith.addi %mul3A_78, %add3A_1747 : i32
        %swap3A_1749 = arith.index_cast %add3A_1748 : i32 to index
        %swap3A_1750 = arith.constant 80 : index
        %swap3A_1751 = tpu.vector_load %arg10[%swap3A_1749, %swap3A_1750] {strides = array<i32>} : memref<80x128xf32, #tpu.memory_space<vmem>>, vector<1x16xf32>,
        %swap3A_1752 = vector.shape_cast %swap3A_1751 : vector<1x16xf32> to vector<16xf32>
        %swap3A_1753 = vector.shape_cast %mul3A_1746 : vector<16xf32> to vector<1x16xf32>
        tpu.vector_store %arg10[%swap3A_1749, %swap3A_1750], %swap3A_1753 {strides = array<i32>} : memref<80x128xf32, #tpu.memory_space<vmem>>, vector<1x16xf32>,
        %add3A_1754 = arith.constant 13 : i32
        %add3A_1755 = arith.addi %mul3A_78, %add3A_1754 : i32
        %get3A_1756 = arith.index_cast %add3A_1755 : i32 to index
        %get3A_1757 = arith.constant 96 : index
        %get3A_1758 = tpu.vector_load %arg10[%get3A_1756, %get3A_1757] {strides = array<i32>} : memref<80x128xf32, #tpu.memory_space<vmem>>, vector<1x16xf32>,
        %get3A_1759 = vector.shape_cast %get3A_1758 : vector<1x16xf32> to vector<16xf32>
        %mul3A_1760 = vector.broadcast %squeeze3A_1663 : f32 to vector<16xf32>
        %mul3A_1761 = arith.mulf %get3A_1759, %mul3A_1760 : vector<16xf32>
        %add3A_1762 = arith.constant 13 : i32
        %add3A_1763 = arith.addi %mul3A_78, %add3A_1762 : i32
        %swap3A_1764 = arith.index_cast %add3A_1763 : i32 to index
        %swap3A_1765 = arith.constant 96 : index
        %swap3A_1766 = tpu.vector_load %arg10[%swap3A_1764, %swap3A_1765] {strides = array<i32>} : memref<80x128xf32, #tpu.memory_space<vmem>>, vector<1x16xf32>,
        %swap3A_1767 = vector.shape_cast %swap3A_1766 : vector<1x16xf32> to vector<16xf32>
        %swap3A_1768 = vector.shape_cast %mul3A_1761 : vector<16xf32> to vector<1x16xf32>
        tpu.vector_store %arg10[%swap3A_1764, %swap3A_1765], %swap3A_1768 {strides = array<i32>} : memref<80x128xf32, #tpu.memory_space<vmem>>, vector<1x16xf32>,
        %add3A_1769 = arith.constant 13 : i32
        %add3A_1770 = arith.addi %mul3A_78, %add3A_1769 : i32
        %get3A_1771 = arith.index_cast %add3A_1770 : i32 to index
        %get3A_1772 = arith.constant 112 : index
        %get3A_1773 = tpu.vector_load %arg10[%get3A_1771, %get3A_1772] {strides = array<i32>} : memref<80x128xf32, #tpu.memory_space<vmem>>, vector<1x16xf32>,
        %get3A_1774 = vector.shape_cast %get3A_1773 : vector<1x16xf32> to vector<16xf32>
        %mul3A_1775 = vector.broadcast %squeeze3A_1663 : f32 to vector<16xf32>
        %mul3A_1776 = arith.mulf %get3A_1774, %mul3A_1775 : vector<16xf32>
        %add3A_1777 = arith.constant 13 : i32
        %add3A_1778 = arith.addi %mul3A_78, %add3A_1777 : i32
        %swap3A_1779 = arith.index_cast %add3A_1778 : i32 to index
        %swap3A_1780 = arith.constant 112 : index
        %swap3A_1781 = tpu.vector_load %arg10[%swap3A_1779, %swap3A_1780] {strides = array<i32>} : memref<80x128xf32, #tpu.memory_space<vmem>>, vector<1x16xf32>,
        %swap3A_1782 = vector.shape_cast %swap3A_1781 : vector<1x16xf32> to vector<16xf32>
        %swap3A_1783 = vector.shape_cast %mul3A_1776 : vector<16xf32> to vector<1x16xf32>
        tpu.vector_store %arg10[%swap3A_1779, %swap3A_1780], %swap3A_1783 {strides = array<i32>} : memref<80x128xf32, #tpu.memory_space<vmem>>, vector<1x16xf32>,
        %slice3A_1784 = vector.extract_strided_slice %mul3A_76 {offsets = [14], sizes = [1], strides = [1]} : vector<16xf32> to vector<1xf32>
        %squeeze3A_1785 = vector.extract %slice3A_1784[0] : f32 from vector<1xf32>
        %add3A_1786 = arith.constant 14 : i32
        %add3A_1787 = arith.addi %mul3A_78, %add3A_1786 : i32
        %get3A_1788 = arith.index_cast %add3A_1787 : i32 to index
        %get3A_1789 = arith.constant 0 : index
        %get3A_1790 = tpu.vector_load %arg10[%get3A_1788, %get3A_1789] {strides = array<i32>} : memref<80x128xf32, #tpu.memory_space<vmem>>, vector<1x16xf32>,
        %get3A_1791 = vector.shape_cast %get3A_1790 : vector<1x16xf32> to vector<16xf32>
        %mul3A_1792 = vector.broadcast %squeeze3A_1785 : f32 to vector<16xf32>
        %mul3A_1793 = arith.mulf %get3A_1791, %mul3A_1792 : vector<16xf32>
        %add3A_1794 = arith.constant 14 : i32
        %add3A_1795 = arith.addi %mul3A_78, %add3A_1794 : i32
        %swap3A_1796 = arith.index_cast %add3A_1795 : i32 to index
        %swap3A_1797 = arith.constant 0 : index
        %swap3A_1798 = tpu.vector_load %arg10[%swap3A_1796, %swap3A_1797] {strides = array<i32>} : memref<80x128xf32, #tpu.memory_space<vmem>>, vector<1x16xf32>,
        %swap3A_1799 = vector.shape_cast %swap3A_1798 : vector<1x16xf32> to vector<16xf32>
        %swap3A_1800 = vector.shape_cast %mul3A_1793 : vector<16xf32> to vector<1x16xf32>
        tpu.vector_store %arg10[%swap3A_1796, %swap3A_1797], %swap3A_1800 {strides = array<i32>} : memref<80x128xf32, #tpu.memory_space<vmem>>, vector<1x16xf32>,
        %add3A_1801 = arith.constant 14 : i32
        %add3A_1802 = arith.addi %mul3A_78, %add3A_1801 : i32
        %get3A_1803 = arith.index_cast %add3A_1802 : i32 to index
        %get3A_1804 = arith.constant 16 : index
        %get3A_1805 = tpu.vector_load %arg10[%get3A_1803, %get3A_1804] {strides = array<i32>} : memref<80x128xf32, #tpu.memory_space<vmem>>, vector<1x16xf32>,
        %get3A_1806 = vector.shape_cast %get3A_1805 : vector<1x16xf32> to vector<16xf32>
        %mul3A_1807 = vector.broadcast %squeeze3A_1785 : f32 to vector<16xf32>
        %mul3A_1808 = arith.mulf %get3A_1806, %mul3A_1807 : vector<16xf32>
        %add3A_1809 = arith.constant 14 : i32
        %add3A_1810 = arith.addi %mul3A_78, %add3A_1809 : i32
        %swap3A_1811 = arith.index_cast %add3A_1810 : i32 to index
        %swap3A_1812 = arith.constant 16 : index
        %swap3A_1813 = tpu.vector_load %arg10[%swap3A_1811, %swap3A_1812] {strides = array<i32>} : memref<80x128xf32, #tpu.memory_space<vmem>>, vector<1x16xf32>,
        %swap3A_1814 = vector.shape_cast %swap3A_1813 : vector<1x16xf32> to vector<16xf32>
        %swap3A_1815 = vector.shape_cast %mul3A_1808 : vector<16xf32> to vector<1x16xf32>
        tpu.vector_store %arg10[%swap3A_1811, %swap3A_1812], %swap3A_1815 {strides = array<i32>} : memref<80x128xf32, #tpu.memory_space<vmem>>, vector<1x16xf32>,
        %add3A_1816 = arith.constant 14 : i32
        %add3A_1817 = arith.addi %mul3A_78, %add3A_1816 : i32
        %get3A_1818 = arith.index_cast %add3A_1817 : i32 to index
        %get3A_1819 = arith.constant 32 : index
        %get3A_1820 = tpu.vector_load %arg10[%get3A_1818, %get3A_1819] {strides = array<i32>} : memref<80x128xf32, #tpu.memory_space<vmem>>, vector<1x16xf32>,
        %get3A_1821 = vector.shape_cast %get3A_1820 : vector<1x16xf32> to vector<16xf32>
        %mul3A_1822 = vector.broadcast %squeeze3A_1785 : f32 to vector<16xf32>
        %mul3A_1823 = arith.mulf %get3A_1821, %mul3A_1822 : vector<16xf32>
        %add3A_1824 = arith.constant 14 : i32
        %add3A_1825 = arith.addi %mul3A_78, %add3A_1824 : i32
        %swap3A_1826 = arith.index_cast %add3A_1825 : i32 to index
        %swap3A_1827 = arith.constant 32 : index
        %swap3A_1828 = tpu.vector_load %arg10[%swap3A_1826, %swap3A_1827] {strides = array<i32>} : memref<80x128xf32, #tpu.memory_space<vmem>>, vector<1x16xf32>,
        %swap3A_1829 = vector.shape_cast %swap3A_1828 : vector<1x16xf32> to vector<16xf32>
        %swap3A_1830 = vector.shape_cast %mul3A_1823 : vector<16xf32> to vector<1x16xf32>
        tpu.vector_store %arg10[%swap3A_1826, %swap3A_1827], %swap3A_1830 {strides = array<i32>} : memref<80x128xf32, #tpu.memory_space<vmem>>, vector<1x16xf32>,
        %add3A_1831 = arith.constant 14 : i32
        %add3A_1832 = arith.addi %mul3A_78, %add3A_1831 : i32
        %get3A_1833 = arith.index_cast %add3A_1832 : i32 to index
        %get3A_1834 = arith.constant 48 : index
        %get3A_1835 = tpu.vector_load %arg10[%get3A_1833, %get3A_1834] {strides = array<i32>} : memref<80x128xf32, #tpu.memory_space<vmem>>, vector<1x16xf32>,
        %get3A_1836 = vector.shape_cast %get3A_1835 : vector<1x16xf32> to vector<16xf32>
        %mul3A_1837 = vector.broadcast %squeeze3A_1785 : f32 to vector<16xf32>
        %mul3A_1838 = arith.mulf %get3A_1836, %mul3A_1837 : vector<16xf32>
        %add3A_1839 = arith.constant 14 : i32
        %add3A_1840 = arith.addi %mul3A_78, %add3A_1839 : i32
        %swap3A_1841 = arith.index_cast %add3A_1840 : i32 to index
        %swap3A_1842 = arith.constant 48 : index
        %swap3A_1843 = tpu.vector_load %arg10[%swap3A_1841, %swap3A_1842] {strides = array<i32>} : memref<80x128xf32, #tpu.memory_space<vmem>>, vector<1x16xf32>,
        %swap3A_1844 = vector.shape_cast %swap3A_1843 : vector<1x16xf32> to vector<16xf32>
        %swap3A_1845 = vector.shape_cast %mul3A_1838 : vector<16xf32> to vector<1x16xf32>
        tpu.vector_store %arg10[%swap3A_1841, %swap3A_1842], %swap3A_1845 {strides = array<i32>} : memref<80x128xf32, #tpu.memory_space<vmem>>, vector<1x16xf32>,
        %add3A_1846 = arith.constant 14 : i32
        %add3A_1847 = arith.addi %mul3A_78, %add3A_1846 : i32
        %get3A_1848 = arith.index_cast %add3A_1847 : i32 to index
        %get3A_1849 = arith.constant 64 : index
        %get3A_1850 = tpu.vector_load %arg10[%get3A_1848, %get3A_1849] {strides = array<i32>} : memref<80x128xf32, #tpu.memory_space<vmem>>, vector<1x16xf32>,
        %get3A_1851 = vector.shape_cast %get3A_1850 : vector<1x16xf32> to vector<16xf32>
        %mul3A_1852 = vector.broadcast %squeeze3A_1785 : f32 to vector<16xf32>
        %mul3A_1853 = arith.mulf %get3A_1851, %mul3A_1852 : vector<16xf32>
        %add3A_1854 = arith.constant 14 : i32
        %add3A_1855 = arith.addi %mul3A_78, %add3A_1854 : i32
        %swap3A_1856 = arith.index_cast %add3A_1855 : i32 to index
        %swap3A_1857 = arith.constant 64 : index
        %swap3A_1858 = tpu.vector_load %arg10[%swap3A_1856, %swap3A_1857] {strides = array<i32>} : memref<80x128xf32, #tpu.memory_space<vmem>>, vector<1x16xf32>,
        %swap3A_1859 = vector.shape_cast %swap3A_1858 : vector<1x16xf32> to vector<16xf32>
        %swap3A_1860 = vector.shape_cast %mul3A_1853 : vector<16xf32> to vector<1x16xf32>
        tpu.vector_store %arg10[%swap3A_1856, %swap3A_1857], %swap3A_1860 {strides = array<i32>} : memref<80x128xf32, #tpu.memory_space<vmem>>, vector<1x16xf32>,
        %add3A_1861 = arith.constant 14 : i32
        %add3A_1862 = arith.addi %mul3A_78, %add3A_1861 : i32
        %get3A_1863 = arith.index_cast %add3A_1862 : i32 to index
        %get3A_1864 = arith.constant 80 : index
        %get3A_1865 = tpu.vector_load %arg10[%get3A_1863, %get3A_1864] {strides = array<i32>} : memref<80x128xf32, #tpu.memory_space<vmem>>, vector<1x16xf32>,
        %get3A_1866 = vector.shape_cast %get3A_1865 : vector<1x16xf32> to vector<16xf32>
        %mul3A_1867 = vector.broadcast %squeeze3A_1785 : f32 to vector<16xf32>
        %mul3A_1868 = arith.mulf %get3A_1866, %mul3A_1867 : vector<16xf32>
        %add3A_1869 = arith.constant 14 : i32
        %add3A_1870 = arith.addi %mul3A_78, %add3A_1869 : i32
        %swap3A_1871 = arith.index_cast %add3A_1870 : i32 to index
        %swap3A_1872 = arith.constant 80 : index
        %swap3A_1873 = tpu.vector_load %arg10[%swap3A_1871, %swap3A_1872] {strides = array<i32>} : memref<80x128xf32, #tpu.memory_space<vmem>>, vector<1x16xf32>,
        %swap3A_1874 = vector.shape_cast %swap3A_1873 : vector<1x16xf32> to vector<16xf32>
        %swap3A_1875 = vector.shape_cast %mul3A_1868 : vector<16xf32> to vector<1x16xf32>
        tpu.vector_store %arg10[%swap3A_1871, %swap3A_1872], %swap3A_1875 {strides = array<i32>} : memref<80x128xf32, #tpu.memory_space<vmem>>, vector<1x16xf32>,
        %add3A_1876 = arith.constant 14 : i32
        %add3A_1877 = arith.addi %mul3A_78, %add3A_1876 : i32
        %get3A_1878 = arith.index_cast %add3A_1877 : i32 to index
        %get3A_1879 = arith.constant 96 : index
        %get3A_1880 = tpu.vector_load %arg10[%get3A_1878, %get3A_1879] {strides = array<i32>} : memref<80x128xf32, #tpu.memory_space<vmem>>, vector<1x16xf32>,
        %get3A_1881 = vector.shape_cast %get3A_1880 : vector<1x16xf32> to vector<16xf32>
        %mul3A_1882 = vector.broadcast %squeeze3A_1785 : f32 to vector<16xf32>
        %mul3A_1883 = arith.mulf %get3A_1881, %mul3A_1882 : vector<16xf32>
        %add3A_1884 = arith.constant 14 : i32
        %add3A_1885 = arith.addi %mul3A_78, %add3A_1884 : i32
        %swap3A_1886 = arith.index_cast %add3A_1885 : i32 to index
        %swap3A_1887 = arith.constant 96 : index
        %swap3A_1888 = tpu.vector_load %arg10[%swap3A_1886, %swap3A_1887] {strides = array<i32>} : memref<80x128xf32, #tpu.memory_space<vmem>>, vector<1x16xf32>,
        %swap3A_1889 = vector.shape_cast %swap3A_1888 : vector<1x16xf32> to vector<16xf32>
        %swap3A_1890 = vector.shape_cast %mul3A_1883 : vector<16xf32> to vector<1x16xf32>
        tpu.vector_store %arg10[%swap3A_1886, %swap3A_1887], %swap3A_1890 {strides = array<i32>} : memref<80x128xf32, #tpu.memory_space<vmem>>, vector<1x16xf32>,
        %add3A_1891 = arith.constant 14 : i32
        %add3A_1892 = arith.addi %mul3A_78, %add3A_1891 : i32
        %get3A_1893 = arith.index_cast %add3A_1892 : i32 to index
        %get3A_1894 = arith.constant 112 : index
        %get3A_1895 = tpu.vector_load %arg10[%get3A_1893, %get3A_1894] {strides = array<i32>} : memref<80x128xf32, #tpu.memory_space<vmem>>, vector<1x16xf32>,
        %get3A_1896 = vector.shape_cast %get3A_1895 : vector<1x16xf32> to vector<16xf32>
        %mul3A_1897 = vector.broadcast %squeeze3A_1785 : f32 to vector<16xf32>
        %mul3A_1898 = arith.mulf %get3A_1896, %mul3A_1897 : vector<16xf32>
        %add3A_1899 = arith.constant 14 : i32
        %add3A_1900 = arith.addi %mul3A_78, %add3A_1899 : i32
        %swap3A_1901 = arith.index_cast %add3A_1900 : i32 to index
        %swap3A_1902 = arith.constant 112 : index
        %swap3A_1903 = tpu.vector_load %arg10[%swap3A_1901, %swap3A_1902] {strides = array<i32>} : memref<80x128xf32, #tpu.memory_space<vmem>>, vector<1x16xf32>,
        %swap3A_1904 = vector.shape_cast %swap3A_1903 : vector<1x16xf32> to vector<16xf32>
        %swap3A_1905 = vector.shape_cast %mul3A_1898 : vector<16xf32> to vector<1x16xf32>
        tpu.vector_store %arg10[%swap3A_1901, %swap3A_1902], %swap3A_1905 {strides = array<i32>} : memref<80x128xf32, #tpu.memory_space<vmem>>, vector<1x16xf32>,
        %slice3A_1906 = vector.extract_strided_slice %mul3A_76 {offsets = [15], sizes = [1], strides = [1]} : vector<16xf32> to vector<1xf32>
        %squeeze3A_1907 = vector.extract %slice3A_1906[0] : f32 from vector<1xf32>
        %add3A_1908 = arith.constant 15 : i32
        %add3A_1909 = arith.addi %mul3A_78, %add3A_1908 : i32
        %get3A_1910 = arith.index_cast %add3A_1909 : i32 to index
        %get3A_1911 = arith.constant 0 : index
        %get3A_1912 = tpu.vector_load %arg10[%get3A_1910, %get3A_1911] {strides = array<i32>} : memref<80x128xf32, #tpu.memory_space<vmem>>, vector<1x16xf32>,
        %get3A_1913 = vector.shape_cast %get3A_1912 : vector<1x16xf32> to vector<16xf32>
        %mul3A_1914 = vector.broadcast %squeeze3A_1907 : f32 to vector<16xf32>
        %mul3A_1915 = arith.mulf %get3A_1913, %mul3A_1914 : vector<16xf32>
        %add3A_1916 = arith.constant 15 : i32
        %add3A_1917 = arith.addi %mul3A_78, %add3A_1916 : i32
        %swap3A_1918 = arith.index_cast %add3A_1917 : i32 to index
        %swap3A_1919 = arith.constant 0 : index
        %swap3A_1920 = tpu.vector_load %arg10[%swap3A_1918, %swap3A_1919] {strides = array<i32>} : memref<80x128xf32, #tpu.memory_space<vmem>>, vector<1x16xf32>,
        %swap3A_1921 = vector.shape_cast %swap3A_1920 : vector<1x16xf32> to vector<16xf32>
        %swap3A_1922 = vector.shape_cast %mul3A_1915 : vector<16xf32> to vector<1x16xf32>
        tpu.vector_store %arg10[%swap3A_1918, %swap3A_1919], %swap3A_1922 {strides = array<i32>} : memref<80x128xf32, #tpu.memory_space<vmem>>, vector<1x16xf32>,
        %add3A_1923 = arith.constant 15 : i32
        %add3A_1924 = arith.addi %mul3A_78, %add3A_1923 : i32
        %get3A_1925 = arith.index_cast %add3A_1924 : i32 to index
        %get3A_1926 = arith.constant 16 : index
        %get3A_1927 = tpu.vector_load %arg10[%get3A_1925, %get3A_1926] {strides = array<i32>} : memref<80x128xf32, #tpu.memory_space<vmem>>, vector<1x16xf32>,
        %get3A_1928 = vector.shape_cast %get3A_1927 : vector<1x16xf32> to vector<16xf32>
        %mul3A_1929 = vector.broadcast %squeeze3A_1907 : f32 to vector<16xf32>
        %mul3A_1930 = arith.mulf %get3A_1928, %mul3A_1929 : vector<16xf32>
        %add3A_1931 = arith.constant 15 : i32
        %add3A_1932 = arith.addi %mul3A_78, %add3A_1931 : i32
        %swap3A_1933 = arith.index_cast %add3A_1932 : i32 to index
        %swap3A_1934 = arith.constant 16 : index
        %swap3A_1935 = tpu.vector_load %arg10[%swap3A_1933, %swap3A_1934] {strides = array<i32>} : memref<80x128xf32, #tpu.memory_space<vmem>>, vector<1x16xf32>,
        %swap3A_1936 = vector.shape_cast %swap3A_1935 : vector<1x16xf32> to vector<16xf32>
        %swap3A_1937 = vector.shape_cast %mul3A_1930 : vector<16xf32> to vector<1x16xf32>
        tpu.vector_store %arg10[%swap3A_1933, %swap3A_1934], %swap3A_1937 {strides = array<i32>} : memref<80x128xf32, #tpu.memory_space<vmem>>, vector<1x16xf32>,
        %add3A_1938 = arith.constant 15 : i32
        %add3A_1939 = arith.addi %mul3A_78, %add3A_1938 : i32
        %get3A_1940 = arith.index_cast %add3A_1939 : i32 to index
        %get3A_1941 = arith.constant 32 : index
        %get3A_1942 = tpu.vector_load %arg10[%get3A_1940, %get3A_1941] {strides = array<i32>} : memref<80x128xf32, #tpu.memory_space<vmem>>, vector<1x16xf32>,
        %get3A_1943 = vector.shape_cast %get3A_1942 : vector<1x16xf32> to vector<16xf32>
        %mul3A_1944 = vector.broadcast %squeeze3A_1907 : f32 to vector<16xf32>
        %mul3A_1945 = arith.mulf %get3A_1943, %mul3A_1944 : vector<16xf32>
        %add3A_1946 = arith.constant 15 : i32
        %add3A_1947 = arith.addi %mul3A_78, %add3A_1946 : i32
        %swap3A_1948 = arith.index_cast %add3A_1947 : i32 to index
        %swap3A_1949 = arith.constant 32 : index
        %swap3A_1950 = tpu.vector_load %arg10[%swap3A_1948, %swap3A_1949] {strides = array<i32>} : memref<80x128xf32, #tpu.memory_space<vmem>>, vector<1x16xf32>,
        %swap3A_1951 = vector.shape_cast %swap3A_1950 : vector<1x16xf32> to vector<16xf32>
        %swap3A_1952 = vector.shape_cast %mul3A_1945 : vector<16xf32> to vector<1x16xf32>
        tpu.vector_store %arg10[%swap3A_1948, %swap3A_1949], %swap3A_1952 {strides = array<i32>} : memref<80x128xf32, #tpu.memory_space<vmem>>, vector<1x16xf32>,
        %add3A_1953 = arith.constant 15 : i32
        %add3A_1954 = arith.addi %mul3A_78, %add3A_1953 : i32
        %get3A_1955 = arith.index_cast %add3A_1954 : i32 to index
        %get3A_1956 = arith.constant 48 : index
        %get3A_1957 = tpu.vector_load %arg10[%get3A_1955, %get3A_1956] {strides = array<i32>} : memref<80x128xf32, #tpu.memory_space<vmem>>, vector<1x16xf32>,
        %get3A_1958 = vector.shape_cast %get3A_1957 : vector<1x16xf32> to vector<16xf32>
        %mul3A_1959 = vector.broadcast %squeeze3A_1907 : f32 to vector<16xf32>
        %mul3A_1960 = arith.mulf %get3A_1958, %mul3A_1959 : vector<16xf32>
        %add3A_1961 = arith.constant 15 : i32
        %add3A_1962 = arith.addi %mul3A_78, %add3A_1961 : i32
        %swap3A_1963 = arith.index_cast %add3A_1962 : i32 to index
        %swap3A_1964 = arith.constant 48 : index
        %swap3A_1965 = tpu.vector_load %arg10[%swap3A_1963, %swap3A_1964] {strides = array<i32>} : memref<80x128xf32, #tpu.memory_space<vmem>>, vector<1x16xf32>,
        %swap3A_1966 = vector.shape_cast %swap3A_1965 : vector<1x16xf32> to vector<16xf32>
        %swap3A_1967 = vector.shape_cast %mul3A_1960 : vector<16xf32> to vector<1x16xf32>
        tpu.vector_store %arg10[%swap3A_1963, %swap3A_1964], %swap3A_1967 {strides = array<i32>} : memref<80x128xf32, #tpu.memory_space<vmem>>, vector<1x16xf32>,
        %add3A_1968 = arith.constant 15 : i32
        %add3A_1969 = arith.addi %mul3A_78, %add3A_1968 : i32
        %get3A_1970 = arith.index_cast %add3A_1969 : i32 to index
        %get3A_1971 = arith.constant 64 : index
        %get3A_1972 = tpu.vector_load %arg10[%get3A_1970, %get3A_1971] {strides = array<i32>} : memref<80x128xf32, #tpu.memory_space<vmem>>, vector<1x16xf32>,
        %get3A_1973 = vector.shape_cast %get3A_1972 : vector<1x16xf32> to vector<16xf32>
        %mul3A_1974 = vector.broadcast %squeeze3A_1907 : f32 to vector<16xf32>
        %mul3A_1975 = arith.mulf %get3A_1973, %mul3A_1974 : vector<16xf32>
        %add3A_1976 = arith.constant 15 : i32
        %add3A_1977 = arith.addi %mul3A_78, %add3A_1976 : i32
        %swap3A_1978 = arith.index_cast %add3A_1977 : i32 to index
        %swap3A_1979 = arith.constant 64 : index
        %swap3A_1980 = tpu.vector_load %arg10[%swap3A_1978, %swap3A_1979] {strides = array<i32>} : memref<80x128xf32, #tpu.memory_space<vmem>>, vector<1x16xf32>,
        %swap3A_1981 = vector.shape_cast %swap3A_1980 : vector<1x16xf32> to vector<16xf32>
        %swap3A_1982 = vector.shape_cast %mul3A_1975 : vector<16xf32> to vector<1x16xf32>
        tpu.vector_store %arg10[%swap3A_1978, %swap3A_1979], %swap3A_1982 {strides = array<i32>} : memref<80x128xf32, #tpu.memory_space<vmem>>, vector<1x16xf32>,
        %add3A_1983 = arith.constant 15 : i32
        %add3A_1984 = arith.addi %mul3A_78, %add3A_1983 : i32
        %get3A_1985 = arith.index_cast %add3A_1984 : i32 to index
        %get3A_1986 = arith.constant 80 : index
        %get3A_1987 = tpu.vector_load %arg10[%get3A_1985, %get3A_1986] {strides = array<i32>} : memref<80x128xf32, #tpu.memory_space<vmem>>, vector<1x16xf32>,
        %get3A_1988 = vector.shape_cast %get3A_1987 : vector<1x16xf32> to vector<16xf32>
        %mul3A_1989 = vector.broadcast %squeeze3A_1907 : f32 to vector<16xf32>
        %mul3A_1990 = arith.mulf %get3A_1988, %mul3A_1989 : vector<16xf32>
        %add3A_1991 = arith.constant 15 : i32
        %add3A_1992 = arith.addi %mul3A_78, %add3A_1991 : i32
        %swap3A_1993 = arith.index_cast %add3A_1992 : i32 to index
        %swap3A_1994 = arith.constant 80 : index
        %swap3A_1995 = tpu.vector_load %arg10[%swap3A_1993, %swap3A_1994] {strides = array<i32>} : memref<80x128xf32, #tpu.memory_space<vmem>>, vector<1x16xf32>,
        %swap3A_1996 = vector.shape_cast %swap3A_1995 : vector<1x16xf32> to vector<16xf32>
        %swap3A_1997 = vector.shape_cast %mul3A_1990 : vector<16xf32> to vector<1x16xf32>
        tpu.vector_store %arg10[%swap3A_1993, %swap3A_1994], %swap3A_1997 {strides = array<i32>} : memref<80x128xf32, #tpu.memory_space<vmem>>, vector<1x16xf32>,
        %add3A_1998 = arith.constant 15 : i32
        %add3A_1999 = arith.addi %mul3A_78, %add3A_1998 : i32
        %get3A_2000 = arith.index_cast %add3A_1999 : i32 to index
        %get3A_2001 = arith.constant 96 : index
        %get3A_2002 = tpu.vector_load %arg10[%get3A_2000, %get3A_2001] {strides = array<i32>} : memref<80x128xf32, #tpu.memory_space<vmem>>, vector<1x16xf32>,
        %get3A_2003 = vector.shape_cast %get3A_2002 : vector<1x16xf32> to vector<16xf32>
        %mul3A_2004 = vector.broadcast %squeeze3A_1907 : f32 to vector<16xf32>
        %mul3A_2005 = arith.mulf %get3A_2003, %mul3A_2004 : vector<16xf32>
        %add3A_2006 = arith.constant 15 : i32
        %add3A_2007 = arith.addi %mul3A_78, %add3A_2006 : i32
        %swap3A_2008 = arith.index_cast %add3A_2007 : i32 to index
        %swap3A_2009 = arith.constant 96 : index
        %swap3A_2010 = tpu.vector_load %arg10[%swap3A_2008, %swap3A_2009] {strides = array<i32>} : memref<80x128xf32, #tpu.memory_space<vmem>>, vector<1x16xf32>,
        %swap3A_2011 = vector.shape_cast %swap3A_2010 : vector<1x16xf32> to vector<16xf32>
        %swap3A_2012 = vector.shape_cast %mul3A_2005 : vector<16xf32> to vector<1x16xf32>
        tpu.vector_store %arg10[%swap3A_2008, %swap3A_2009], %swap3A_2012 {strides = array<i32>} : memref<80x128xf32, #tpu.memory_space<vmem>>, vector<1x16xf32>,
        %add3A_2013 = arith.constant 15 : i32
        %add3A_2014 = arith.addi %mul3A_78, %add3A_2013 : i32
        %get3A_2015 = arith.index_cast %add3A_2014 : i32 to index
        %get3A_2016 = arith.constant 112 : index
        %get3A_2017 = tpu.vector_load %arg10[%get3A_2015, %get3A_2016] {strides = array<i32>} : memref<80x128xf32, #tpu.memory_space<vmem>>, vector<1x16xf32>,
        %get3A_2018 = vector.shape_cast %get3A_2017 : vector<1x16xf32> to vector<16xf32>
        %mul3A_2019 = vector.broadcast %squeeze3A_1907 : f32 to vector<16xf32>
        %mul3A_2020 = arith.mulf %get3A_2018, %mul3A_2019 : vector<16xf32>
        %add3A_2021 = arith.constant 15 : i32
        %add3A_2022 = arith.addi %mul3A_78, %add3A_2021 : i32
        %swap3A_2023 = arith.index_cast %add3A_2022 : i32 to index
        %swap3A_2024 = arith.constant 112 : index
        %swap3A_2025 = tpu.vector_load %arg10[%swap3A_2023, %swap3A_2024] {strides = array<i32>} : memref<80x128xf32, #tpu.memory_space<vmem>>, vector<1x16xf32>,
        %swap3A_2026 = vector.shape_cast %swap3A_2025 : vector<1x16xf32> to vector<16xf32>
        %swap3A_2027 = vector.shape_cast %mul3A_2020 : vector<16xf32> to vector<1x16xf32>
        tpu.vector_store %arg10[%swap3A_2023, %swap3A_2024], %swap3A_2027 {strides = array<i32>} : memref<80x128xf32, #tpu.memory_space<vmem>>, vector<1x16xf32>,
      }
      %scan3A_65 = arith.constant 5 : i32
      "tpu.region"() ({
        %run_scoped3A = tpu.sem_alloc : memref<!tpu.dma_semaphore, #tpu.memory_space<semaphore_mem>>
        %dma_start3A_66 = arith.constant 0 : i32
        %dma_start3A_67 = arith.constant 0 : i32
        %dma_start3A_68 = tpu.memref_slice %arg11[%dma_start3A_66, %dma_start3A_67] : memref<10240x128xf32, #tpu.memory_space<vmem_shared>> -> memref<10240x128xf32, #tpu.memory_space<vmem_shared>>
        tpu.enqueue_indirect_dma source(%arg10 : memref<80x128xf32, #tpu.memory_space<vmem>>) target(%dma_start3A_68 : memref<10240x128xf32, #tpu.memory_space<vmem_shared>>) offsets(%arg8 : memref<80xi32, #tpu.memory_space<vmem>>) semaphore(%run_scoped3A : memref<!tpu.dma_semaphore, #tpu.memory_space<semaphore_mem>>) {add = true}
        %dma_wait3A_69 = arith.constant 0 : i32
        %dma_wait3A_70 = arith.constant 0 : i32
        %dma_wait3A_71 = tpu.memref_slice %arg11[%dma_wait3A_69, %dma_wait3A_70] : memref<10240x128xf32, #tpu.memory_space<vmem_shared>> -> memref<10240x128xf32, #tpu.memory_space<vmem_shared>>
        tpu.wait_indirect_dma semaphore(%run_scoped3A : memref<!tpu.dma_semaphore, #tpu.memory_space<semaphore_mem>>) src(%arg10 : memref<80x128xf32, #tpu.memory_space<vmem>>) dst(%dma_wait3A_71 : memref<10240x128xf32, #tpu.memory_space<vmem_shared>>)
        tpu.yield
      }) : () -> ()
    }
    %scan3A_44 = arith.constant 125 : i32
    %barrier3A_45 = arith.constant 0 : index
    tpu.barrier barrier_id(%barrier3A_45)
    %mul3A_46 = arith.constant 640 : i32
    %mul3A_47 = arith.muli %arg1, %mul3A_46 : i32
    %mul3A_48 = arith.constant 10240 : i32
    %mul3A_49 = arith.muli %arg0, %mul3A_48 : i32
    %mul3A_50 = arith.constant 640 : i32
    %mul3A_51 = arith.muli %arg1, %mul3A_50 : i32
    %add3A_52 = arith.addi %mul3A_49, %mul3A_51 : i32
    "tpu.region"() ({
      %run_scoped3A = tpu.sem_alloc : memref<!tpu.dma_semaphore, #tpu.memory_space<semaphore_mem>>
      %dma_start3A = arith.constant 0 : i32
      %dma_start3A_53 = tpu.memref_slice %arg6[%add3A_52, %dma_start3A] : memref<20480x128xf32, #tpu.memory_space<hbm>> -> memref<640x128xf32, #tpu.memory_space<hbm>>
      %dma_start3A_54 = arith.constant 0 : i32
      %dma_start3A_55 = tpu.memref_slice %arg11[%mul3A_47, %dma_start3A_54] : memref<10240x128xf32, #tpu.memory_space<vmem_shared>> -> memref<640x128xf32, #tpu.memory_space<vmem_shared>>
      tpu.enqueue_dma source(%dma_start3A_55 : memref<640x128xf32, #tpu.memory_space<vmem_shared>>) target(%dma_start3A_53 : memref<640x128xf32, #tpu.memory_space<hbm>>) target_semaphore(%run_scoped3A : memref<!tpu.dma_semaphore, #tpu.memory_space<semaphore_mem>>)
      %dma_wait3A = arith.constant 0 : i32
      %dma_wait3A_56 = tpu.memref_slice %arg6[%add3A_52, %dma_wait3A] : memref<20480x128xf32, #tpu.memory_space<hbm>> -> memref<640x128xf32, #tpu.memory_space<hbm>>
      %dma_wait3A_57 = arith.constant 0 : i32
      %dma_wait3A_58 = tpu.memref_slice %arg11[%mul3A_47, %dma_wait3A_57] : memref<10240x128xf32, #tpu.memory_space<vmem_shared>> -> memref<640x128xf32, #tpu.memory_space<vmem_shared>>
      tpu.wait_dma2 semaphore(%run_scoped3A : memref<!tpu.dma_semaphore, #tpu.memory_space<semaphore_mem>>) src(%dma_wait3A_58 : memref<640x128xf32, #tpu.memory_space<vmem_shared>>) dst(%dma_wait3A_56 : memref<640x128xf32, #tpu.memory_space<hbm>>)
      tpu.yield
    }) : () -> ()
    return
  }
}

#map = affine_map<(d0, d1) -> (0)>
module attributes {stable_mosaic.version = 14 : i64} {
  func.func @_sc_degree(%arg0: i32, %arg1: i32, %arg2: memref<320000xi32, #tpu.memory_space<hbm>>, %arg3: memref<320000xf32, #tpu.memory_space<hbm>>, %arg4: memref<20480xf32, #tpu.memory_space<hbm>>, %arg5: memref<80xi32, #tpu.memory_space<vmem>>, %arg6: memref<80xf32, #tpu.memory_space<vmem>>, %arg7: memref<640xf32, #tpu.memory_space<vmem>>, %arg8: memref<10240xf32, #tpu.memory_space<vmem_shared>>) attributes {dimension_semantics = [#tpu.dimension_semantics<core_parallel>, #tpu.dimension_semantics<subcore_parallel>], iteration_bounds = array<i64: 2, 16>, scalar_prefetch = 0 : i64, scratch_operands = 4 : i64, tpu.core_type = #tpu.core_type<sc_vector_subcore>, window_params = [{transform_indices = #map}, {transform_indices = #map}, {transform_indices = #map}]} {
    %mul3A = arith.constant 2 : i32
    %mul3A_0 = arith.muli %arg1, %mul3A : i32
    %add3A = arith.addi %mul3A_0, %arg0 : i32
    %broadcast_in_dim3A = arith.constant 0.000000e+00 : f32
    %broadcast_in_dim3A_1 = vector.broadcast %broadcast_in_dim3A : f32 to vector<16xf32>
    %scan3A = arith.constant 0 : i32
    %scan3A_2 = arith.constant 40 : i32
    %scan3A_3 = arith.addi %scan3A, %scan3A_2 : i32
    %scan3A_4 = arith.constant 1 : i32
    scf.for %scan3A_23 = %scan3A to %scan3A_3 step %scan3A_4  : i32 {
      %mul3A_24 = arith.constant 16 : i32
      %mul3A_25 = arith.muli %scan3A_23, %mul3A_24 : i32
      %swap3A = arith.index_cast %mul3A_25 : i32 to index
      %swap3A_26 = tpu.vector_load %arg7[%swap3A] {strides = array<i32>} : memref<640xf32, #tpu.memory_space<vmem>>, vector<16xf32>,
      %swap3A_27 = vector.shape_cast %swap3A_26 : vector<16xf32> to vector<16xf32>
      %swap3A_28 = vector.shape_cast %broadcast_in_dim3A_1 : vector<16xf32> to vector<16xf32>
      tpu.vector_store %arg7[%swap3A], %swap3A_28 {strides = array<i32>} : memref<640xf32, #tpu.memory_space<vmem>>, vector<16xf32>,
    }
    %scan3A_5 = arith.constant 40 : i32
    %mul3A_6 = arith.constant 640 : i32
    %mul3A_7 = arith.muli %arg1, %mul3A_6 : i32
    "tpu.region"() ({
      %run_scoped3A = tpu.sem_alloc : memref<!tpu.dma_semaphore, #tpu.memory_space<semaphore_mem>>
      %dma_start3A = tpu.memref_slice %arg8[%mul3A_7] : memref<10240xf32, #tpu.memory_space<vmem_shared>> -> memref<640xf32, #tpu.memory_space<vmem_shared>>
      %dma_start3A_23 = tpu.memref_slice %arg8[%mul3A_7] : memref<10240xf32, #tpu.memory_space<vmem_shared>> -> memref<640xf32, #tpu.memory_space<vmem_shared>>
      tpu.enqueue_dma source(%arg7 : memref<640xf32, #tpu.memory_space<vmem>>) target(%dma_start3A_23 : memref<640xf32, #tpu.memory_space<vmem_shared>>) target_semaphore(%run_scoped3A : memref<!tpu.dma_semaphore, #tpu.memory_space<semaphore_mem>>)
      %dma_wait3A = tpu.memref_slice %arg8[%mul3A_7] : memref<10240xf32, #tpu.memory_space<vmem_shared>> -> memref<640xf32, #tpu.memory_space<vmem_shared>>
      %dma_wait3A_24 = tpu.memref_slice %arg8[%mul3A_7] : memref<10240xf32, #tpu.memory_space<vmem_shared>> -> memref<640xf32, #tpu.memory_space<vmem_shared>>
      tpu.wait_dma2 semaphore(%run_scoped3A : memref<!tpu.dma_semaphore, #tpu.memory_space<semaphore_mem>>) src(%arg7 : memref<640xf32, #tpu.memory_space<vmem>>) dst(%dma_wait3A_24 : memref<640xf32, #tpu.memory_space<vmem_shared>>)
      tpu.yield
    }) : () -> ()
    %barrier3A = arith.constant 0 : index
    tpu.barrier barrier_id(%barrier3A)
    %mul3A_8 = arith.constant 10000 : i32
    %mul3A_9 = arith.muli %add3A, %mul3A_8 : i32
    %scan3A_10 = arith.constant 0 : i32
    %scan3A_11 = arith.constant 125 : i32
    %scan3A_12 = arith.addi %scan3A_10, %scan3A_11 : i32
    %scan3A_13 = arith.constant 1 : i32
    scf.for %scan3A_23 = %scan3A_10 to %scan3A_12 step %scan3A_13  : i32 {
      %mul3A_24 = arith.constant 80 : i32
      %mul3A_25 = arith.muli %scan3A_23, %mul3A_24 : i32
      %add3A_26 = arith.addi %mul3A_9, %mul3A_25 : i32
      "tpu.region"() ({
        %run_scoped3A = tpu.sem_alloc : memref<!tpu.dma_semaphore, #tpu.memory_space<semaphore_mem>>
        %dma_start3A = tpu.memref_slice %arg2[%add3A_26] : memref<320000xi32, #tpu.memory_space<hbm>> -> memref<80xi32, #tpu.memory_space<hbm>>
        %dma_start3A_90 = tpu.memref_slice %arg2[%add3A_26] : memref<320000xi32, #tpu.memory_space<hbm>> -> memref<80xi32, #tpu.memory_space<hbm>>
        tpu.enqueue_dma source(%dma_start3A_90 : memref<80xi32, #tpu.memory_space<hbm>>) target(%arg5 : memref<80xi32, #tpu.memory_space<vmem>>) target_semaphore(%run_scoped3A : memref<!tpu.dma_semaphore, #tpu.memory_space<semaphore_mem>>)
        %dma_wait3A = tpu.memref_slice %arg2[%add3A_26] : memref<320000xi32, #tpu.memory_space<hbm>> -> memref<80xi32, #tpu.memory_space<hbm>>
        %dma_wait3A_91 = tpu.memref_slice %arg2[%add3A_26] : memref<320000xi32, #tpu.memory_space<hbm>> -> memref<80xi32, #tpu.memory_space<hbm>>
        tpu.wait_dma2 semaphore(%run_scoped3A : memref<!tpu.dma_semaphore, #tpu.memory_space<semaphore_mem>>) src(%dma_wait3A_91 : memref<80xi32, #tpu.memory_space<hbm>>) dst(%arg5 : memref<80xi32, #tpu.memory_space<vmem>>)
        tpu.yield
      }) : () -> ()
      "tpu.region"() ({
        %run_scoped3A = tpu.sem_alloc : memref<!tpu.dma_semaphore, #tpu.memory_space<semaphore_mem>>
        %dma_start3A = tpu.memref_slice %arg3[%add3A_26] : memref<320000xf32, #tpu.memory_space<hbm>> -> memref<80xf32, #tpu.memory_space<hbm>>
        %dma_start3A_90 = tpu.memref_slice %arg3[%add3A_26] : memref<320000xf32, #tpu.memory_space<hbm>> -> memref<80xf32, #tpu.memory_space<hbm>>
        tpu.enqueue_dma source(%dma_start3A_90 : memref<80xf32, #tpu.memory_space<hbm>>) target(%arg6 : memref<80xf32, #tpu.memory_space<vmem>>) target_semaphore(%run_scoped3A : memref<!tpu.dma_semaphore, #tpu.memory_space<semaphore_mem>>)
        %dma_wait3A = tpu.memref_slice %arg3[%add3A_26] : memref<320000xf32, #tpu.memory_space<hbm>> -> memref<80xf32, #tpu.memory_space<hbm>>
        %dma_wait3A_91 = tpu.memref_slice %arg3[%add3A_26] : memref<320000xf32, #tpu.memory_space<hbm>> -> memref<80xf32, #tpu.memory_space<hbm>>
        tpu.wait_dma2 semaphore(%run_scoped3A : memref<!tpu.dma_semaphore, #tpu.memory_space<semaphore_mem>>) src(%dma_wait3A_91 : memref<80xf32, #tpu.memory_space<hbm>>) dst(%arg6 : memref<80xf32, #tpu.memory_space<vmem>>)
        tpu.yield
      }) : () -> ()
      %get3A = arith.constant 0 : index
      %get3A_27 = tpu.vector_load %arg6[%get3A] {strides = array<i32>} : memref<80xf32, #tpu.memory_space<vmem>>, vector<16xf32>,
      %get3A_28 = vector.shape_cast %get3A_27 : vector<16xf32> to vector<16xf32>
      %add3A_29 = arith.constant 1.000000e+00 : f32
      %add3A_30 = vector.broadcast %add3A_29 : f32 to vector<16xf32>
      %add3A_31 = arith.addf %get3A_28, %add3A_30 : vector<16xf32>
      %mul3A_32 = arith.constant 5.000000e-01 : f32
      %mul3A_33 = vector.broadcast %mul3A_32 : f32 to vector<16xf32>
      %mul3A_34 = arith.mulf %add3A_31, %mul3A_33 : vector<16xf32>
      %swap3A = arith.constant 0 : index
      %swap3A_35 = tpu.vector_load %arg6[%swap3A] {strides = array<i32>} : memref<80xf32, #tpu.memory_space<vmem>>, vector<16xf32>,
      %swap3A_36 = vector.shape_cast %swap3A_35 : vector<16xf32> to vector<16xf32>
      %swap3A_37 = vector.shape_cast %mul3A_34 : vector<16xf32> to vector<16xf32>
      tpu.vector_store %arg6[%swap3A], %swap3A_37 {strides = array<i32>} : memref<80xf32, #tpu.memory_space<vmem>>, vector<16xf32>,
      %get3A_38 = arith.constant 16 : index
      %get3A_39 = tpu.vector_load %arg6[%get3A_38] {strides = array<i32>} : memref<80xf32, #tpu.memory_space<vmem>>, vector<16xf32>,
      %get3A_40 = vector.shape_cast %get3A_39 : vector<16xf32> to vector<16xf32>
      %add3A_41 = arith.constant 1.000000e+00 : f32
      %add3A_42 = vector.broadcast %add3A_41 : f32 to vector<16xf32>
      %add3A_43 = arith.addf %get3A_40, %add3A_42 : vector<16xf32>
      %mul3A_44 = arith.constant 5.000000e-01 : f32
      %mul3A_45 = vector.broadcast %mul3A_44 : f32 to vector<16xf32>
      %mul3A_46 = arith.mulf %add3A_43, %mul3A_45 : vector<16xf32>
      %swap3A_47 = arith.constant 16 : index
      %swap3A_48 = tpu.vector_load %arg6[%swap3A_47] {strides = array<i32>} : memref<80xf32, #tpu.memory_space<vmem>>, vector<16xf32>,
      %swap3A_49 = vector.shape_cast %swap3A_48 : vector<16xf32> to vector<16xf32>
      %swap3A_50 = vector.shape_cast %mul3A_46 : vector<16xf32> to vector<16xf32>
      tpu.vector_store %arg6[%swap3A_47], %swap3A_50 {strides = array<i32>} : memref<80xf32, #tpu.memory_space<vmem>>, vector<16xf32>,
      %get3A_51 = arith.constant 32 : index
      %get3A_52 = tpu.vector_load %arg6[%get3A_51] {strides = array<i32>} : memref<80xf32, #tpu.memory_space<vmem>>, vector<16xf32>,
      %get3A_53 = vector.shape_cast %get3A_52 : vector<16xf32> to vector<16xf32>
      %add3A_54 = arith.constant 1.000000e+00 : f32
      %add3A_55 = vector.broadcast %add3A_54 : f32 to vector<16xf32>
      %add3A_56 = arith.addf %get3A_53, %add3A_55 : vector<16xf32>
      %mul3A_57 = arith.constant 5.000000e-01 : f32
      %mul3A_58 = vector.broadcast %mul3A_57 : f32 to vector<16xf32>
      %mul3A_59 = arith.mulf %add3A_56, %mul3A_58 : vector<16xf32>
      %swap3A_60 = arith.constant 32 : index
      %swap3A_61 = tpu.vector_load %arg6[%swap3A_60] {strides = array<i32>} : memref<80xf32, #tpu.memory_space<vmem>>, vector<16xf32>,
      %swap3A_62 = vector.shape_cast %swap3A_61 : vector<16xf32> to vector<16xf32>
      %swap3A_63 = vector.shape_cast %mul3A_59 : vector<16xf32> to vector<16xf32>
      tpu.vector_store %arg6[%swap3A_60], %swap3A_63 {strides = array<i32>} : memref<80xf32, #tpu.memory_space<vmem>>, vector<16xf32>,
      %get3A_64 = arith.constant 48 : index
      %get3A_65 = tpu.vector_load %arg6[%get3A_64] {strides = array<i32>} : memref<80xf32, #tpu.memory_space<vmem>>, vector<16xf32>,
      %get3A_66 = vector.shape_cast %get3A_65 : vector<16xf32> to vector<16xf32>
      %add3A_67 = arith.constant 1.000000e+00 : f32
      %add3A_68 = vector.broadcast %add3A_67 : f32 to vector<16xf32>
      %add3A_69 = arith.addf %get3A_66, %add3A_68 : vector<16xf32>
      %mul3A_70 = arith.constant 5.000000e-01 : f32
      %mul3A_71 = vector.broadcast %mul3A_70 : f32 to vector<16xf32>
      %mul3A_72 = arith.mulf %add3A_69, %mul3A_71 : vector<16xf32>
      %swap3A_73 = arith.constant 48 : index
      %swap3A_74 = tpu.vector_load %arg6[%swap3A_73] {strides = array<i32>} : memref<80xf32, #tpu.memory_space<vmem>>, vector<16xf32>,
      %swap3A_75 = vector.shape_cast %swap3A_74 : vector<16xf32> to vector<16xf32>
      %swap3A_76 = vector.shape_cast %mul3A_72 : vector<16xf32> to vector<16xf32>
      tpu.vector_store %arg6[%swap3A_73], %swap3A_76 {strides = array<i32>} : memref<80xf32, #tpu.memory_space<vmem>>, vector<16xf32>,
      %get3A_77 = arith.constant 64 : index
      %get3A_78 = tpu.vector_load %arg6[%get3A_77] {strides = array<i32>} : memref<80xf32, #tpu.memory_space<vmem>>, vector<16xf32>,
      %get3A_79 = vector.shape_cast %get3A_78 : vector<16xf32> to vector<16xf32>
      %add3A_80 = arith.constant 1.000000e+00 : f32
      %add3A_81 = vector.broadcast %add3A_80 : f32 to vector<16xf32>
      %add3A_82 = arith.addf %get3A_79, %add3A_81 : vector<16xf32>
      %mul3A_83 = arith.constant 5.000000e-01 : f32
      %mul3A_84 = vector.broadcast %mul3A_83 : f32 to vector<16xf32>
      %mul3A_85 = arith.mulf %add3A_82, %mul3A_84 : vector<16xf32>
      %swap3A_86 = arith.constant 64 : index
      %swap3A_87 = tpu.vector_load %arg6[%swap3A_86] {strides = array<i32>} : memref<80xf32, #tpu.memory_space<vmem>>, vector<16xf32>,
      %swap3A_88 = vector.shape_cast %swap3A_87 : vector<16xf32> to vector<16xf32>
      %swap3A_89 = vector.shape_cast %mul3A_85 : vector<16xf32> to vector<16xf32>
      tpu.vector_store %arg6[%swap3A_86], %swap3A_89 {strides = array<i32>} : memref<80xf32, #tpu.memory_space<vmem>>, vector<16xf32>,
      "tpu.region"() ({
        %run_scoped3A = tpu.sem_alloc : memref<!tpu.dma_semaphore, #tpu.memory_space<semaphore_mem>>
        %dma_start3A = arith.constant 0 : i32
        %dma_start3A_90 = tpu.memref_slice %arg8[%dma_start3A] : memref<10240xf32, #tpu.memory_space<vmem_shared>> -> memref<10240xf32, #tpu.memory_space<vmem_shared>>
        tpu.enqueue_indirect_dma source(%arg6 : memref<80xf32, #tpu.memory_space<vmem>>) target(%dma_start3A_90 : memref<10240xf32, #tpu.memory_space<vmem_shared>>) offsets(%arg5 : memref<80xi32, #tpu.memory_space<vmem>>) semaphore(%run_scoped3A : memref<!tpu.dma_semaphore, #tpu.memory_space<semaphore_mem>>) {add = true}
        %dma_wait3A = arith.constant 0 : i32
        %dma_wait3A_91 = tpu.memref_slice %arg8[%dma_wait3A] : memref<10240xf32, #tpu.memory_space<vmem_shared>> -> memref<10240xf32, #tpu.memory_space<vmem_shared>>
        tpu.wait_indirect_dma semaphore(%run_scoped3A : memref<!tpu.dma_semaphore, #tpu.memory_space<semaphore_mem>>) src(%arg6 : memref<80xf32, #tpu.memory_space<vmem>>) dst(%dma_wait3A_91 : memref<10240xf32, #tpu.memory_space<vmem_shared>>)
        tpu.yield
      }) : () -> ()
    }
    %scan3A_14 = arith.constant 125 : i32
    %barrier3A_15 = arith.constant 0 : index
    tpu.barrier barrier_id(%barrier3A_15)
    %mul3A_16 = arith.constant 640 : i32
    %mul3A_17 = arith.muli %arg1, %mul3A_16 : i32
    %mul3A_18 = arith.constant 10240 : i32
    %mul3A_19 = arith.muli %arg0, %mul3A_18 : i32
    %mul3A_20 = arith.constant 640 : i32
    %mul3A_21 = arith.muli %arg1, %mul3A_20 : i32
    %add3A_22 = arith.addi %mul3A_19, %mul3A_21 : i32
    "tpu.region"() ({
      %run_scoped3A = tpu.sem_alloc : memref<!tpu.dma_semaphore, #tpu.memory_space<semaphore_mem>>
      %dma_start3A = tpu.memref_slice %arg4[%add3A_22] : memref<20480xf32, #tpu.memory_space<hbm>> -> memref<640xf32, #tpu.memory_space<hbm>>
      %dma_start3A_23 = tpu.memref_slice %arg8[%mul3A_17] : memref<10240xf32, #tpu.memory_space<vmem_shared>> -> memref<640xf32, #tpu.memory_space<vmem_shared>>
      tpu.enqueue_dma source(%dma_start3A_23 : memref<640xf32, #tpu.memory_space<vmem_shared>>) target(%dma_start3A : memref<640xf32, #tpu.memory_space<hbm>>) target_semaphore(%run_scoped3A : memref<!tpu.dma_semaphore, #tpu.memory_space<semaphore_mem>>)
      %dma_wait3A = tpu.memref_slice %arg4[%add3A_22] : memref<20480xf32, #tpu.memory_space<hbm>> -> memref<640xf32, #tpu.memory_space<hbm>>
      %dma_wait3A_24 = tpu.memref_slice %arg8[%mul3A_17] : memref<10240xf32, #tpu.memory_space<vmem_shared>> -> memref<640xf32, #tpu.memory_space<vmem_shared>>
      tpu.wait_dma2 semaphore(%run_scoped3A : memref<!tpu.dma_semaphore, #tpu.memory_space<semaphore_mem>>) src(%dma_wait3A_24 : memref<640xf32, #tpu.memory_space<vmem_shared>>) dst(%dma_wait3A : memref<640xf32, #tpu.memory_space<hbm>>)
      tpu.yield
    }) : () -> ()
    return
  }
}

module attributes {stable_mosaic.version = 14 : i64} {
  func.func @_tc_linear_body(%arg0: i32, %arg1: memref<1000x128xf32, #tpu.memory_space<vmem>>, %arg2: memref<128x128xf32, #tpu.memory_space<vmem>>, %arg3: memref<1000x2xf32, #tpu.memory_space<vmem>>, %arg4: memref<1000x128xf32, #tpu.memory_space<vmem>>) attributes {dimension_semantics = [#tpu.dimension_semantics<arbitrary>], iteration_bounds = array<i64: 10>, scalar_prefetch = 0 : i64, scratch_operands = 0 : i64, tpu.core_type = #tpu.core_type<tc>, window_params = [{transform_indices = @transform_0, window_bounds = array<i64: 1000, 128>}, {pipeline_mode = #tpu.pipeline_mode<synchronous>, transform_indices = @transform_1, window_bounds = array<i64: 128, 128>}, {transform_indices = @transform_2, window_bounds = array<i64: 1000, 2>}, {transform_indices = @transform_3, window_bounds = array<i64: 1000, 128>}]} {
    %get3A = arith.constant 0 : index
    %get3A_0 = arith.constant 0 : index
    %get3A_1 = vector.load %arg1[%get3A, %get3A_0] : memref<1000x128xf32, #tpu.memory_space<vmem>>, vector<1000x128xf32>
    %get3A_2 = arith.constant 0 : index
    %get3A_3 = arith.constant 0 : index
    %get3A_4 = vector.load %arg2[%get3A_2, %get3A_3] : memref<128x128xf32, #tpu.memory_space<vmem>>, vector<128x128xf32>
    %dot_general3A = arith.constant dense<0.000000e+00> : vector<1000x128xf32>
    %dot_general3A_5 = tpu.matmul %get3A_1, %get3A_4, %dot_general3A {dimension_numbers = #tpu.dot_dimension_numbers<[1], [0], [0], [1], [0, 0, 1, 1], [], []>, transpose_lhs_hint = false} : vector<1000x128xf32>, vector<128x128xf32>, vector<1000x128xf32> -> vector<1000x128xf32>
    %get3A_6 = arith.constant 0 : index
    %get3A_7 = arith.constant 0 : index
    %get3A_8 = vector.load %arg3[%get3A_6, %get3A_7] : memref<1000x2xf32, #tpu.memory_space<vmem>>, vector<1000x1xf32>
    %get3A_9 = vector.shape_cast %get3A_8 : vector<1000x1xf32> to vector<1000xf32>
    %add3A = arith.constant 1.000000e+00 : f32
    %add3A_10 = vector.broadcast %add3A : f32 to vector<1000xf32>
    %add3A_11 = arith.addf %add3A_10, %get3A_9 : vector<1000xf32>
    %get3A_12 = arith.constant 0 : index
    %get3A_13 = arith.constant 1 : index
    %get3A_14 = vector.load %arg3[%get3A_12, %get3A_13] : memref<1000x2xf32, #tpu.memory_space<vmem>>, vector<1000x1xf32>
    %get3A_15 = vector.shape_cast %get3A_14 : vector<1000x1xf32> to vector<1000xf32>
    %add3A_16 = arith.addf %add3A_11, %get3A_15 : vector<1000xf32>
    %rsqrt3A = math.rsqrt %add3A_16 : vector<1000xf32>
    %broadcast_in_dim3A = vector.shape_cast %rsqrt3A : vector<1000xf32> to vector<1000x1xf32>
    %mul3A = vector.broadcast %broadcast_in_dim3A : vector<1000x1xf32> to vector<1000x128xf32>
    %mul3A_17 = arith.mulf %dot_general3A_5, %mul3A : vector<1000x128xf32>
    %swap3A = arith.constant 0 : index
    %swap3A_18 = arith.constant 0 : index
    %swap3A_19 = vector.load %arg4[%swap3A, %swap3A_18] : memref<1000x128xf32, #tpu.memory_space<vmem>>, vector<1000x128xf32>
    tpu.vector_store %arg4[%swap3A, %swap3A_18], %mul3A_17 {strides = array<i32>} : memref<1000x128xf32, #tpu.memory_space<vmem>>, vector<1000x128xf32>,
    return
  }
  func.func @transform_0(%arg0: i32) -> (i32, i32) {
    %c0_i32 = arith.constant 0 : i32
    %c0_i32_0 = arith.constant 0 : i32
    return %arg0, %c0_i32 : i32, i32
  }
  func.func @transform_1(%arg0: i32) -> (i32, i32) {
    %c0_i32 = arith.constant 0 : i32
    %c0_i32_0 = arith.constant 0 : i32
    %c0_i32_1 = arith.constant 0 : i32
    return %c0_i32, %c0_i32_0 : i32, i32
  }
  func.func @transform_2(%arg0: i32) -> (i32, i32) {
    %c0_i32 = arith.constant 0 : i32
    %c0_i32_0 = arith.constant 0 : i32
    return %arg0, %c0_i32 : i32, i32
  }
  func.func @transform_3(%arg0: i32) -> (i32, i32) {
    %c0_i32 = arith.constant 0 : i32
    %c0_i32_0 = arith.constant 0 : i32
    return %arg0, %c0_i32 : i32, i32
  }
}

module attributes {stable_mosaic.version = 14 : i64} {
  func.func @_tc_post_body(%arg0: i32, %arg1: memref<1000x128xf32, #tpu.memory_space<vmem>>, %arg2: memref<1000x128xf32, #tpu.memory_space<vmem>>, %arg3: memref<1000x128xf32, #tpu.memory_space<vmem>>, %arg4: memref<1000x2xf32, #tpu.memory_space<vmem>>, %arg5: memref<1x128xf32, #tpu.memory_space<vmem>>, %arg6: memref<1x128xf32, #tpu.memory_space<vmem>>, %arg7: memref<1x128xf32, #tpu.memory_space<vmem>>, %arg8: memref<1000x128xf32, #tpu.memory_space<vmem>>) attributes {dimension_semantics = [#tpu.dimension_semantics<arbitrary>], iteration_bounds = array<i64: 10>, scalar_prefetch = 0 : i64, scratch_operands = 0 : i64, tpu.core_type = #tpu.core_type<tc>, window_params = [{transform_indices = @transform_0, window_bounds = array<i64: 1000, 128>}, {transform_indices = @transform_1, window_bounds = array<i64: 1000, 128>}, {transform_indices = @transform_2, window_bounds = array<i64: 1000, 128>}, {transform_indices = @transform_3, window_bounds = array<i64: 1000, 2>}, {pipeline_mode = #tpu.pipeline_mode<synchronous>, transform_indices = @transform_4, window_bounds = array<i64: 1, 128>}, {pipeline_mode = #tpu.pipeline_mode<synchronous>, transform_indices = @transform_5, window_bounds = array<i64: 1, 128>}, {pipeline_mode = #tpu.pipeline_mode<synchronous>, transform_indices = @transform_6, window_bounds = array<i64: 1, 128>}, {transform_indices = @transform_7, window_bounds = array<i64: 1000, 128>}]} {
    %get3A = arith.constant 0 : index
    %get3A_0 = arith.constant 0 : index
    %get3A_1 = vector.load %arg4[%get3A, %get3A_0] : memref<1000x2xf32, #tpu.memory_space<vmem>>, vector<1000x1xf32>
    %get3A_2 = vector.shape_cast %get3A_1 : vector<1000x1xf32> to vector<1000xf32>
    %add3A = arith.constant 1.000000e+00 : f32
    %add3A_3 = vector.broadcast %add3A : f32 to vector<1000xf32>
    %add3A_4 = arith.addf %add3A_3, %get3A_2 : vector<1000xf32>
    %get3A_5 = arith.constant 0 : index
    %get3A_6 = arith.constant 1 : index
    %get3A_7 = vector.load %arg4[%get3A_5, %get3A_6] : memref<1000x2xf32, #tpu.memory_space<vmem>>, vector<1000x1xf32>
    %get3A_8 = vector.shape_cast %get3A_7 : vector<1000x1xf32> to vector<1000xf32>
    %add3A_9 = arith.addf %add3A_4, %get3A_8 : vector<1000xf32>
    %rsqrt3A = math.rsqrt %add3A_9 : vector<1000xf32>
    %broadcast_in_dim3A = vector.shape_cast %rsqrt3A : vector<1000xf32> to vector<1000x1xf32>
    %get3A_10 = arith.constant 0 : index
    %get3A_11 = arith.constant 0 : index
    %get3A_12 = vector.load %arg1[%get3A_10, %get3A_11] : memref<1000x128xf32, #tpu.memory_space<vmem>>, vector<1000x128xf32>
    %get3A_13 = arith.constant 0 : index
    %get3A_14 = arith.constant 0 : index
    %get3A_15 = vector.load %arg2[%get3A_13, %get3A_14] : memref<1000x128xf32, #tpu.memory_space<vmem>>, vector<1000x128xf32>
    %add3A_16 = arith.addf %get3A_12, %get3A_15 : vector<1000x128xf32>
    %get3A_17 = arith.constant 0 : index
    %get3A_18 = arith.constant 0 : index
    %get3A_19 = vector.load %arg3[%get3A_17, %get3A_18] : memref<1000x128xf32, #tpu.memory_space<vmem>>, vector<1000x128xf32>
    %add3A_20 = arith.addf %add3A_16, %get3A_19 : vector<1000x128xf32>
    %mul3A = vector.broadcast %broadcast_in_dim3A : vector<1000x1xf32> to vector<1000x128xf32>
    %mul3A_21 = arith.mulf %mul3A, %add3A_20 : vector<1000x128xf32>
    %get3A_22 = arith.constant 0 : index
    %get3A_23 = arith.constant 0 : index
    %get3A_24 = vector.load %arg5[%get3A_22, %get3A_23] : memref<1x128xf32, #tpu.memory_space<vmem>>, vector<1x128xf32>
    %add3A_25 = vector.broadcast %get3A_24 : vector<1x128xf32> to vector<1000x128xf32>
    %add3A_26 = arith.addf %mul3A_21, %add3A_25 : vector<1000x128xf32>
    %ge3A = arith.constant 0.000000e+00 : f32
    %ge3A_27 = vector.broadcast %ge3A : f32 to vector<1000x128xf32>
    %ge3A_28 = arith.cmpf oge, %add3A_26, %ge3A_27 : vector<1000x128xf32>
    %mul3A_29 = arith.constant 0.00999999977 : f32
    %mul3A_30 = vector.broadcast %mul3A_29 : f32 to vector<1000x128xf32>
    %mul3A_31 = arith.mulf %mul3A_30, %add3A_26 : vector<1000x128xf32>
    %select_n3A = arith.select %ge3A_28, %add3A_26, %mul3A_31 : vector<1000x128xi1>, vector<1000x128xf32>
    %reduce_sum3A = arith.constant dense<0.000000e+00> : vector<1000xf32>
    %reduce_sum3A_32 = vector.multi_reduction <add>, %select_n3A, %reduce_sum3A [1] : vector<1000x128xf32> to vector<1000xf32>
    %broadcast_in_dim3A_33 = vector.shape_cast %reduce_sum3A_32 : vector<1000xf32> to vector<1000x1xf32>
    %div3A = arith.constant 1.280000e+02 : f32
    %div3A_34 = vector.broadcast %div3A : f32 to vector<1000x1xf32>
    %div3A_35 = arith.divf %broadcast_in_dim3A_33, %div3A_34 : vector<1000x1xf32>
    %sub3A = vector.broadcast %div3A_35 : vector<1000x1xf32> to vector<1000x128xf32>
    %sub3A_36 = arith.subf %select_n3A, %sub3A : vector<1000x128xf32>
    %integer_pow3A = arith.mulf %sub3A_36, %sub3A_36 : vector<1000x128xf32>
    %reduce_sum3A_37 = arith.constant dense<0.000000e+00> : vector<1000xf32>
    %reduce_sum3A_38 = vector.multi_reduction <add>, %integer_pow3A, %reduce_sum3A_37 [1] : vector<1000x128xf32> to vector<1000xf32>
    %broadcast_in_dim3A_39 = vector.shape_cast %reduce_sum3A_38 : vector<1000xf32> to vector<1000x1xf32>
    %div3A_40 = arith.constant 1.280000e+02 : f32
    %div3A_41 = vector.broadcast %div3A_40 : f32 to vector<1000x1xf32>
    %div3A_42 = arith.divf %broadcast_in_dim3A_39, %div3A_41 : vector<1000x1xf32>
    %sub3A_43 = vector.broadcast %div3A_35 : vector<1000x1xf32> to vector<1000x128xf32>
    %sub3A_44 = arith.subf %select_n3A, %sub3A_43 : vector<1000x128xf32>
    %add3A_45 = arith.constant 9.99999974E-6 : f32
    %add3A_46 = vector.broadcast %add3A_45 : f32 to vector<1000x1xf32>
    %add3A_47 = arith.addf %div3A_42, %add3A_46 : vector<1000x1xf32>
    %rsqrt3A_48 = math.rsqrt %add3A_47 : vector<1000x1xf32>
    %mul3A_49 = vector.broadcast %rsqrt3A_48 : vector<1000x1xf32> to vector<1000x128xf32>
    %mul3A_50 = arith.mulf %sub3A_44, %mul3A_49 : vector<1000x128xf32>
    %get3A_51 = arith.constant 0 : index
    %get3A_52 = arith.constant 0 : index
    %get3A_53 = vector.load %arg6[%get3A_51, %get3A_52] : memref<1x128xf32, #tpu.memory_space<vmem>>, vector<1x128xf32>
    %mul3A_54 = vector.broadcast %get3A_53 : vector<1x128xf32> to vector<1000x128xf32>
    %mul3A_55 = arith.mulf %mul3A_50, %mul3A_54 : vector<1000x128xf32>
    %get3A_56 = arith.constant 0 : index
    %get3A_57 = arith.constant 0 : index
    %get3A_58 = vector.load %arg7[%get3A_56, %get3A_57] : memref<1x128xf32, #tpu.memory_space<vmem>>, vector<1x128xf32>
    %add3A_59 = vector.broadcast %get3A_58 : vector<1x128xf32> to vector<1000x128xf32>
    %add3A_60 = arith.addf %mul3A_55, %add3A_59 : vector<1000x128xf32>
    %swap3A = arith.constant 0 : index
    %swap3A_61 = arith.constant 0 : index
    %swap3A_62 = vector.load %arg8[%swap3A, %swap3A_61] : memref<1000x128xf32, #tpu.memory_space<vmem>>, vector<1000x128xf32>
    tpu.vector_store %arg8[%swap3A, %swap3A_61], %add3A_60 {strides = array<i32>} : memref<1000x128xf32, #tpu.memory_space<vmem>>, vector<1000x128xf32>,
    return
  }
  func.func @transform_0(%arg0: i32) -> (i32, i32) {
    %c0_i32 = arith.constant 0 : i32
    %c0_i32_0 = arith.constant 0 : i32
    return %arg0, %c0_i32 : i32, i32
  }
  func.func @transform_1(%arg0: i32) -> (i32, i32) {
    %c0_i32 = arith.constant 0 : i32
    %c0_i32_0 = arith.constant 0 : i32
    return %arg0, %c0_i32 : i32, i32
  }
  func.func @transform_2(%arg0: i32) -> (i32, i32) {
    %c0_i32 = arith.constant 0 : i32
    %c0_i32_0 = arith.constant 0 : i32
    return %arg0, %c0_i32 : i32, i32
  }
  func.func @transform_3(%arg0: i32) -> (i32, i32) {
    %c0_i32 = arith.constant 0 : i32
    %c0_i32_0 = arith.constant 0 : i32
    return %arg0, %c0_i32 : i32, i32
  }
  func.func @transform_4(%arg0: i32) -> (i32, i32) {
    %c0_i32 = arith.constant 0 : i32
    %c0_i32_0 = arith.constant 0 : i32
    %c0_i32_1 = arith.constant 0 : i32
    return %c0_i32, %c0_i32_0 : i32, i32
  }
  func.func @transform_5(%arg0: i32) -> (i32, i32) {
    %c0_i32 = arith.constant 0 : i32
    %c0_i32_0 = arith.constant 0 : i32
    %c0_i32_1 = arith.constant 0 : i32
    return %c0_i32, %c0_i32_0 : i32, i32
  }
  func.func @transform_6(%arg0: i32) -> (i32, i32) {
    %c0_i32 = arith.constant 0 : i32
    %c0_i32_0 = arith.constant 0 : i32
    %c0_i32_1 = arith.constant 0 : i32
    return %c0_i32, %c0_i32_0 : i32, i32
  }
  func.func @transform_7(%arg0: i32) -> (i32, i32) {
    %c0_i32 = arith.constant 0 : i32
    %c0_i32_0 = arith.constant 0 : i32
    return %arg0, %c0_i32 : i32, i32
  }
}

</mosaic_0001>

<sc_bundles>
// kernel: kernel.6.cloned.1.call-start
scs
__scs_entry_jumppad:
0x0: {  	(pc) =	sbr.rel $0x88, $3  }
0x1: {  	(tag) =	ssettag $0x0;
	lr =	simm.s32 $0x1  }
0x2: {  	[smem:$0x3F9A] =	sst lr;
	_ =	strace $0xD0000000  }
0x3: {  	_ = 	snop  }
0x4: {  	_ = 	snop  }
0x5: {  	_ = 	snop  }
0x6: {  	_ = 	snop  }
0x7: {  	_ = 	snop  }
__scs_overlays_trampoline_lowered:
0x8: {  	[smem:$0x3FA9] =	sst s0  }
0x9: {  	[smem:$0x3FAA] =	sst s1  }
0xa: {  	[smem:$0x3FAB] =	sst s2  }
0xb: {  	[smem:$0x3FAC] =	sst s3  }
0xc: {  	[smem:$0x3FAD] =	sst s4  }
0xd: {  	[smem:$0x3FAE] =	sst s5  }
0xe: {  	[smem:$0x3FAF] =	sst s6  }
0xf: {  	[smem:$0x3FB0] =	sst s7  }
0x10: {  	[smem:$0x3FB1] =	sst s8  }
0x11: {  	[smem:$0x3FB2] =	sst s9;
	s0 =	simm.s32 @!p0 $0x0  }
0x12: {  	s1 =	sld [smem:$0x3F98];
	s0 =	simm.s32 @p0 $0x1  }
0x13: {  	[smem:$0x3FB3] =	sst s0;
	s0 =	simm.s32 @!p1 $0x0  }
0x14: {  	s2 =	sld [smem:$0x3F97];
	s0 =	simm.s32 @p1 $0x1  }
0x15: {  	[smem:$0x3FB4] =	sst s0;
	s0 =	simm.s32 @!p2 $0x0  }
0x16: {  	s3 =	sld [smem:$0x3FDB];
	s0 =	simm.s32 @p2 $0x1  }
0x17: {  	s4 =	simm.s32 $0x1BF5;
	[smem:$0x3FB6] =	sst s0  }
0x18: {  	s0 =	sld [smem:$0x3F99];
	_ =	swait.ge [sflag:s4], $0x0  }
0x19: {  	s7 =	sld [smem:$0x3F9A]  }
0x1a: {  	s8 =	sadd.s32 $0xFFFFE003, lr  }
0x1b: {  	s9 =	sadd.s32 $0xFFFFFEF7, lr;
	s5 =	simm.s32 $0xFFFFFFFF;
	p2 =	slt.u32 s8, $0xFFFFF086  }
0x1c: {  	p1 =	slt.u32 s9, $0xF7A;
	s5 =	simm.s32 @!p2 $0x0  }
0x1d: {  	s5 =	simm.s32 @p1 $0x1;
	p0 =	seq.s32 s7, s2  }
0x1e: {  	s7 =	smul.u32 @!p0 $0xF7A, s2;
	p2 =	seq.s32 @!p0 s5, $0x0  }
0x1f: {  	s9 =	smul.u32 $0xF7A, s1;
	s8 =	simm.s32 @!p0 $0x1BF5;
	p2 =	por !p2, p0  }
0x20: {  	[sflag:s8] =	ssyncset.s32 @!p0 $0xFFFFF086;
	s6 =	sadd.s32 @!p0 s3, s7;
	s7 =	simm.s32 @!p0 $0x108  }
0x21: {  	s3 =	sadd.s32 s3, s9;
	s6 =	sadd.s32 @!p0 $0x88, s6;
	s7 =	simm.s32 @p2 $0x1082  }
0x22: {  	[simem:s7], [sflag:s8] =	dma.local @!p0 [hbm:s6], $0xF7A  }
0x23: {  	s9 =	sor.u32 $0xD0000000, s2;
	s6 =	simm.s32 $0x108;
	_ =	swait.ge @!p0 [sflag:s8], $0x0  }
0x24: {  	s3 =	sadd.s32 $0x88, s3;
	s6 =	simm.s32 @!p1 $0x1082;
	[sflag:s4] =	ssyncset.s32 $0xFFFFF086  }
0x25: {  	[simem:s6], [sflag:s4] =	dma.local [hbm:s3], $0xF7A  }
0x26: {  	[smem:$0x3F9A] =	sst s1;
	(tag) =	ssettag s2;
	_ =	strace s9  }
0x27: {  	s1 =	sld [smem:$0x3FAA]  }
0x28: {  	s2 =	sld [smem:$0x3FAB]  }
0x29: {  	s4 =	sld [smem:$0x3FAD]  }
0x2a: {  	p0 =	seq.s32 s5, $0x0;
	s5 =	sld [smem:$0x3FAE]  }
0x2b: {  	s6 =	sld [smem:$0x3FAF]  }
0x2c: {  	s7 =	sld [smem:$0x3FB0]  }
0x2d: {  	s3 =	simm.s32 $0x108;
	s8 =	sld [smem:$0x3FB1]  }
0x2e: {  	s3 =	simm.s32 @!p0 $0x1082;
	s9 =	sld [smem:$0x3FB2]  }
0x2f: {  	lr =	sadd.s32 s0, s3;
	s0 =	sld [smem:$0x3FA9]  }
0x30: {  	s3 =	sld [smem:$0x3FAC]  }
0x31: {  	[smem:$0x3FB5] =	sst s10  }
0x32: {  	s10 =	sld [smem:$0x3FB3];
	_ =	sdelay $0x3  }
0x33: {  	p0 =	seq.s32 s10, $0x1;
	s10 =	sld [smem:$0x3FB5];
	_ =	sdelay $0x3  }
0x34: {  	[smem:$0x3FB5] =	sst s10  }
0x35: {  	s10 =	sld [smem:$0x3FB4];
	_ =	sdelay $0x3  }
0x36: {  	p1 =	seq.s32 s10, $0x1;
	s10 =	sld [smem:$0x3FB5];
	_ =	sdelay $0x3  }
0x37: {  	[smem:$0x3FB5] =	sst s10  }
0x38: {  	s10 =	sld [smem:$0x3FB6]  }
0x39: {  	_ = 	snop;
	(pc) =	sbr.ind lr, $3  }
0x3a: {  	_ = 	snop  }
0x3b: {  	_ = 	snop  }
0x3c: {  	p2 =	seq.s32 s10, $0x1;
	s10 =	sld [smem:$0x3FB5]  }
0x3d: {  	_ =	shalt  }
0x3e: {  	_ =	shalt  }
0x3f: {  	_ =	shalt  }
0x40: {  	_ =	shalt  }
0x41: {  	_ =	shalt  }
0x42: {  	_ =	shalt  }
0x43: {  	_ =	shalt  }
0x44: {  	_ =	shalt  }
0x45: {  	_ =	shalt  }
0x46: {  	_ =	shalt  }
0x47: {  	_ =	shalt  }
0x48: {  	_ =	shalt  }
0x49: {  	_ =	shalt  }
0x4a: {  	_ =	shalt  }
0x4b: {  	_ =	shalt  }
0x4c: {  	_ =	shalt  }
0x4d: {  	_ =	shalt  }
0x4e: {  	_ =	shalt  }
0x4f: {  	_ =	shalt  }
0x50: {  	_ =	shalt  }
0x51: {  	_ =	shalt  }
0x52: {  	_ =	shalt  }
0x53: {  	_ =	shalt  }
0x54: {  	_ =	shalt  }
0x55: {  	_ =	shalt  }
0x56: {  	_ =	shalt  }
0x57: {  	_ =	shalt  }
0x58: {  	_ =	shalt  }
0x59: {  	_ =	shalt  }
0x5a: {  	_ =	shalt  }
0x5b: {  	_ =	shalt  }
0x5c: {  	_ =	shalt  }
0x5d: {  	_ =	shalt  }
0x5e: {  	_ =	shalt  }
0x5f: {  	_ =	shalt  }
0x60: {  	_ =	shalt  }
0x61: {  	_ =	shalt  }
0x62: {  	_ =	shalt  }
0x63: {  	_ =	shalt  }
0x64: {  	_ =	shalt  }
0x65: {  	_ =	shalt  }
0x66: {  	_ =	shalt  }
0x67: {  	_ =	shalt  }
0x68: {  	_ =	shalt  }
0x69: {  	_ =	shalt  }
0x6a: {  	_ =	shalt  }
0x6b: {  	_ =	shalt  }
0x6c: {  	_ =	shalt  }
0x6d: {  	_ =	shalt  }
0x6e: {  	_ =	shalt  }
0x6f: {  	_ =	shalt  }
0x70: {  	_ =	shalt  }
0x71: {  	_ =	shalt  }
0x72: {  	_ =	shalt  }
0x73: {  	_ =	shalt  }
0x74: {  	_ =	shalt  }
0x75: {  	_ =	shalt  }
0x76: {  	_ =	shalt  }
0x77: {  	_ =	shalt  }
0x78: {  	_ =	shalt  }
0x79: {  	_ =	shalt  }
0x7a: {  	_ =	shalt  }
0x7b: {  	_ =	shalt  }
0x7c: {  	_ =	shalt  }
0x7d: {  	_ =	shalt  }
0x7e: {  	_ =	shalt  }
0x7f: {  	_ =	shalt  }
0x80: {  	_ =	shalt  }
0x81: {  	_ =	shalt  }
0x82: {  	_ =	shalt  }
0x83: {  	_ =	shalt  }
0x84: {  	_ =	shalt  }
0x85: {  	_ =	shalt  }
0x86: {  	_ =	shalt  }
0x87: {  	_ =	shalt  }
.Lfunc_end0:
.L_simem_size_0:
called_computation_lowered:
.L_overlay_start_0:
0x88: {  	s2 =	sld [smem:$0x3FD9]  }
0x89: {  	s3 =	sld [smem:$0x3FFE];
	_ =	sdelay $0x1  }
0x8a: {  	s1 =	srdreg.scid  }
0x8b: {  	s0 =	sand.u32 $0x1, s1  }
0x8c: {  	s17 =	sshll.u32 s0, $0xA;
	s2 =	sadd.s32 s3, s2  }
0x8d: {  	s2 =	sadd.s32 s2, s17  }
0x8e: {  	[smem:$0x3FC1] =	sst s2  }
0x8f: {  	_ = 	snop  }
0x90: {  	s2 =	sld [smem:$0x3FC7]  }
0x91: {  	s18 =	sld [smem:$0x3FD0];
	(tm) =	ssettm $0x1  }
0x92: {  	s4 =	sld [smem:$0x3FFB];
	_ =	sdelay $0x3  }
0x93: {  	_ =	strace s4  }
0x94: {  	s4 =	sld [smem:$0x3FFC];
	_ =	sdelay $0x3  }
0x95: {  	_ =	strace s4  }
0x96: {  	s4 =	sld [smem:$0x3FFD];
	_ =	sdelay $0x3  }
0x97: {  	_ =	strace s4  }
0x98: {  	_ =	strace $0x8FFFFFFF  }
0x99: {  	s19 =	sld [smem:$0x3FDB];
	_ =	sdelay $0x1  }
0x9a: {  	s5 =	simm.s32 $_scs_section_size  }
0x9b: {  	s6 =	simm.s32 $_size__tile_overlayer_lowered;
	s7 =	simm.s32 $_tile_overlayer_lowered  }
0x9c: {  	s22 =	simm.s32 $0x1BFF;
	s21 =	sshll.u32 s7, $0x1;
	s4 =	sadd.s32 s5, s19  }
0x9d: {  	s8 =	simm.s32 $0x0;
	s20 =	sshll.u32 s6, $0x1;
	s6 =	sadd.s32 s21, s4  }
0x9e: {  	[timem:s8], [sflag:s22] =	dma.local [hbm:s6], s20  }
0x9f: {  	_ =	swait.ge [sflag:s22], s20  }
0xa0: {  	s5 =	ssub.s32 $0x0, s20;
	[sflag:s22] =	ssyncset.done $0x0  }
0xa1: {  	[sflag:s22] =	ssyncadd.s32 s5;
	_ =	sdelay $0x1  }
0xa2: {  	s23 =	simm.s32 $0x1B8B  }
0xa3: {  	_ =	swait.ge [sflag:s23], $0x1  }
0xa4: {  	[sflag:s23] =	ssyncset.done $0x0  }
0xa5: {  	s25 =	simm.s32 $0x1B8E;
	s24 =	sld [smem:$0x3FFE];
	[sflag:s23] =	ssyncadd.s32 $0xFFFFFFFF  }
0xa6: {  	s26 =	simm.s32 $execute0_lowered;
	[smem:$0x3FD2] =	sst s25  }
0xa7: {  	s6 =	sshll.u32 s26, $0x1;
	_ =	strace $0x80000046;
	[dreg:$0x1] =	wrdreg $0xFFFFFFFF  }
0xa8: {  	s28 =	simm.s32 $_size_execute0_lowered;
	s4 =	sadd.s32 s4, s6;
	[dreg:$0x0] =	wrdreg $0x0  }
0xa9: {  	s6 =	sshll.u32 s28, $0x1;
	[dreg:$0x2] =	wrdreg s4  }
0xaa: {  	[dreg:$0x3] =	wrdreg s6  }
0xab: {  	[dreg:$0x4] =	wrdreg $0xC0  }
0xac: {  	_ =	task [dreg:s8], $0x5FFFF  }
0xad: {  	[dreg:$0x1] =	wrdreg $0xFFFFFFFF  }
0xae: {  	[dreg:$0x0] =	wrdreg $0x60  }
0xaf: {  	[dreg:$0x2] =	wrdreg s24  }
0xb0: {  	[dreg:$0x3] =	wrdreg s2  }
0xb1: {  	[dreg:$0x4] =	wrdreg s18  }
0xb2: {  	[dreg:$0x5] =	wrdreg $0x3800  }
0xb3: {  	[dreg:$0x6] =	wrdreg $0x9  }
0xb4: {  	_ =	task.clear_ibuf [dreg:s8], $0x7FFFF;
	_ =	strace $0x90000046  }
0xb5: {  	s29 =	simm.s32 $0x9;
	_ =	strace $0x80000048  }
0xb6: {  	_ =	swait.ge [sflag:s29], $0x1  }
0xb7: {  	[sflag:s29] =	ssyncadd.s32 $0xFFFFFFFF  }
0xb8: {  	_ =	strace $0x90000048  }
0xb9: {  	_ =	sfence  }
0xba: {  	s30 =	sld [smem:$0x0];
	_ =	sdelay $0x2  }
0xbb: {  	s31 =	sshll.u32 s1, $0xD;
	s1 =	sshrl.u32 s1, $0x2  }
0xbc: {  	s3 =	sand.u32 $0x4000, s31;
	s1 =	sadd.s32 s1, s30  }
0xbd: {  	s0 =	sor.u32 s3, s0;
	s1 =	sshll.u32 s1, $0x11  }
0xbe: {  	s0 =	sor.u32 s1, s0  }
0xbf: {  	s0 =	sadd.s32 $0x8F2B, s0  }
0xc0: {  	[sflag:s0] =	ssyncadd.remote.s32 $0x1  }
0xc1: {  	_ =	sfence.sel $0xFFFF  }
0xc2: {  	[dreg:$0x0] =	wrdreg $0xFFFFFFFF;
	(pc) =	sbr.abs _section_cstart, $3  }
0xc3: {  	[dreg:$0x1] =	wrdreg $0xFFFFFFFF  }
0xc4: {  	_ =	task.clear_ibuf [dreg:s8], $0x2FFFF;
	_ =	strace $0x9FFFFFFF  }
0xc5: {  	(tm) =	ssettm $0x7FFFFFFF  }
tec
execute0_lowered:
.L_overlay_start_1:
0x0: {  	(tag) =	ssettag $0x1  }
0x1: {  	s4 =	rddreg [dreg:$0x0]  }
0x2: {  	s7 =	rddreg [dreg:$0x1]  }
0x3: {  	s1 =	srdreg.scid;
	s5 =	rddreg [dreg:$0x2]  }
0x4: {  	s0 =	stileid.u32;
	s2 =	rddreg [dreg:$0x3]  }
0x5: {  	s3 =	simm.s32 $0x0;
	s12 =	simm.s32 $0x50;
	s8 =	smul.u32 $0x4E20, s0  }
0x6: {  	s6 =	sand.u32 $0x1, s1;
	s1 =	rddreg [dreg:$0x4];
	s10 =	smul.u32 $0x280, s0  }
0x7: {  	s15 =	simm.s32 $0x0;
	[smem:$0x7FF] =	sst s3;
	s9 =	smul.u32 $0x2710, s6  }
0x8: {  	s13 =	sshll.u32 s0, $0x6;
	s30 =	smul.u32 $0x2800, s6;
	s6 =	ssub.s32 $0x2, s6  }
0x9: {  	_ =	strace $0x80000047;
	s13 =	sor.u32 $0x1C01, s13;
	s31 =	sshrl.u32 s6, $0x1  }
0xa: {  	s8 =	sadd.s32 s9, s8;
	s9 =	sadd.s32 s10, s30;
	s6 =	ssub.s32 s6, s31  }
0xb: {  	s8 =	sshrl.u32 s8, $0x3;
	s9 =	sshrl.u32 s9, $0x3;
	s6 =	smax.u32 s6, $0x1  }
0xc: {  	s11 =	sadd.s32 s8, s4;
	s4 =	sadd.s32 s10, s2;
	s5 =	sadd.s32 s5, s9  }
0xd: {  	s7 =	sadd.s32 s8, s7;
	s9 =	simm.s32 $0x100;
	s10 =	simm.s32 $0x1  }
0xe: {  	v0 =	vimm.f32 $0.0e+00;
	s8 =	sadd.s32 $0xB400, s11;
	s11 =	simm.s32 $0x80;
	s14 =	sshrl.u32 s4, $0x3  }
.LBB2_1:
0xf: {  	[tilespmem:$0x100] =	vst v0  }
0x10: {  	[tilespmem:$0x110] =	vst v0  }
0x11: {  	[tilespmem:$0x120] =	vst v0  }
0x12: {  	[tilespmem:$0x130] =	vst v0  }
0x13: {  	[tilespmem:$0x140] =	vst v0  }
0x14: {  	[tilespmem:$0x150] =	vst v0  }
0x15: {  	[tilespmem:$0x160] =	vst v0  }
0x16: {  	[tilespmem:$0x170] =	vst v0  }
0x17: {  	[tilespmem:$0x180] =	vst v0  }
0x18: {  	[tilespmem:$0x190] =	vst v0  }
0x19: {  	[tilespmem:$0x1A0] =	vst v0  }
0x1a: {  	[tilespmem:$0x1B0] =	vst v0  }
0x1b: {  	[tilespmem:$0x1C0] =	vst v0  }
0x1c: {  	[tilespmem:$0x1D0] =	vst v0  }
0x1d: {  	[tilespmem:$0x1E0] =	vst v0  }
0x1e: {  	[tilespmem:$0x1F0] =	vst v0  }
0x1f: {  	[tilespmem:$0x200] =	vst v0  }
0x20: {  	[tilespmem:$0x210] =	vst v0  }
0x21: {  	[tilespmem:$0x220] =	vst v0  }
0x22: {  	[tilespmem:$0x230] =	vst v0  }
0x23: {  	[tilespmem:$0x240] =	vst v0  }
0x24: {  	[tilespmem:$0x250] =	vst v0  }
0x25: {  	[tilespmem:$0x260] =	vst v0  }
0x26: {  	[tilespmem:$0x270] =	vst v0  }
0x27: {  	[tilespmem:$0x280] =	vst v0  }
0x28: {  	[tilespmem:$0x290] =	vst v0  }
0x29: {  	[tilespmem:$0x2A0] =	vst v0  }
0x2a: {  	[tilespmem:$0x2B0] =	vst v0  }
0x2b: {  	[tilespmem:$0x2C0] =	vst v0  }
0x2c: {  	[tilespmem:$0x2D0] =	vst v0  }
0x2d: {  	[tilespmem:$0x2E0] =	vst v0  }
0x2e: {  	[tilespmem:$0x2F0] =	vst v0  }
0x2f: {  	[tilespmem:$0x300] =	vst v0  }
0x30: {  	[tilespmem:$0x310] =	vst v0  }
0x31: {  	[tilespmem:$0x320] =	vst v0  }
0x32: {  	[tilespmem:$0x330] =	vst v0  }
0x33: {  	[tilespmem:$0x340] =	vst v0  }
0x34: {  	[tilespmem:$0x350] =	vst v0  }
0x35: {  	[tilespmem:$0x360] =	vst v0  }
0x36: {  	[tilespmem:$0x370] =	vst v0  }
0x37: {  	[spmem:s4] =	stream.linear.scatter [tilespmem:s9], [sflag:$0x1], $0x280, $0x38;
	[tilespmem:$0x600] =	vst v63  }
0x38: {  	_ =	swait.ge [sflag:s10], $0x280  }
0x39: {  	[sflag:s10] =	ssyncset.done $0x0  }
0x3a: {  	[sflag:s10] =	ssyncadd.s32 $0xFFFFFD80  }
0x3b: {  	s16 =	sadd.s32 $0x0, s8;
	[bflag:$0x0] =	sbarrier.arrive $0xFFFF  }
0x3c: {  	[tilespmem:s3], [sflag:$0x1] =	stream.linear.gather [hbm4b:s16+s3], $0x50, $0x38;
	[tilespmem:$0x600] =	vst v63  }
0x3d: {  	_ =	swait.ge [sflag:s10], $0x50  }
0x3e: {  	[sflag:s10] =	ssyncset.done $0x0  }
0x3f: {  	s31 =	sadd.s32 $0x0, s7;
	[sflag:s10] =	ssyncadd.s32 $0xFFFFFFB0  }
0x40: {  	[tilespmem:s11], [sflag:$0x1] =	stream.linear.gather [hbm4b:s31+s3], $0x50, $0x38;
	[tilespmem:$0x600] =	vst v63  }
0x41: {  	_ =	swait.ge [sflag:s10], $0x50  }
0x42: {  	[sflag:s10] =	ssyncset.done $0x0  }
0x43: {  	[sflag:s10] =	ssyncadd.s32 $0xFFFFFFB0  }
0x44: {  	v1 =	vld [tilespmem:$0xC0]  }
0x45: {  	v2 =	vld [tilespmem:$0xB0]  }
0x46: {  	v3 =	vld [tilespmem:$0xA0]  }
0x47: {  	v4 =	vld [tilespmem:$0x90]  }
0x48: {  	v5 =	vld [tilespmem:$0x80]  }
0x49: {  	v1 =	vadd.f32 $1.000000000e+00, v1  }
0x4a: {  	v2 =	vadd.f32 $1.000000000e+00, v2  }
0x4b: {  	v3 =	vadd.f32 $1.000000000e+00, v3;
	v1 =	vmul.f32 $5.000000000e-01, v1  }
0x4c: {  	v4 =	vadd.f32 $1.000000000e+00, v4;
	v2 =	vmul.f32 $5.000000000e-01, v2  }
0x4d: {  	v3 =	vmul.f32 $5.000000000e-01, v3;
	[tilespmem:$0xC0] =	vst v1;
	v1 =	vadd.f32 $1.000000000e+00, v5  }
0x4e: {  	v4 =	vmul.f32 $5.000000000e-01, v4;
	[tilespmem:$0xB0] =	vst v2  }
0x4f: {  	[tilespmem:$0xA0] =	vst v3;
	v1 =	vmul.f32 $5.000000000e-01, v1  }
0x50: {  	s16 =	simm.s32 $0xA;
	[tilespmem:$0x90] =	vst v4  }
.LBB2_2:
0x51: {  	p0 =	sne.s32 s16, $0x4D8;
	[tilespmem:$0x80] =	vst v1;
	s17 =	smov.u32 s16;
	s16 =	sadd.s32 $0xA, s16  }
0x52: {  	[spmem:s2] =	stream.indirect.scatter.add.f32 [tilespmem:s11], [sflag:$0x1], $0x1, s3, s12, $0xb8;
	[tilespmem:$0x600] =	vst v63  }
0x53: {  	_ =	swait.ge [sflag:s10], $0x50  }
0x54: {  	[sflag:s10] =	ssyncset.done $0x0  }
0x55: {  	s18 =	sadd.s32 s17, s8;
	[sflag:s10] =	ssyncadd.s32 $0xFFFFFFB0  }
0x56: {  	[tilespmem:s3], [sflag:$0x1] =	stream.linear.gather [hbm4b:s18+s3], $0x50, $0x38;
	[tilespmem:$0x600] =	vst v63  }
0x57: {  	_ =	swait.ge [sflag:s10], $0x50  }
0x58: {  	[sflag:s10] =	ssyncset.done $0x0  }
0x59: {  	s17 =	sadd.s32 s17, s7;
	[sflag:s10] =	ssyncadd.s32 $0xFFFFFFB0  }
0x5a: {  	[tilespmem:s11], [sflag:$0x1] =	stream.linear.gather [hbm4b:s17+s3], $0x50, $0x38;
	[tilespmem:$0x600] =	vst v63  }
0x5b: {  	_ =	swait.ge [sflag:s10], $0x50  }
0x5c: {  	[sflag:s10] =	ssyncset.done $0x0  }
0x5d: {  	[sflag:s10] =	ssyncadd.s32 $0xFFFFFFB0  }
0x5e: {  	v1 =	vld [tilespmem:$0xC0]  }
0x5f: {  	v2 =	vld [tilespmem:$0xB0]  }
0x60: {  	v3 =	vld [tilespmem:$0xA0]  }
0x61: {  	v4 =	vld [tilespmem:$0x90]  }
0x62: {  	v5 =	vld [tilespmem:$0x80]  }
0x63: {  	v1 =	vadd.f32 $1.000000000e+00, v1  }
0x64: {  	v2 =	vadd.f32 $1.000000000e+00, v2  }
0x65: {  	v3 =	vadd.f32 $1.000000000e+00, v3;
	v1 =	vmul.f32 $5.000000000e-01, v1  }
.Ltmp0:
0x66: {  	v4 =	vadd.f32 $1.000000000e+00, v4;
	v2 =	vmul.f32 $5.000000000e-01, v2;
	(pc) =	sbr.rel @p0 .LBB2_2-.Ltmp0, $4  }
0x67: {  	v5 =	vadd.f32 $1.000000000e+00, v5;
	v3 =	vmul.f32 $5.000000000e-01, v3;
	[tilespmem:$0xC0] =	vst v1  }
0x68: {  	v4 =	vmul.f32 $5.000000000e-01, v4;
	[tilespmem:$0xB0] =	vst v2  }
0x69: {  	v1 =	vmul.f32 $5.000000000e-01, v5;
	[tilespmem:$0xA0] =	vst v3  }
0x6a: {  	[tilespmem:$0x90] =	vst v4  }
0x6b: {  	[tilespmem:$0x80] =	vst v1  }
0x6c: {  	[spmem:s2] =	stream.indirect.scatter.add.f32 [tilespmem:s11], [sflag:$0x1], $0x1, s3, s12, $0xb8;
	[tilespmem:$0x600] =	vst v63  }
0x6d: {  	_ =	swait.ge [sflag:s10], $0x50  }
0x6e: {  	s15 =	sadd.s32 $0x1, s15;
	[sflag:s10] =	ssyncset.done $0x0  }
0x6f: {  	p0 =	sne.s32 s15, s6;
	[sflag:s10] =	ssyncadd.s32 $0xFFFFFFB0  }
.Ltmp1:
0x70: {  	[bflag:$0x0] =	sbarrier.arrive $0xFFFF;
	(pc) =	sbr.rel @p0 .LBB2_1-.Ltmp1, $4  }
0x71: {  	[hbm:s5], [sflag:s13] =	dma.local [spmem:s14], $0x50  }
0x72: {  	_ =	swait.ge [sflag:s10], $0x50  }
0x73: {  	[sflag:s10] =	ssyncset.done $0x0  }
0x74: {  	[sflag:s10] =	ssyncadd.s32 $0xFFFFFFB0  }
0x75: {  	_ =	sfence.sel $0x180000  }
0x76: {  	[bflag:$0x0] =	sbarrier.arrive $0xFFFF  }
0x77: {  	p0 =	sne.s32 s0, $0x0;
	_ =	strace $0x90000047  }
0x78: {  	s0 =	sadd.s32 @!p0 $0x100000, s1;
	[bflag:$0x2] =	sbarrier.arrive $0xFFFF  }
0x79: {  	[sflag:s0] =	ssyncadd.tile.s32 @!p0 $0x1;
	_ =	shalt  }
.Lfunc_end2:
_tile_overlayer_lowered:
.L_overlay_start_2:
0x7a: {  	(tag) =	ssettag $0x2  }
0x7b: {  	s0 =	rddreg [dreg:$0x0];
	s2 =	stileid.u32  }
0x7c: {  	s1 =	rddreg [dreg:$0x1];
	p0 =	sne.s32 s2, $0x0  }
0x7d: {  	s3 =	rddreg [dreg:$0x2];
	[bflag:$0x3] =	sbarrier.arrive $0xFFFF;
	s2 =	simm.s32 @!p0 $0x1C01  }
0x7e: {  	[timem:s3], [sflag:s2] =	dma.local @!p0 [hbm:s0], s1  }
0x7f: {  	s0 =	simm.s32 @!p0 $0x1  }
0x80: {  	_ =	swait.ge @!p0 [sflag:s0], s1  }
0x81: {  	s1 =	ssub.s32 @!p0 $0x0, s1;
	[sflag:s0] =	ssyncset.done @!p0 $0x0  }
0x82: {  	[sflag:s0] =	ssyncadd.s32 @!p0 s1  }
0x83: {  	[bflag:$0x3] =	sbarrier.arrive $0xFFFF  }
0x84: {  	_ =	shalt  }

// kernel: kernel.9.cloned.1.call-start
scs
__scs_entry_jumppad:
0x0: {  	(pc) =	sbr.rel $0x88, $3  }
0x1: {  	(tag) =	ssettag $0x0;
	lr =	simm.s32 $0x1  }
0x2: {  	[smem:$0x3F9A] =	sst lr;
	_ =	strace $0xD0000000  }
0x3: {  	_ = 	snop  }
0x4: {  	_ = 	snop  }
0x5: {  	_ = 	snop  }
0x6: {  	_ = 	snop  }
0x7: {  	_ = 	snop  }
__scs_overlays_trampoline_lowered:
0x8: {  	[smem:$0x3FA9] =	sst s0  }
0x9: {  	[smem:$0x3FAA] =	sst s1  }
0xa: {  	[smem:$0x3FAB] =	sst s2  }
0xb: {  	[smem:$0x3FAC] =	sst s3  }
0xc: {  	[smem:$0x3FAD] =	sst s4  }
0xd: {  	[smem:$0x3FAE] =	sst s5  }
0xe: {  	[smem:$0x3FAF] =	sst s6  }
0xf: {  	[smem:$0x3FB0] =	sst s7  }
0x10: {  	[smem:$0x3FB1] =	sst s8  }
0x11: {  	[smem:$0x3FB2] =	sst s9;
	s0 =	simm.s32 @!p0 $0x0  }
0x12: {  	s1 =	sld [smem:$0x3F98];
	s0 =	simm.s32 @p0 $0x1  }
0x13: {  	[smem:$0x3FB3] =	sst s0;
	s0 =	simm.s32 @!p1 $0x0  }
0x14: {  	s2 =	sld [smem:$0x3F97];
	s0 =	simm.s32 @p1 $0x1  }
0x15: {  	[smem:$0x3FB4] =	sst s0;
	s0 =	simm.s32 @!p2 $0x0  }
0x16: {  	s3 =	sld [smem:$0x3FDB];
	s0 =	simm.s32 @p2 $0x1  }
0x17: {  	s4 =	simm.s32 $0x1BF5;
	[smem:$0x3FB6] =	sst s0  }
0x18: {  	s0 =	sld [smem:$0x3F99];
	_ =	swait.ge [sflag:s4], $0x0  }
0x19: {  	s7 =	sld [smem:$0x3F9A]  }
0x1a: {  	s8 =	sadd.s32 $0xFFFFE003, lr  }
0x1b: {  	s9 =	sadd.s32 $0xFFFFFEF7, lr;
	s5 =	simm.s32 $0xFFFFFFFF;
	p2 =	slt.u32 s8, $0xFFFFF086  }
0x1c: {  	p1 =	slt.u32 s9, $0xF7A;
	s5 =	simm.s32 @!p2 $0x0  }
0x1d: {  	s5 =	simm.s32 @p1 $0x1;
	p0 =	seq.s32 s7, s2  }
0x1e: {  	s7 =	smul.u32 @!p0 $0xF7A, s2;
	p2 =	seq.s32 @!p0 s5, $0x0  }
0x1f: {  	s9 =	smul.u32 $0xF7A, s1;
	s8 =	simm.s32 @!p0 $0x1BF5;
	p2 =	por !p2, p0  }
0x20: {  	[sflag:s8] =	ssyncset.s32 @!p0 $0xFFFFF086;
	s6 =	sadd.s32 @!p0 s3, s7;
	s7 =	simm.s32 @!p0 $0x108  }
0x21: {  	s3 =	sadd.s32 s3, s9;
	s6 =	sadd.s32 @!p0 $0x88, s6;
	s7 =	simm.s32 @p2 $0x1082  }
0x22: {  	[simem:s7], [sflag:s8] =	dma.local @!p0 [hbm:s6], $0xF7A  }
0x23: {  	s9 =	sor.u32 $0xD0000000, s2;
	s6 =	simm.s32 $0x108;
	_ =	swait.ge @!p0 [sflag:s8], $0x0  }
0x24: {  	s3 =	sadd.s32 $0x88, s3;
	s6 =	simm.s32 @!p1 $0x1082;
	[sflag:s4] =	ssyncset.s32 $0xFFFFF086  }
0x25: {  	[simem:s6], [sflag:s4] =	dma.local [hbm:s3], $0xF7A  }
0x26: {  	[smem:$0x3F9A] =	sst s1;
	(tag) =	ssettag s2;
	_ =	strace s9  }
0x27: {  	s1 =	sld [smem:$0x3FAA]  }
0x28: {  	s2 =	sld [smem:$0x3FAB]  }
0x29: {  	s4 =	sld [smem:$0x3FAD]  }
0x2a: {  	p0 =	seq.s32 s5, $0x0;
	s5 =	sld [smem:$0x3FAE]  }
0x2b: {  	s6 =	sld [smem:$0x3FAF]  }
0x2c: {  	s7 =	sld [smem:$0x3FB0]  }
0x2d: {  	s3 =	simm.s32 $0x108;
	s8 =	sld [smem:$0x3FB1]  }
0x2e: {  	s3 =	simm.s32 @!p0 $0x1082;
	s9 =	sld [smem:$0x3FB2]  }
0x2f: {  	lr =	sadd.s32 s0, s3;
	s0 =	sld [smem:$0x3FA9]  }
0x30: {  	s3 =	sld [smem:$0x3FAC]  }
0x31: {  	[smem:$0x3FB5] =	sst s10  }
0x32: {  	s10 =	sld [smem:$0x3FB3];
	_ =	sdelay $0x3  }
0x33: {  	p0 =	seq.s32 s10, $0x1;
	s10 =	sld [smem:$0x3FB5];
	_ =	sdelay $0x3  }
0x34: {  	[smem:$0x3FB5] =	sst s10  }
0x35: {  	s10 =	sld [smem:$0x3FB4];
	_ =	sdelay $0x3  }
0x36: {  	p1 =	seq.s32 s10, $0x1;
	s10 =	sld [smem:$0x3FB5];
	_ =	sdelay $0x3  }
0x37: {  	[smem:$0x3FB5] =	sst s10  }
0x38: {  	s10 =	sld [smem:$0x3FB6]  }
0x39: {  	_ = 	snop;
	(pc) =	sbr.ind lr, $3  }
0x3a: {  	_ = 	snop  }
0x3b: {  	_ = 	snop  }
0x3c: {  	p2 =	seq.s32 s10, $0x1;
	s10 =	sld [smem:$0x3FB5]  }
0x3d: {  	_ =	shalt  }
0x3e: {  	_ =	shalt  }
0x3f: {  	_ =	shalt  }
0x40: {  	_ =	shalt  }
0x41: {  	_ =	shalt  }
0x42: {  	_ =	shalt  }
0x43: {  	_ =	shalt  }
0x44: {  	_ =	shalt  }
0x45: {  	_ =	shalt  }
0x46: {  	_ =	shalt  }
0x47: {  	_ =	shalt  }
0x48: {  	_ =	shalt  }
0x49: {  	_ =	shalt  }
0x4a: {  	_ =	shalt  }
0x4b: {  	_ =	shalt  }
0x4c: {  	_ =	shalt  }
0x4d: {  	_ =	shalt  }
0x4e: {  	_ =	shalt  }
0x4f: {  	_ =	shalt  }
0x50: {  	_ =	shalt  }
0x51: {  	_ =	shalt  }
0x52: {  	_ =	shalt  }
0x53: {  	_ =	shalt  }
0x54: {  	_ =	shalt  }
0x55: {  	_ =	shalt  }
0x56: {  	_ =	shalt  }
0x57: {  	_ =	shalt  }
0x58: {  	_ =	shalt  }
0x59: {  	_ =	shalt  }
0x5a: {  	_ =	shalt  }
0x5b: {  	_ =	shalt  }
0x5c: {  	_ =	shalt  }
0x5d: {  	_ =	shalt  }
0x5e: {  	_ =	shalt  }
0x5f: {  	_ =	shalt  }
0x60: {  	_ =	shalt  }
0x61: {  	_ =	shalt  }
0x62: {  	_ =	shalt  }
0x63: {  	_ =	shalt  }
0x64: {  	_ =	shalt  }
0x65: {  	_ =	shalt  }
0x66: {  	_ =	shalt  }
0x67: {  	_ =	shalt  }
0x68: {  	_ =	shalt  }
0x69: {  	_ =	shalt  }
0x6a: {  	_ =	shalt  }
0x6b: {  	_ =	shalt  }
0x6c: {  	_ =	shalt  }
0x6d: {  	_ =	shalt  }
0x6e: {  	_ =	shalt  }
0x6f: {  	_ =	shalt  }
0x70: {  	_ =	shalt  }
0x71: {  	_ =	shalt  }
0x72: {  	_ =	shalt  }
0x73: {  	_ =	shalt  }
0x74: {  	_ =	shalt  }
0x75: {  	_ =	shalt  }
0x76: {  	_ =	shalt  }
0x77: {  	_ =	shalt  }
0x78: {  	_ =	shalt  }
0x79: {  	_ =	shalt  }
0x7a: {  	_ =	shalt  }
0x7b: {  	_ =	shalt  }
0x7c: {  	_ =	shalt  }
0x7d: {  	_ =	shalt  }
0x7e: {  	_ =	shalt  }
0x7f: {  	_ =	shalt  }
0x80: {  	_ =	shalt  }
0x81: {  	_ =	shalt  }
0x82: {  	_ =	shalt  }
0x83: {  	_ =	shalt  }
0x84: {  	_ =	shalt  }
0x85: {  	_ =	shalt  }
0x86: {  	_ =	shalt  }
0x87: {  	_ =	shalt  }
.Lfunc_end0:
.L_simem_size_0:
called_computation.1_lowered:
.L_overlay_start_0:
0x88: {  	s2 =	sld [smem:$0x3FD9]  }
0x89: {  	s3 =	sld [smem:$0x3FFE];
	_ =	sdelay $0x1  }
0x8a: {  	s1 =	srdreg.scid  }
0x8b: {  	s0 =	sand.u32 $0x1, s1  }
0x8c: {  	s17 =	sshll.u32 s0, $0xA;
	s2 =	sadd.s32 s3, s2  }
0x8d: {  	s2 =	sadd.s32 s2, s17  }
0x8e: {  	[smem:$0x3FC1] =	sst s2  }
0x8f: {  	_ = 	snop  }
0x90: {  	s2 =	sld [smem:$0x3FC7]  }
0x91: {  	s18 =	sld [smem:$0x3FD0];
	(tm) =	ssettm $0x1  }
0x92: {  	s4 =	sld [smem:$0x3FFB];
	_ =	sdelay $0x3  }
0x93: {  	_ =	strace s4  }
0x94: {  	s4 =	sld [smem:$0x3FFC];
	_ =	sdelay $0x3  }
0x95: {  	_ =	strace s4  }
0x96: {  	s4 =	sld [smem:$0x3FFD];
	_ =	sdelay $0x3  }
0x97: {  	_ =	strace s4  }
0x98: {  	_ =	strace $0x8FFFFFFF  }
0x99: {  	s19 =	sld [smem:$0x3FDB];
	_ =	sdelay $0x1  }
0x9a: {  	s5 =	simm.s32 $_scs_section_size  }
0x9b: {  	s6 =	simm.s32 $_size__tile_overlayer_lowered;
	s7 =	simm.s32 $_tile_overlayer_lowered  }
0x9c: {  	s22 =	simm.s32 $0x1BFF;
	s21 =	sshll.u32 s7, $0x1;
	s4 =	sadd.s32 s5, s19  }
0x9d: {  	s8 =	simm.s32 $0x0;
	s20 =	sshll.u32 s6, $0x1;
	s6 =	sadd.s32 s21, s4  }
0x9e: {  	[timem:s8], [sflag:s22] =	dma.local [hbm:s6], s20  }
0x9f: {  	_ =	swait.ge [sflag:s22], s20  }
0xa0: {  	s5 =	ssub.s32 $0x0, s20;
	[sflag:s22] =	ssyncset.done $0x0  }
0xa1: {  	[sflag:s22] =	ssyncadd.s32 s5;
	_ =	sdelay $0x1  }
0xa2: {  	s23 =	simm.s32 $0x1B8B  }
0xa3: {  	_ =	swait.ge [sflag:s23], $0x1  }
0xa4: {  	[sflag:s23] =	ssyncset.done $0x0  }
0xa5: {  	s25 =	simm.s32 $0x1B8E;
	s24 =	sld [smem:$0x3FFE];
	[sflag:s23] =	ssyncadd.s32 $0xFFFFFFFF  }
0xa6: {  	s26 =	simm.s32 $execute0_lowered;
	[smem:$0x3FD2] =	sst s25  }
0xa7: {  	s6 =	sshll.u32 s26, $0x1;
	_ =	strace $0x80000049;
	[dreg:$0x1] =	wrdreg $0xFFFFFFFF  }
0xa8: {  	s28 =	simm.s32 $_size_execute0_lowered;
	s4 =	sadd.s32 s4, s6;
	[dreg:$0x0] =	wrdreg $0x0  }
0xa9: {  	s6 =	sshll.u32 s28, $0x1;
	[dreg:$0x2] =	wrdreg s4  }
0xaa: {  	[dreg:$0x3] =	wrdreg s6  }
0xab: {  	[dreg:$0x4] =	wrdreg $0xC0  }
0xac: {  	_ =	task [dreg:s8], $0x5FFFF  }
0xad: {  	[dreg:$0x1] =	wrdreg $0xFFFFFFFF  }
0xae: {  	[dreg:$0x0] =	wrdreg $0x60  }
0xaf: {  	[dreg:$0x2] =	wrdreg s18  }
0xb0: {  	[dreg:$0x3] =	wrdreg s24  }
0xb1: {  	[dreg:$0x4] =	wrdreg s2  }
0xb2: {  	[dreg:$0x5] =	wrdreg $0x29800  }
0xb3: {  	[dreg:$0x6] =	wrdreg $0x9  }
0xb4: {  	_ =	task.clear_ibuf [dreg:s8], $0x7FFFF;
	_ =	strace $0x90000049  }
0xb5: {  	s29 =	simm.s32 $0x9;
	_ =	strace $0x8000004B  }
0xb6: {  	_ =	swait.ge [sflag:s29], $0x1  }
0xb7: {  	[sflag:s29] =	ssyncadd.s32 $0xFFFFFFFF  }
0xb8: {  	_ =	strace $0x9000004B  }
0xb9: {  	_ =	sfence  }
0xba: {  	s30 =	sld [smem:$0x0];
	_ =	sdelay $0x2  }
0xbb: {  	s31 =	sshll.u32 s1, $0xD;
	s1 =	sshrl.u32 s1, $0x2  }
0xbc: {  	s3 =	sand.u32 $0x4000, s31;
	s1 =	sadd.s32 s1, s30  }
0xbd: {  	s0 =	sor.u32 s3, s0;
	s1 =	sshll.u32 s1, $0x11  }
0xbe: {  	s0 =	sor.u32 s1, s0  }
0xbf: {  	s0 =	sadd.s32 $0x8F2B, s0  }
0xc0: {  	[sflag:s0] =	ssyncadd.remote.s32 $0x1  }
0xc1: {  	_ =	sfence.sel $0xFFFF  }
0xc2: {  	[dreg:$0x0] =	wrdreg $0xFFFFFFFF;
	(pc) =	sbr.abs _section_cstart, $3  }
0xc3: {  	[dreg:$0x1] =	wrdreg $0xFFFFFFFF  }
0xc4: {  	_ =	task.clear_ibuf [dreg:s8], $0x2FFFF;
	_ =	strace $0x9FFFFFFF  }
0xc5: {  	(tm) =	ssettm $0x7FFFFFFF  }
tec
execute0_lowered:
.L_overlay_start_1:
0x0: {  	(tag) =	ssettag $0x1  }
0x1: {  	s1 =	rddreg [dreg:$0x0]  }
0x2: {  	s8 =	rddreg [dreg:$0x1]  }
0x3: {  	s3 =	rddreg [dreg:$0x2]  }
0x4: {  	s4 =	rddreg [dreg:$0x3]  }
0x5: {  	s0 =	rddreg [dreg:$0x4]  }
0x6: {  	s6 =	srdreg.scid;
	s2 =	stileid.u32;
	s5 =	simm.s32 $0x0  }
0x7: {  	s19 =	simm.s32 $0x180;
	s20 =	simm.s32 $0x2;
	s21 =	simm.s32 $0x80  }
0x8: {  	s22 =	simm.s32 $0x100;
	s23 =	simm.s32 $0x50;
	s24 =	simm.s32 $0x1  }
0x9: {  	s9 =	sand.u32 $0x1, s6;
	s10 =	smul.u32 $0x2800, s2;
	[smem:$0x7FF] =	sst s5  }
0xa: {  	s12 =	smul.u32 $0x50000, s2;
	s6 =	sadd.s32 $0x1600, s8;
	s7 =	sadd.s32 $0xB400, s8  }
0xb: {  	s31 =	sshll.u32 s2, $0x1;
	s11 =	smul.u32 $0x28000, s9;
	_ =	strace $0x8000004A  }
0xc: {  	s28 =	ssub.s32 $0x2, s9;
	s16 =	sor.u32 s9, s31;
	s29 =	sshrl.u32 s12, $0x2  }
0xd: {  	s30 =	sshrl.u32 s28, $0x1;
	s16 =	smul.u32 $0x2710, s16;
	s10 =	sadd.s32 s10, s11  }
0xe: {  	s18 =	ssub.s32 s28, s30;
	s17 =	sadd.s32 s10, s8;
	s8 =	sadd.s32 s29, s4  }
0xf: {  	s18 =	smax.u32 s18, $0x1;
	s9 =	sadd.s32 $0x2800, s8;
	s10 =	sadd.s32 $0x5000, s8  }
0x10: {  	s11 =	sadd.s32 $0x7800, s8;
	s12 =	sadd.s32 $0xA000, s8;
	s13 =	sadd.s32 $0xC800, s8  }
0x11: {  	v0 =	vimm.f32 $0.0e+00;
	s14 =	sadd.s32 $0xF000, s8;
	s15 =	sadd.s32 $0x11800, s8;
	s17 =	sadd.s32 $0x15200, s17  }
.LBB2_1:
0x12: {  	s25 =	simm.s32 $0x0;
	s26 =	simm.s32 $0x200  }
.LBB2_2:
0x13: {  	p0 =	sne.s32 s26, $0x9E00;
	[tilespmem:s25+$0x1F0] =	vst v0  }
0x14: {  	[tilespmem:s25+$0x180] =	vst v0  }
0x15: {  	[tilespmem:s25+$0x190] =	vst v0  }
.Ltmp0:
0x16: {  	[tilespmem:s25+$0x1A0] =	vst v0;
	(pc) =	sbr.rel @p0 .LBB2_2-.Ltmp0, $4  }
0x17: {  	[tilespmem:s25+$0x1B0] =	vst v0  }
0x18: {  	[tilespmem:s25+$0x1C0] =	vst v0  }
0x19: {  	[tilespmem:s25+$0x1D0] =	vst v0  }
0x1a: {  	[tilespmem:s25+$0x1E0] =	vst v0;
	s25 =	sshra.s32 s26, $0x2;
	s26 =	sadd.s32 $0x200, s26  }
0x1b: {  	[tilespmem:s25+$0x1F0] =	vst v0  }
0x1c: {  	[tilespmem:s25+$0x180] =	vst v0  }
0x1d: {  	[tilespmem:s25+$0x190] =	vst v0  }
0x1e: {  	[tilespmem:s25+$0x1A0] =	vst v0  }
0x1f: {  	[tilespmem:s25+$0x1B0] =	vst v0  }
0x20: {  	[tilespmem:s25+$0x1C0] =	vst v0  }
0x21: {  	[tilespmem:s25+$0x1D0] =	vst v0  }
0x22: {  	[tilespmem:s25+$0x1E0] =	vst v0  }
0x23: {  	[spmem:s8] =	stream.linear.scatter [tilespmem:s19], [sflag:$0x2], $0x2800, $0x38;
	[tilespmem:$0x16980] =	vst v63  }
0x24: {  	_ =	swait.ge [sflag:s20], $0x2800  }
0x25: {  	[sflag:s20] =	ssyncset.done $0x0  }
0x26: {  	[sflag:s20] =	ssyncadd.s32 $0xFFFFD800  }
0x27: {  	[spmem:s9] =	stream.linear.scatter [tilespmem:s19], [sflag:$0x2], $0x2800, $0x38;
	[tilespmem:$0x16980] =	vst v63  }
0x28: {  	_ =	swait.ge [sflag:s20], $0x2800  }
0x29: {  	[sflag:s20] =	ssyncset.done $0x0  }
0x2a: {  	[sflag:s20] =	ssyncadd.s32 $0xFFFFD800  }
0x2b: {  	[spmem:s10] =	stream.linear.scatter [tilespmem:s19], [sflag:$0x2], $0x2800, $0x38;
	[tilespmem:$0x16980] =	vst v63  }
0x2c: {  	_ =	swait.ge [sflag:s20], $0x2800  }
0x2d: {  	[sflag:s20] =	ssyncset.done $0x0  }
0x2e: {  	[sflag:s20] =	ssyncadd.s32 $0xFFFFD800  }
0x2f: {  	[spmem:s11] =	stream.linear.scatter [tilespmem:s19], [sflag:$0x2], $0x2800, $0x38;
	[tilespmem:$0x16980] =	vst v63  }
0x30: {  	_ =	swait.ge [sflag:s20], $0x2800  }
0x31: {  	[sflag:s20] =	ssyncset.done $0x0  }
0x32: {  	[sflag:s20] =	ssyncadd.s32 $0xFFFFD800  }
0x33: {  	[spmem:s12] =	stream.linear.scatter [tilespmem:s19], [sflag:$0x2], $0x2800, $0x38;
	[tilespmem:$0x16980] =	vst v63  }
0x34: {  	_ =	swait.ge [sflag:s20], $0x2800  }
0x35: {  	[sflag:s20] =	ssyncset.done $0x0  }
0x36: {  	[sflag:s20] =	ssyncadd.s32 $0xFFFFD800  }
0x37: {  	[spmem:s13] =	stream.linear.scatter [tilespmem:s19], [sflag:$0x2], $0x2800, $0x38;
	[tilespmem:$0x16980] =	vst v63  }
0x38: {  	_ =	swait.ge [sflag:s20], $0x2800  }
0x39: {  	[sflag:s20] =	ssyncset.done $0x0  }
0x3a: {  	[sflag:s20] =	ssyncadd.s32 $0xFFFFD800  }
0x3b: {  	[spmem:s14] =	stream.linear.scatter [tilespmem:s19], [sflag:$0x2], $0x2800, $0x38;
	[tilespmem:$0x16980] =	vst v63  }
0x3c: {  	_ =	swait.ge [sflag:s20], $0x2800  }
0x3d: {  	[sflag:s20] =	ssyncset.done $0x0  }
0x3e: {  	[sflag:s20] =	ssyncadd.s32 $0xFFFFD800  }
0x3f: {  	[spmem:s15] =	stream.linear.scatter [tilespmem:s19], [sflag:$0x2], $0x2800, $0x38;
	[tilespmem:$0x16980] =	vst v63  }
0x40: {  	_ =	swait.ge [sflag:s20], $0x2800  }
0x41: {  	[sflag:s20] =	ssyncset.done $0x0  }
0x42: {  	[sflag:s20] =	ssyncadd.s32 $0xFFFFD800  }
0x43: {  	s25 =	simm.s32 $0x0;
	s26 =	simm.s32 $0x0;
	[bflag:$0x0] =	sbarrier.arrive $0xFFFF  }
.LBB2_4:
0x44: {  	s28 =	smul.u32 $0x50, s26;
	_ =	sdelay $0x1  }
0x45: {  	s28 =	sadd.s32 s16, s28  }
0x46: {  	s28 =	sshrl.u32 s28, $0x3  }
0x47: {  	s29 =	sadd.s32 s6, s28  }
0x48: {  	[tilespmem:s25], [sflag:$0x2] =	stream.linear.gather [hbm4b:s29+s25], $0x50, $0x38;
	[tilespmem:$0x16980] =	vst v63  }
0x49: {  	_ =	swait.ge [sflag:s20], $0x50  }
0x4a: {  	[sflag:s20] =	ssyncset.done $0x0  }
0x4b: {  	s29 =	sadd.s32 s7, s28;
	[sflag:s20] =	ssyncadd.s32 $0xFFFFFFB0  }
0x4c: {  	[tilespmem:s21], [sflag:$0x2] =	stream.linear.gather [hbm4b:s29+s25], $0x50, $0x38;
	[tilespmem:$0x16980] =	vst v63  }
0x4d: {  	_ =	swait.ge [sflag:s20], $0x50  }
0x4e: {  	[sflag:s20] =	ssyncset.done $0x0  }
0x4f: {  	s28 =	sadd.s32 s3, s28;
	[sflag:s20] =	ssyncadd.s32 $0xFFFFFFB0  }
0x50: {  	[tilespmem:s22], [sflag:$0x2] =	stream.linear.gather [hbm4b:s28+s25], $0x50, $0x38;
	[tilespmem:$0x16980] =	vst v63  }
0x51: {  	_ =	swait.ge [sflag:s20], $0x50  }
0x52: {  	[sflag:s20] =	ssyncset.done $0x0  }
0x53: {  	[sflag:s20] =	ssyncadd.s32 $0xFFFFFFB0  }
0x54: {  	[tilespmem:s19], [sflag:$0x1] =	stream.indirect.gather [hbm4b:s1+s23], $0x80, s25, s23, $0xb8;
	[tilespmem:$0x16980] =	vst v63  }
0x55: {  	_ =	swait.ge [sflag:s24], $0x2800  }
0x56: {  	s28 =	simm.s32 $0x0;
	[sflag:s24] =	ssyncset.done $0x0  }
0x57: {  	s29 =	simm.s32 $0x0;
	s28 =	sand.u32 $0x3FFFFFF0, s28;
	[sflag:s24] =	ssyncadd.s32 $0xFFFFD800  }
0x58: {  	v3 =	vld [tilespmem:s28+$0x100];
	s28 =	sand.u32 $0x3FFFF800, s29  }
0x59: {  	v7 =	vld [tilespmem:s28+$0x180]  }
0x5a: {  	v8 =	vld [tilespmem:s28+$0x190]  }
0x5b: {  	v9 =	vld [tilespmem:s28+$0x1A0]  }
0x5c: {  	v1 =	vld [tilespmem:s28+$0x1B0]  }
0x5d: {  	v2 =	vld [tilespmem:s28+$0x1C0];
	v3 =	vadd.f32 $1.000000000e+00, v3  }
0x5e: {  	v5 =	vld [tilespmem:s28+$0x1E0]  }
0x5f: {  	v6 =	vld [tilespmem:s28+$0x1F0];
	v4 =	vmul.f32 $5.000000000e-01, v3  }
0x60: {  	v11 =	vld [tilespmem:s28+$0x200]  }
0x61: {  	v12 =	vld [tilespmem:s28+$0x210];
	v3 =	vbroadcast v4, $0x0  }
0x62: {  	v13 =	vld [tilespmem:s28+$0x220]  }
0x63: {  	v14 =	vld [tilespmem:s28+$0x230];
	v16 =	vbroadcast v4, $0x1;
	v5 =	vmul.f32 v5, v3  }
0x64: {  	v15 =	vld [tilespmem:s28+$0x240];
	v6 =	vmul.f32 v6, v3  }
0x65: {  	v60 =	vld [tilespmem:s28+$0x270];
	v11 =	vmul.f32 v11, v16;
	[tilespmem:s28+$0x1E0] =	vst v5  }
0x66: {  	v61 =	vld [tilespmem:s28+$0x280];
	v12 =	vmul.f32 v12, v16;
	[tilespmem:s28+$0x1F0] =	vst v6  }
0x67: {  	v62 =	vld [tilespmem:s28+$0x290];
	v13 =	vmul.f32 v13, v16;
	[tilespmem:s28+$0x200] =	vst v11  }
0x68: {  	v63 =	vld [tilespmem:s28+$0x2A0];
	v14 =	vmul.f32 v14, v16;
	[tilespmem:s28+$0x210] =	vst v12  }
0x69: {  	v17 =	vld [tilespmem:s28+$0x2C0];
	v18 =	vbroadcast v4, $0x2;
	v15 =	vmul.f32 v15, v16;
	[tilespmem:s28+$0x220] =	vst v13  }
0x6a: {  	v23 =	vld [tilespmem:s28+$0x2D0];
	v22 =	vmul.f32 v60, v16;
	[tilespmem:s28+$0x230] =	vst v14  }
0x6b: {  	v10 =	vld [tilespmem:s28+$0x1D0];
	v24 =	vmul.f32 v61, v18;
	[tilespmem:s28+$0x240] =	vst v15  }
0x6c: {  	v58 =	vld [tilespmem:s28+$0x250];
	v26 =	vmul.f32 v62, v18;
	[tilespmem:s28+$0x270] =	vst v22  }
0x6d: {  	v59 =	vld [tilespmem:s28+$0x260];
	v28 =	vmul.f32 v63, v18;
	[tilespmem:s28+$0x280] =	vst v24  }
0x6e: {  	v21 =	vld [tilespmem:s28+$0x2B0];
	v30 =	vmul.f32 v17, v18;
	[tilespmem:s28+$0x290] =	vst v26  }
0x6f: {  	v40 =	vld [tilespmem:s28+$0x3B0];
	v32 =	vmul.f32 v23, v18;
	[tilespmem:s28+$0x2A0] =	vst v28  }
0x70: {  	v43 =	vld [tilespmem:s28+$0x3D0];
	v7 =	vmul.f32 v3, v7;
	[tilespmem:s28+$0x2C0] =	vst v30  }
0x71: {  	v44 =	vld [tilespmem:s28+$0x3E0];
	v9 =	vmul.f32 v9, v3;
	[tilespmem:s28+$0x2D0] =	vst v32  }
0x72: {  	v45 =	vld [tilespmem:s28+$0x3F0];
	v42 =	vbroadcast v4, $0x4;
	v8 =	vmul.f32 v3, v8;
	[tilespmem:s28+$0x180] =	vst v7  }
0x73: {  	v25 =	vld [tilespmem:s28+$0x2E0];
	v10 =	vmul.f32 v10, v3;
	[tilespmem:s28+$0x1A0] =	vst v9  }
0x74: {  	v27 =	vld [tilespmem:s28+$0x2F0];
	v47 =	vmul.f32 v40, v42;
	[tilespmem:s28+$0x190] =	vst v8  }
0x75: {  	v29 =	vld [tilespmem:s28+$0x300];
	v50 =	vmul.f32 v43, v42;
	[tilespmem:s28+$0x1D0] =	vst v10  }
0x76: {  	v31 =	vld [tilespmem:s28+$0x320];
	v52 =	vmul.f32 v44, v42;
	[tilespmem:s28+$0x3B0] =	vst v47  }
0x77: {  	v33 =	vld [tilespmem:s28+$0x340];
	v17 =	vmul.f32 v45, v42;
	[tilespmem:s28+$0x3D0] =	vst v50  }
0x78: {  	v37 =	vld [tilespmem:s28+$0x380];
	v5 =	vmul.f32 v58, v16;
	[tilespmem:s28+$0x3E0] =	vst v52  }
0x79: {  	v38 =	vld [tilespmem:s28+$0x390];
	v6 =	vmul.f32 v59, v16;
	[tilespmem:s28+$0x3F0] =	vst v17  }
0x7a: {  	v39 =	vld [tilespmem:s28+$0x3A0];
	v15 =	vmul.f32 v21, v18;
	[tilespmem:s28+$0x250] =	vst v5  }
0x7b: {  	v34 =	vld [tilespmem:s28+$0x350];
	v12 =	vmul.f32 v25, v18;
	[tilespmem:s28+$0x260] =	vst v6  }
0x7c: {  	v35 =	vld [tilespmem:s28+$0x360];
	v11 =	vmul.f32 v27, v18;
	[tilespmem:s28+$0x2B0] =	vst v15  }
0x7d: {  	v36 =	vld [tilespmem:s28+$0x370];
	v9 =	vmul.f32 v37, v42;
	[tilespmem:s28+$0x2E0] =	vst v12  }
0x7e: {  	v41 =	vld [tilespmem:s28+$0x3C0];
	v7 =	vbroadcast v4, $0x3;
	v8 =	vmul.f32 v38, v42;
	[tilespmem:s28+$0x2F0] =	vst v11  }
0x7f: {  	v46 =	vld [tilespmem:s28+$0x400];
	v10 =	vmul.f32 v39, v42;
	[tilespmem:s28+$0x380] =	vst v9  }
0x80: {  	v48 =	vld [tilespmem:s28+$0x410];
	v15 =	vmul.f32 v31, v7;
	[tilespmem:s28+$0x390] =	vst v8  }
0x81: {  	v49 =	vld [tilespmem:s28+$0x420];
	v12 =	vmul.f32 v34, v7;
	[tilespmem:s28+$0x3A0] =	vst v10  }
0x82: {  	v51 =	vld [tilespmem:s28+$0x430];
	v11 =	vmul.f32 v35, v7;
	[tilespmem:s28+$0x320] =	vst v15  }
0x83: {  	v53 =	vld [tilespmem:s28+$0x440];
	v16 =	vmul.f32 v36, v7;
	[tilespmem:s28+$0x350] =	vst v12  }
0x84: {  	v55 =	vld [tilespmem:s28+$0x460];
	v14 =	vmul.f32 v29, v7;
	[tilespmem:s28+$0x360] =	vst v11  }
0x85: {  	v56 =	vld [tilespmem:s28+$0x470];
	v8 =	vbroadcast v4, $0x5;
	v13 =	vmul.f32 v33, v7;
	[tilespmem:s28+$0x370] =	vst v16  }
0x86: {  	v57 =	vld [tilespmem:s28+$0x480];
	v12 =	vmul.f32 v41, v42;
	[tilespmem:s28+$0x300] =	vst v14  }
0x87: {  	v61 =	vld [tilespmem:s28+$0x4A0];
	v54 =	vmul.f32 v46, v8;
	[tilespmem:s28+$0x340] =	vst v13  }
0x88: {  	v25 =	vld [tilespmem:s28+$0x520];
	v10 =	vmul.f32 v48, v8;
	[tilespmem:s28+$0x3C0] =	vst v12  }
0x89: {  	v62 =	vld [tilespmem:s28+$0x4C0];
	v15 =	vmul.f32 v49, v8;
	[tilespmem:s28+$0x400] =	vst v54  }
0x8a: {  	v63 =	vld [tilespmem:s28+$0x4D0];
	v58 =	vmul.f32 v51, v8;
	[tilespmem:s28+$0x410] =	vst v10  }
0x8b: {  	v19 =	vbroadcast v4, $0x7;
	v59 =	vld [tilespmem:s28+$0x490];
	v60 =	vmul.f32 v53, v8;
	[tilespmem:s28+$0x420] =	vst v15  }
0x8c: {  	v32 =	vld [tilespmem:s28+$0x590];
	v17 =	vmul.f32 v55, v8;
	[tilespmem:s28+$0x430] =	vst v58  }
0x8d: {  	v5 =	vld [tilespmem:s28+$0x310];
	v13 =	vmul.f32 v25, v19;
	[tilespmem:s28+$0x440] =	vst v60  }
0x8e: {  	v2 =	vmul.f32 v2, v3;
	v6 =	vld [tilespmem:s28+$0x330];
	v11 =	vbroadcast v4, $0x6;
	[tilespmem:s28+$0x460] =	vst v17  }
0x8f: {  	v9 =	vld [tilespmem:s28+$0x450];
	v12 =	vmul.f32 v56, v8;
	[tilespmem:s28+$0x520] =	vst v13  }
0x90: {  	v10 =	vld [tilespmem:s28+$0x4B0];
	v18 =	vmul.f32 v57, v11;
	[tilespmem:s28+$0x1C0] =	vst v2  }
0x91: {  	v15 =	vmul.f32 v59, v11;
	[tilespmem:s28+$0x470] =	vst v12  }
0x92: {  	v16 =	vmul.f32 v61, v11;
	[tilespmem:s28+$0x480] =	vst v18  }
0x93: {  	v21 =	vld [tilespmem:s28+$0x4E0];
	v36 =	vbroadcast v4, $0x8;
	v14 =	vmul.f32 v62, v11;
	[tilespmem:s28+$0x490] =	vst v15  }
0x94: {  	v22 =	vld [tilespmem:s28+$0x4F0];
	v17 =	vmul.f32 v63, v11;
	[tilespmem:s28+$0x4A0] =	vst v16  }
0x95: {  	v23 =	vld [tilespmem:s28+$0x500];
	v13 =	vmul.f32 v32, v36;
	[tilespmem:s28+$0x4C0] =	vst v14  }
0x96: {  	v24 =	vld [tilespmem:s28+$0x510];
	v6 =	vmul.f32 v6, v7;
	[tilespmem:s28+$0x4D0] =	vst v17  }
0x97: {  	v26 =	vld [tilespmem:s28+$0x530];
	v5 =	vmul.f32 v5, v7;
	[tilespmem:s28+$0x590] =	vst v13  }
0x98: {  	v27 =	vld [tilespmem:s28+$0x540];
	v12 =	vmul.f32 v21, v11;
	[tilespmem:s28+$0x330] =	vst v6  }
0x99: {  	v40 =	vld [tilespmem:s28+$0x600];
	v18 =	vmul.f32 v22, v11;
	[tilespmem:s28+$0x310] =	vst v5  }
0x9a: {  	v28 =	vld [tilespmem:s28+$0x550];
	v15 =	vmul.f32 v23, v19;
	[tilespmem:s28+$0x4E0] =	vst v12  }
0x9b: {  	v29 =	vld [tilespmem:s28+$0x560];
	v16 =	vmul.f32 v24, v19;
	[tilespmem:s28+$0x4F0] =	vst v18  }
0x9c: {  	v45 =	vbroadcast v4, $0x9;
	v30 =	vld [tilespmem:s28+$0x570];
	v14 =	vmul.f32 v26, v19;
	[tilespmem:s28+$0x500] =	vst v15  }
0x9d: {  	v31 =	vld [tilespmem:s28+$0x580];
	v17 =	vmul.f32 v27, v19;
	[tilespmem:s28+$0x510] =	vst v16  }
0x9e: {  	v33 =	vld [tilespmem:s28+$0x5A0];
	v13 =	vmul.f32 v40, v45;
	[tilespmem:s28+$0x530] =	vst v14  }
0x9f: {  	v34 =	vld [tilespmem:s28+$0x5B0];
	v12 =	vmul.f32 v28, v19;
	[tilespmem:s28+$0x540] =	vst v17  }
0xa0: {  	v48 =	vld [tilespmem:s28+$0x670];
	v18 =	vmul.f32 v29, v19;
	[tilespmem:s28+$0x600] =	vst v13  }
0xa1: {  	v35 =	vld [tilespmem:s28+$0x5C0];
	v15 =	vmul.f32 v30, v19;
	[tilespmem:s28+$0x550] =	vst v12  }
0xa2: {  	v37 =	vld [tilespmem:s28+$0x5D0];
	v16 =	vmul.f32 v31, v36;
	[tilespmem:s28+$0x560] =	vst v18  }
0xa3: {  	v38 =	vld [tilespmem:s28+$0x5E0];
	v14 =	vmul.f32 v33, v36;
	[tilespmem:s28+$0x570] =	vst v15  }
0xa4: {  	v39 =	vld [tilespmem:s28+$0x5F0];
	v17 =	vmul.f32 v34, v36;
	[tilespmem:s28+$0x580] =	vst v16  }
0xa5: {  	v41 =	vld [tilespmem:s28+$0x610];
	v13 =	vmul.f32 v48, v45;
	[tilespmem:s28+$0x5A0] =	vst v14  }
0xa6: {  	v42 =	vld [tilespmem:s28+$0x620];
	v12 =	vmul.f32 v35, v36;
	[tilespmem:s28+$0x5B0] =	vst v17  }
0xa7: {  	v56 =	vld [tilespmem:s28+$0x6E0];
	v18 =	vmul.f32 v37, v36;
	[tilespmem:s28+$0x670] =	vst v13  }
0xa8: {  	v43 =	vld [tilespmem:s28+$0x630];
	v15 =	vmul.f32 v38, v36;
	[tilespmem:s28+$0x5C0] =	vst v12  }
0xa9: {  	v44 =	vld [tilespmem:s28+$0x640];
	v16 =	vmul.f32 v39, v36;
	[tilespmem:s28+$0x5D0] =	vst v18  }
0xaa: {  	v46 =	vld [tilespmem:s28+$0x650];
	v54 =	vbroadcast v4, $0xA;
	v14 =	vmul.f32 v41, v45;
	[tilespmem:s28+$0x5E0] =	vst v15  }
0xab: {  	v47 =	vld [tilespmem:s28+$0x660];
	v17 =	vmul.f32 v42, v45;
	[tilespmem:s28+$0x5F0] =	vst v16  }
0xac: {  	v49 =	vld [tilespmem:s28+$0x680];
	v13 =	vmul.f32 v56, v54;
	[tilespmem:s28+$0x610] =	vst v14  }
0xad: {  	v50 =	vld [tilespmem:s28+$0x690];
	v12 =	vmul.f32 v43, v45;
	[tilespmem:s28+$0x620] =	vst v17  }
0xae: {  	v21 =	vld [tilespmem:s28+$0x750];
	v18 =	vmul.f32 v44, v45;
	[tilespmem:s28+$0x6E0] =	vst v13  }
0xaf: {  	v51 =	vld [tilespmem:s28+$0x6A0];
	v15 =	vmul.f32 v46, v45;
	[tilespmem:s28+$0x630] =	vst v12  }
0xb0: {  	v52 =	vld [tilespmem:s28+$0x6B0];
	v16 =	vmul.f32 v47, v45;
	[tilespmem:s28+$0x640] =	vst v18  }
0xb1: {  	v53 =	vld [tilespmem:s28+$0x6C0];
	v63 =	vbroadcast v4, $0xB;
	v14 =	vmul.f32 v49, v54;
	[tilespmem:s28+$0x650] =	vst v15  }
0xb2: {  	v55 =	vld [tilespmem:s28+$0x6D0];
	v17 =	vmul.f32 v50, v54;
	[tilespmem:s28+$0x660] =	vst v16  }
0xb3: {  	v57 =	vld [tilespmem:s28+$0x6F0];
	v13 =	vmul.f32 v21, v63;
	[tilespmem:s28+$0x680] =	vst v14  }
0xb4: {  	v58 =	vld [tilespmem:s28+$0x700];
	v12 =	vmul.f32 v51, v54;
	[tilespmem:s28+$0x690] =	vst v17  }
0xb5: {  	v28 =	vld [tilespmem:s28+$0x7C0];
	v18 =	vmul.f32 v52, v54;
	[tilespmem:s28+$0x750] =	vst v13  }
0xb6: {  	v59 =	vld [tilespmem:s28+$0x710];
	v15 =	vmul.f32 v53, v54;
	[tilespmem:s28+$0x6A0] =	vst v12  }
0xb7: {  	v60 =	vld [tilespmem:s28+$0x720];
	v16 =	vmul.f32 v55, v54;
	[tilespmem:s28+$0x6B0] =	vst v18  }
0xb8: {  	v61 =	vld [tilespmem:s28+$0x730];
	v29 =	vbroadcast v4, $0xC;
	v14 =	vmul.f32 v57, v54;
	[tilespmem:s28+$0x6C0] =	vst v15  }
0xb9: {  	v62 =	vld [tilespmem:s28+$0x740];
	v17 =	vmul.f32 v58, v63;
	[tilespmem:s28+$0x6D0] =	vst v16  }
0xba: {  	v22 =	vld [tilespmem:s28+$0x760];
	v13 =	vmul.f32 v28, v29;
	[tilespmem:s28+$0x6F0] =	vst v14  }
0xbb: {  	v23 =	vld [tilespmem:s28+$0x770];
	v12 =	vmul.f32 v59, v63;
	[tilespmem:s28+$0x700] =	vst v17  }
0xbc: {  	v56 =	vld [tilespmem:s28+$0x950];
	v18 =	vmul.f32 v60, v63;
	[tilespmem:s28+$0x7C0] =	vst v13  }
0xbd: {  	v38 =	vbroadcast v4, $0xD;
	v15 =	vmul.f32 v61, v63;
	[tilespmem:s28+$0x710] =	vst v12  }
0xbe: {  	v47 =	vbroadcast v4, $0xE;
	v16 =	vmul.f32 v62, v63;
	[tilespmem:s28+$0x720] =	vst v18  }
0xbf: {  	v36 =	vld [tilespmem:s28+$0x830];
	v4 =	vbroadcast v4, $0xF;
	v14 =	vmul.f32 v22, v63;
	[tilespmem:s28+$0x730] =	vst v15  }
0xc0: {  	v24 =	vld [tilespmem:s28+$0x780];
	v17 =	vmul.f32 v23, v63;
	[tilespmem:s28+$0x740] =	vst v16  }
0xc1: {  	v25 =	vld [tilespmem:s28+$0x790];
	v60 =	vmul.f32 v56, v4;
	[tilespmem:s28+$0x760] =	vst v14  }
0xc2: {  	v26 =	vld [tilespmem:s28+$0x7A0];
	v62 =	vmul.f32 v10, v11;
	[tilespmem:s28+$0x770] =	vst v17  }
0xc3: {  	v27 =	vld [tilespmem:s28+$0x7B0];
	v63 =	vmul.f32 v9, v8;
	[tilespmem:s28+$0x950] =	vst v60  }
0xc4: {  	v30 =	vld [tilespmem:s28+$0x7D0];
	v13 =	vmul.f32 v36, v38;
	[tilespmem:s28+$0x4B0] =	vst v62  }
0xc5: {  	v31 =	vld [tilespmem:s28+$0x7E0];
	v12 =	vmul.f32 v24, v29;
	[tilespmem:s28+$0x450] =	vst v63  }
0xc6: {  	v44 =	vld [tilespmem:s28+$0x8A0];
	v18 =	vmul.f32 v25, v29;
	[tilespmem:s28+$0x830] =	vst v13  }
0xc7: {  	v54 =	vld [tilespmem:s28+$0x930];
	v15 =	vmul.f32 v26, v29;
	[tilespmem:s28+$0x780] =	vst v12  }
0xc8: {  	v57 =	vld [tilespmem:s28+$0x960];
	v16 =	vmul.f32 v27, v29;
	[tilespmem:s28+$0x790] =	vst v18  }
0xc9: {  	v32 =	vld [tilespmem:s28+$0x7F0];
	v14 =	vmul.f32 v30, v29;
	[tilespmem:s28+$0x7A0] =	vst v15  }
0xca: {  	v33 =	vld [tilespmem:s28+$0x800];
	v17 =	vmul.f32 v31, v29;
	[tilespmem:s28+$0x7B0] =	vst v16  }
0xcb: {  	v34 =	vld [tilespmem:s28+$0x810];
	v13 =	vmul.f32 v44, v47;
	[tilespmem:s28+$0x7D0] =	vst v14  }
0xcc: {  	v35 =	vld [tilespmem:s28+$0x820];
	v59 =	vmul.f32 v54, v4;
	[tilespmem:s28+$0x7E0] =	vst v17  }
0xcd: {  	v37 =	vld [tilespmem:s28+$0x840];
	v61 =	vmul.f32 v57, v4;
	[tilespmem:s28+$0x8A0] =	vst v13  }
0xce: {  	v39 =	vld [tilespmem:s28+$0x850];
	v12 =	vmul.f32 v32, v29;
	[tilespmem:s28+$0x930] =	vst v59  }
0xcf: {  	v52 =	vld [tilespmem:s28+$0x910];
	v18 =	vmul.f32 v33, v38;
	[tilespmem:s28+$0x960] =	vst v61  }
0xd0: {  	v40 =	vld [tilespmem:s28+$0x860];
	v15 =	vmul.f32 v34, v38;
	[tilespmem:s28+$0x7F0] =	vst v12  }
0xd1: {  	v41 =	vld [tilespmem:s28+$0x870];
	v16 =	vmul.f32 v35, v38;
	[tilespmem:s28+$0x800] =	vst v18  }
0xd2: {  	v42 =	vld [tilespmem:s28+$0x880];
	v14 =	vmul.f32 v37, v38;
	[tilespmem:s28+$0x810] =	vst v15  }
0xd3: {  	v43 =	vld [tilespmem:s28+$0x890];
	v17 =	vmul.f32 v39, v38;
	[tilespmem:s28+$0x820] =	vst v16  }
0xd4: {  	v45 =	vld [tilespmem:s28+$0x8B0];
	v13 =	vmul.f32 v52, v4;
	[tilespmem:s28+$0x840] =	vst v14  }
0xd5: {  	v46 =	vld [tilespmem:s28+$0x8C0];
	v12 =	vmul.f32 v40, v38;
	[tilespmem:s28+$0x850] =	vst v17  }
0xd6: {  	v48 =	vld [tilespmem:s28+$0x8D0];
	v18 =	vmul.f32 v41, v38;
	[tilespmem:s28+$0x910] =	vst v13  }
0xd7: {  	v49 =	vld [tilespmem:s28+$0x8E0];
	v15 =	vmul.f32 v42, v47;
	[tilespmem:s28+$0x860] =	vst v12  }
0xd8: {  	v50 =	vld [tilespmem:s28+$0x8F0];
	v16 =	vmul.f32 v43, v47;
	[tilespmem:s28+$0x870] =	vst v18  }
0xd9: {  	v51 =	vld [tilespmem:s28+$0x900];
	v14 =	vmul.f32 v45, v47;
	[tilespmem:s28+$0x880] =	vst v15  }
0xda: {  	v53 =	vld [tilespmem:s28+$0x920];
	v17 =	vmul.f32 v46, v47;
	[tilespmem:s28+$0x890] =	vst v16  }
0xdb: {  	v55 =	vld [tilespmem:s28+$0x940];
	[tilespmem:s28+$0x8B0] =	vst v14;
	v12 =	vmul.f32 v48, v47  }
0xdc: {  	v58 =	vld [tilespmem:s28+$0x970];
	[tilespmem:s28+$0x8C0] =	vst v17;
	v18 =	vmul.f32 v49, v47  }
0xdd: {  	v15 =	vmul.f32 v50, v47;
	[tilespmem:s28+$0x8D0] =	vst v12  }
0xde: {  	v16 =	vmul.f32 v51, v4;
	[tilespmem:s28+$0x8E0] =	vst v18  }
0xdf: {  	v14 =	vmul.f32 v53, v4;
	[tilespmem:s28+$0x8F0] =	vst v15  }
0xe0: {  	[tilespmem:s28+$0x900] =	vst v16;
	v12 =	vmul.f32 v55, v4  }
0xe1: {  	[tilespmem:s28+$0x920] =	vst v14;
	v4 =	vmul.f32 v58, v4  }
0xe2: {  	[tilespmem:s28+$0x940] =	vst v12  }
0xe3: {  	s29 =	simm.s32 $0x1;
	v1 =	vmul.f32 v1, v3;
	[tilespmem:s28+$0x970] =	vst v4  }
.LBB2_5:
0xe4: {  	s30 =	sshll.u32 s29, $0x4  }
0xe5: {  	p0 =	sne.s32 s29, $0x4;
	[tilespmem:s28+$0x1B0] =	vst v1;
	s28 =	smov.u32 s29;
	s29 =	sadd.s32 $0x1, s29  }
0xe6: {  	s30 =	sand.u32 $0x3FFFFFF0, s30;
	s28 =	sshll.u32 s28, $0xB  }
0xe7: {  	v1 =	vld [tilespmem:s30+$0x100];
	s28 =	sand.u32 $0x3FFFF800, s28  }
0xe8: {  	v2 =	vld [tilespmem:s28+$0x180]  }
0xe9: {  	v4 =	vld [tilespmem:s28+$0x190]  }
0xea: {  	v5 =	vld [tilespmem:s28+$0x1A0]  }
0xeb: {  	v6 =	vld [tilespmem:s28+$0x1B0]  }
0xec: {  	v1 =	vadd.f32 $1.000000000e+00, v1;
	v7 =	vld [tilespmem:s28+$0x1C0]  }
0xed: {  	v8 =	vld [tilespmem:s28+$0x1D0]  }
0xee: {  	v3 =	vmul.f32 $5.000000000e-01, v1;
	v1 =	vld [tilespmem:s28+$0x1E0]  }
0xef: {  	v9 =	vld [tilespmem:s28+$0x1F0]  }
0xf0: {  	v10 =	vld [tilespmem:s28+$0x200]  }
0xf1: {  	v11 =	vbroadcast v3, $0x0;
	v12 =	vld [tilespmem:s28+$0x210]  }
0xf2: {  	v13 =	vld [tilespmem:s28+$0x220]  }
0xf3: {  	v14 =	vbroadcast v3, $0x1;
	v1 =	vmul.f32 v1, v11;
	v15 =	vld [tilespmem:s28+$0x230]  }
0xf4: {  	v16 =	vmul.f32 v11, v2;
	v2 =	vmul.f32 v9, v11;
	v9 =	vld [tilespmem:s28+$0x240]  }
0xf5: {  	v4 =	vmul.f32 v11, v4;
	[tilespmem:s28+$0x1E0] =	vst v1;
	v10 =	vmul.f32 v10, v14;
	v17 =	vld [tilespmem:s28+$0x250]  }
0xf6: {  	v5 =	vmul.f32 v5, v11;
	[tilespmem:s28+$0x1F0] =	vst v2;
	v12 =	vmul.f32 v12, v14;
	v18 =	vld [tilespmem:s28+$0x260]  }
0xf7: {  	v1 =	vmul.f32 v6, v11;
	[tilespmem:s28+$0x200] =	vst v10;
	v6 =	vmul.f32 v13, v14;
	v10 =	vld [tilespmem:s28+$0x270]  }
0xf8: {  	v2 =	vmul.f32 v7, v11;
	[tilespmem:s28+$0x210] =	vst v12;
	v7 =	vmul.f32 v15, v14;
	v12 =	vld [tilespmem:s28+$0x280]  }
0xf9: {  	v8 =	vmul.f32 v8, v11;
	[tilespmem:s28+$0x220] =	vst v6;
	v6 =	vmul.f32 v9, v14;
	v9 =	vld [tilespmem:s28+$0x290]  }
0xfa: {  	[tilespmem:s28+$0x230] =	vst v7;
	v7 =	vmul.f32 v17, v14;
	v11 =	vld [tilespmem:s28+$0x2A0]  }
0xfb: {  	v13 =	vbroadcast v3, $0x2;
	[tilespmem:s28+$0x240] =	vst v6;
	v6 =	vmul.f32 v18, v14;
	v15 =	vld [tilespmem:s28+$0x2B0]  }
0xfc: {  	[tilespmem:s28+$0x250] =	vst v7;
	v7 =	vmul.f32 v10, v14;
	v10 =	vld [tilespmem:s28+$0x2C0]  }
0xfd: {  	[tilespmem:s28+$0x260] =	vst v6;
	v6 =	vmul.f32 v12, v13;
	v12 =	vld [tilespmem:s28+$0x2D0]  }
0xfe: {  	[tilespmem:s28+$0x270] =	vst v7;
	v7 =	vmul.f32 v9, v13;
	v9 =	vld [tilespmem:s28+$0x2E0]  }
0xff: {  	[tilespmem:s28+$0x280] =	vst v6;
	v6 =	vmul.f32 v11, v13;
	v11 =	vld [tilespmem:s28+$0x2F0]  }
0x100: {  	[tilespmem:s28+$0x290] =	vst v7;
	v7 =	vmul.f32 v15, v13;
	v14 =	vld [tilespmem:s28+$0x300]  }
0x101: {  	[tilespmem:s28+$0x2A0] =	vst v6;
	v6 =	vmul.f32 v10, v13;
	v10 =	vld [tilespmem:s28+$0x310]  }
0x102: {  	[tilespmem:s28+$0x2B0] =	vst v7;
	v7 =	vmul.f32 v12, v13;
	v12 =	vld [tilespmem:s28+$0x320]  }
0x103: {  	[tilespmem:s28+$0x2C0] =	vst v6;
	v6 =	vmul.f32 v9, v13;
	v9 =	vld [tilespmem:s28+$0x330]  }
0x104: {  	[tilespmem:s28+$0x2D0] =	vst v7;
	v7 =	vmul.f32 v11, v13;
	v11 =	vld [tilespmem:s28+$0x340]  }
0x105: {  	[tilespmem:s28+$0x2E0] =	vst v6;
	v6 =	vld [tilespmem:s28+$0x350]  }
0x106: {  	[tilespmem:s28+$0x2F0] =	vst v7;
	v7 =	vld [tilespmem:s28+$0x360]  }
0x107: {  	v13 =	vbroadcast v3, $0x3;
	[tilespmem:s28+$0x180] =	vst v16;
	v15 =	vld [tilespmem:s28+$0x370]  }
0x108: {  	[tilespmem:s28+$0x1A0] =	vst v5;
	v16 =	vld [tilespmem:s28+$0x380]  }
0x109: {  	[tilespmem:s28+$0x190] =	vst v4;
	v4 =	vmul.f32 v12, v13;
	v11 =	vmul.f32 v11, v13;
	v12 =	vld [tilespmem:s28+$0x390]  }
0x10a: {  	[tilespmem:s28+$0x1D0] =	vst v8;
	v8 =	vmul.f32 v14, v13;
	v5 =	vmul.f32 v6, v13;
	v6 =	vld [tilespmem:s28+$0x3A0]  }
0x10b: {  	v14 =	vbroadcast v3, $0x4;
	[tilespmem:s28+$0x320] =	vst v4;
	v7 =	vmul.f32 v7, v13;
	v17 =	vld [tilespmem:s28+$0x3B0]  }
0x10c: {  	v4 =	vmul.f32 v10, v13;
	[tilespmem:s28+$0x350] =	vst v5;
	v10 =	vmul.f32 v15, v13;
	v15 =	vld [tilespmem:s28+$0x3C0]  }
0x10d: {  	v5 =	vmul.f32 v9, v13;
	[tilespmem:s28+$0x360] =	vst v7;
	v7 =	vmul.f32 v16, v14;
	v9 =	vld [tilespmem:s28+$0x3D0]  }
0x10e: {  	[tilespmem:s28+$0x370] =	vst v10;
	v10 =	vmul.f32 v12, v14;
	v12 =	vld [tilespmem:s28+$0x3E0]  }
0x10f: {  	[tilespmem:s28+$0x380] =	vst v7;
	v6 =	vmul.f32 v6, v14;
	v7 =	vld [tilespmem:s28+$0x3F0]  }
0x110: {  	[tilespmem:s28+$0x390] =	vst v10;
	v10 =	vmul.f32 v17, v14;
	v13 =	vld [tilespmem:s28+$0x400]  }
0x111: {  	[tilespmem:s28+$0x3A0] =	vst v6;
	v6 =	vmul.f32 v15, v14;
	v15 =	vld [tilespmem:s28+$0x410]  }
0x112: {  	[tilespmem:s28+$0x3B0] =	vst v10;
	v9 =	vmul.f32 v9, v14;
	v10 =	vld [tilespmem:s28+$0x420]  }
0x113: {  	[tilespmem:s28+$0x3C0] =	vst v6;
	v6 =	vmul.f32 v12, v14;
	v12 =	vbroadcast v3, $0x5;
	v16 =	vld [tilespmem:s28+$0x430]  }
0x114: {  	[tilespmem:s28+$0x3D0] =	vst v9;
	v7 =	vmul.f32 v7, v14;
	v9 =	vld [tilespmem:s28+$0x440]  }
0x115: {  	[tilespmem:s28+$0x3E0] =	vst v6;
	v6 =	vmul.f32 v13, v12;
	v13 =	vld [tilespmem:s28+$0x450]  }
0x116: {  	[tilespmem:s28+$0x3F0] =	vst v7;
	v7 =	vmul.f32 v15, v12;
	v14 =	vld [tilespmem:s28+$0x460]  }
0x117: {  	[tilespmem:s28+$0x400] =	vst v6;
	v6 =	vmul.f32 v10, v12;
	v10 =	vld [tilespmem:s28+$0x470]  }
0x118: {  	[tilespmem:s28+$0x410] =	vst v7;
	v7 =	vmul.f32 v16, v12;
	v15 =	vld [tilespmem:s28+$0x480]  }
0x119: {  	[tilespmem:s28+$0x420] =	vst v6;
	v9 =	vmul.f32 v9, v12;
	v16 =	vld [tilespmem:s28+$0x490]  }
0x11a: {  	[tilespmem:s28+$0x430] =	vst v7;
	v6 =	vmul.f32 v13, v12;
	v7 =	vld [tilespmem:s28+$0x4A0]  }
0x11b: {  	v13 =	vbroadcast v3, $0x6;
	[tilespmem:s28+$0x440] =	vst v9;
	v9 =	vmul.f32 v14, v12;
	v14 =	vld [tilespmem:s28+$0x4B0]  }
0x11c: {  	[tilespmem:s28+$0x300] =	vst v8;
	v8 =	vmul.f32 v10, v12;
	v10 =	vld [tilespmem:s28+$0x4C0]  }
0x11d: {  	[tilespmem:s28+$0x460] =	vst v9;
	v9 =	vmul.f32 v15, v13;
	v12 =	vld [tilespmem:s28+$0x4D0]  }
0x11e: {  	[tilespmem:s28+$0x470] =	vst v8;
	v8 =	vmul.f32 v16, v13;
	v15 =	vld [tilespmem:s28+$0x4E0]  }
0x11f: {  	[tilespmem:s28+$0x480] =	vst v9;
	v9 =	vmul.f32 v7, v13;
	v16 =	vld [tilespmem:s28+$0x4F0]  }
0x120: {  	[tilespmem:s28+$0x490] =	vst v8;
	v7 =	vmul.f32 v14, v13;
	v8 =	vld [tilespmem:s28+$0x500]  }
0x121: {  	[tilespmem:s28+$0x4A0] =	vst v9;
	v9 =	vmul.f32 v10, v13;
	v10 =	vld [tilespmem:s28+$0x510]  }
0x122: {  	[tilespmem:s28+$0x340] =	vst v11;
	v11 =	vmul.f32 v12, v13;
	v12 =	vld [tilespmem:s28+$0x520]  }
0x123: {  	v14 =	vbroadcast v3, $0x7;
	[tilespmem:s28+$0x4C0] =	vst v9;
	v9 =	vmul.f32 v15, v13;
	v15 =	vld [tilespmem:s28+$0x530]  }
0x124: {  	[tilespmem:s28+$0x4D0] =	vst v11;
	v11 =	vmul.f32 v16, v13;
	v13 =	vld [tilespmem:s28+$0x540]  }
0x125: {  	[tilespmem:s28+$0x4E0] =	vst v9;
	v8 =	vmul.f32 v8, v14;
	v9 =	vld [tilespmem:s28+$0x550]  }
0x126: {  	[tilespmem:s28+$0x4F0] =	vst v11;
	v10 =	vmul.f32 v10, v14;
	v11 =	vld [tilespmem:s28+$0x560]  }
0x127: {  	[tilespmem:s28+$0x500] =	vst v8;
	v8 =	vmul.f32 v12, v14;
	v12 =	vld [tilespmem:s28+$0x570]  }
0x128: {  	[tilespmem:s28+$0x510] =	vst v10;
	v10 =	vmul.f32 v15, v14;
	v15 =	vld [tilespmem:s28+$0x580]  }
0x129: {  	[tilespmem:s28+$0x520] =	vst v8;
	v8 =	vmul.f32 v13, v14;
	v13 =	vld [tilespmem:s28+$0x590]  }
0x12a: {  	[tilespmem:s28+$0x530] =	vst v10;
	v9 =	vmul.f32 v9, v14;
	v10 =	vld [tilespmem:s28+$0x5A0]  }
0x12b: {  	[tilespmem:s28+$0x540] =	vst v8;
	v8 =	vmul.f32 v11, v14;
	v11 =	vbroadcast v3, $0x8;
	v16 =	vld [tilespmem:s28+$0x5B0]  }
0x12c: {  	[tilespmem:s28+$0x550] =	vst v9;
	v9 =	vmul.f32 v12, v14;
	v12 =	vld [tilespmem:s28+$0x5C0]  }
0x12d: {  	[tilespmem:s28+$0x560] =	vst v8;
	v8 =	vmul.f32 v15, v11;
	v14 =	vld [tilespmem:s28+$0x5D0]  }
0x12e: {  	[tilespmem:s28+$0x570] =	vst v9;
	v9 =	vmul.f32 v13, v11;
	v13 =	vld [tilespmem:s28+$0x5E0]  }
0x12f: {  	[tilespmem:s28+$0x580] =	vst v8;
	v8 =	vmul.f32 v10, v11;
	v10 =	vld [tilespmem:s28+$0x5F0]  }
0x130: {  	[tilespmem:s28+$0x590] =	vst v9;
	v9 =	vmul.f32 v16, v11;
	v15 =	vld [tilespmem:s28+$0x600]  }
0x131: {  	[tilespmem:s28+$0x5A0] =	vst v8;
	v8 =	vmul.f32 v12, v11;
	v12 =	vld [tilespmem:s28+$0x610]  }
0x132: {  	[tilespmem:s28+$0x5B0] =	vst v9;
	v9 =	vmul.f32 v14, v11;
	v14 =	vld [tilespmem:s28+$0x620]  }
0x133: {  	[tilespmem:s28+$0x5C0] =	vst v8;
	v8 =	vmul.f32 v13, v11;
	v13 =	vbroadcast v3, $0x9;
	v16 =	vld [tilespmem:s28+$0x630]  }
0x134: {  	[tilespmem:s28+$0x5D0] =	vst v9;
	v9 =	vmul.f32 v10, v11;
	v10 =	vld [tilespmem:s28+$0x640]  }
0x135: {  	[tilespmem:s28+$0x5E0] =	vst v8;
	v8 =	vmul.f32 v15, v13;
	v11 =	vld [tilespmem:s28+$0x650]  }
0x136: {  	[tilespmem:s28+$0x5F0] =	vst v9;
	v9 =	vmul.f32 v12, v13;
	v12 =	vld [tilespmem:s28+$0x660]  }
0x137: {  	[tilespmem:s28+$0x600] =	vst v8;
	v8 =	vmul.f32 v14, v13;
	v14 =	vld [tilespmem:s28+$0x670]  }
0x138: {  	[tilespmem:s28+$0x610] =	vst v9;
	v9 =	vmul.f32 v16, v13;
	v15 =	vld [tilespmem:s28+$0x680]  }
0x139: {  	[tilespmem:s28+$0x620] =	vst v8;
	v8 =	vmul.f32 v10, v13;
	v10 =	vld [tilespmem:s28+$0x690]  }
0x13a: {  	[tilespmem:s28+$0x630] =	vst v9;
	v9 =	vmul.f32 v11, v13;
	v11 =	vld [tilespmem:s28+$0x6A0]  }
0x13b: {  	[tilespmem:s28+$0x640] =	vst v8;
	v8 =	vmul.f32 v12, v13;
	v12 =	vbroadcast v3, $0xA;
	v16 =	vld [tilespmem:s28+$0x6B0]  }
0x13c: {  	[tilespmem:s28+$0x650] =	vst v9;
	v9 =	vmul.f32 v14, v13;
	v13 =	vld [tilespmem:s28+$0x6C0]  }
0x13d: {  	[tilespmem:s28+$0x660] =	vst v8;
	v8 =	vmul.f32 v15, v12;
	v14 =	vld [tilespmem:s28+$0x6D0]  }
0x13e: {  	[tilespmem:s28+$0x670] =	vst v9;
	v9 =	vmul.f32 v10, v12;
	v10 =	vld [tilespmem:s28+$0x6E0]  }
0x13f: {  	[tilespmem:s28+$0x680] =	vst v8;
	v8 =	vmul.f32 v11, v12;
	v11 =	vld [tilespmem:s28+$0x6F0]  }
0x140: {  	[tilespmem:s28+$0x690] =	vst v9;
	v9 =	vmul.f32 v16, v12;
	v15 =	vld [tilespmem:s28+$0x700]  }
0x141: {  	[tilespmem:s28+$0x6A0] =	vst v8;
	v8 =	vmul.f32 v13, v12;
	v13 =	vld [tilespmem:s28+$0x710]  }
0x142: {  	[tilespmem:s28+$0x6B0] =	vst v9;
	v9 =	vmul.f32 v14, v12;
	v14 =	vld [tilespmem:s28+$0x720]  }
0x143: {  	[tilespmem:s28+$0x6C0] =	vst v8;
	v8 =	vmul.f32 v10, v12;
	v10 =	vbroadcast v3, $0xB;
	v16 =	vld [tilespmem:s28+$0x730]  }
0x144: {  	[tilespmem:s28+$0x6D0] =	vst v9;
	v9 =	vmul.f32 v11, v12;
	v11 =	vld [tilespmem:s28+$0x740]  }
0x145: {  	[tilespmem:s28+$0x6E0] =	vst v8;
	v8 =	vmul.f32 v15, v10;
	v12 =	vld [tilespmem:s28+$0x750]  }
0x146: {  	[tilespmem:s28+$0x6F0] =	vst v9;
	v9 =	vmul.f32 v13, v10;
	v13 =	vld [tilespmem:s28+$0x760]  }
0x147: {  	[tilespmem:s28+$0x700] =	vst v8;
	v8 =	vmul.f32 v14, v10;
	v14 =	vld [tilespmem:s28+$0x770]  }
0x148: {  	[tilespmem:s28+$0x710] =	vst v9;
	v9 =	vmul.f32 v16, v10;
	v15 =	vld [tilespmem:s28+$0x780]  }
0x149: {  	[tilespmem:s28+$0x720] =	vst v8;
	v8 =	vmul.f32 v11, v10;
	v11 =	vld [tilespmem:s28+$0x790]  }
0x14a: {  	[tilespmem:s28+$0x730] =	vst v9;
	v9 =	vmul.f32 v12, v10;
	v12 =	vld [tilespmem:s28+$0x7A0]  }
0x14b: {  	[tilespmem:s28+$0x740] =	vst v8;
	v8 =	vmul.f32 v13, v10;
	v13 =	vbroadcast v3, $0xC;
	v16 =	vld [tilespmem:s28+$0x7B0]  }
0x14c: {  	[tilespmem:s28+$0x750] =	vst v9;
	v9 =	vmul.f32 v14, v10;
	v10 =	vld [tilespmem:s28+$0x7C0]  }
0x14d: {  	[tilespmem:s28+$0x760] =	vst v8;
	v8 =	vmul.f32 v15, v13;
	v14 =	vld [tilespmem:s28+$0x7D0]  }
0x14e: {  	[tilespmem:s28+$0x770] =	vst v9;
	v9 =	vmul.f32 v11, v13;
	v11 =	vld [tilespmem:s28+$0x7E0]  }
0x14f: {  	[tilespmem:s28+$0x780] =	vst v8;
	v8 =	vmul.f32 v12, v13;
	v12 =	vld [tilespmem:s28+$0x7F0]  }
0x150: {  	[tilespmem:s28+$0x790] =	vst v9;
	v9 =	vmul.f32 v16, v13;
	v15 =	vld [tilespmem:s28+$0x800]  }
0x151: {  	[tilespmem:s28+$0x7A0] =	vst v8;
	v8 =	vmul.f32 v10, v13;
	v10 =	vld [tilespmem:s28+$0x810]  }
0x152: {  	[tilespmem:s28+$0x7B0] =	vst v9;
	v9 =	vmul.f32 v14, v13;
	v14 =	vld [tilespmem:s28+$0x820]  }
0x153: {  	[tilespmem:s28+$0x7C0] =	vst v8;
	v8 =	vmul.f32 v11, v13;
	v11 =	vbroadcast v3, $0xD;
	v16 =	vld [tilespmem:s28+$0x830]  }
0x154: {  	[tilespmem:s28+$0x7D0] =	vst v9;
	v9 =	vmul.f32 v12, v13;
	v12 =	vld [tilespmem:s28+$0x840]  }
0x155: {  	[tilespmem:s28+$0x7E0] =	vst v8;
	v8 =	vmul.f32 v15, v11;
	v13 =	vld [tilespmem:s28+$0x850]  }
0x156: {  	[tilespmem:s28+$0x7F0] =	vst v9;
	v9 =	vmul.f32 v10, v11;
	v10 =	vld [tilespmem:s28+$0x860]  }
0x157: {  	[tilespmem:s28+$0x800] =	vst v8;
	v8 =	vmul.f32 v14, v11;
	v14 =	vld [tilespmem:s28+$0x870]  }
0x158: {  	[tilespmem:s28+$0x810] =	vst v9;
	v9 =	vmul.f32 v16, v11;
	v15 =	vld [tilespmem:s28+$0x880]  }
0x159: {  	[tilespmem:s28+$0x820] =	vst v8;
	v8 =	vmul.f32 v12, v11;
	v12 =	vld [tilespmem:s28+$0x890]  }
0x15a: {  	[tilespmem:s28+$0x830] =	vst v9;
	v9 =	vmul.f32 v13, v11;
	v13 =	vld [tilespmem:s28+$0x8A0]  }
0x15b: {  	[tilespmem:s28+$0x840] =	vst v8;
	v8 =	vmul.f32 v10, v11;
	v10 =	vbroadcast v3, $0xE;
	v16 =	vld [tilespmem:s28+$0x8B0]  }
0x15c: {  	[tilespmem:s28+$0x850] =	vst v9;
	v9 =	vmul.f32 v14, v11;
	v11 =	vld [tilespmem:s28+$0x8C0]  }
0x15d: {  	[tilespmem:s28+$0x860] =	vst v8;
	v8 =	vmul.f32 v15, v10;
	v14 =	vld [tilespmem:s28+$0x8D0]  }
0x15e: {  	[tilespmem:s28+$0x870] =	vst v9;
	v9 =	vmul.f32 v12, v10;
	v12 =	vld [tilespmem:s28+$0x8E0]  }
0x15f: {  	[tilespmem:s28+$0x880] =	vst v8;
	v8 =	vmul.f32 v13, v10;
	v13 =	vld [tilespmem:s28+$0x8F0]  }
0x160: {  	[tilespmem:s28+$0x890] =	vst v9;
	v9 =	vmul.f32 v16, v10;
	v15 =	vld [tilespmem:s28+$0x900]  }
0x161: {  	[tilespmem:s28+$0x8A0] =	vst v8;
	v8 =	vmul.f32 v11, v10;
	v11 =	vld [tilespmem:s28+$0x910]  }
0x162: {  	[tilespmem:s28+$0x8B0] =	vst v9;
	v9 =	vmul.f32 v14, v10;
	v14 =	vld [tilespmem:s28+$0x920]  }
0x163: {  	v3 =	vbroadcast v3, $0xF;
	[tilespmem:s28+$0x8C0] =	vst v8;
	v8 =	vmul.f32 v12, v10;
	v12 =	vld [tilespmem:s28+$0x930]  }
0x164: {  	[tilespmem:s28+$0x8D0] =	vst v9;
	v9 =	vmul.f32 v13, v10;
	v10 =	vld [tilespmem:s28+$0x940]  }
0x165: {  	[tilespmem:s28+$0x8E0] =	vst v8;
	v8 =	vmul.f32 v15, v3;
	v13 =	vld [tilespmem:s28+$0x950]  }
0x166: {  	[tilespmem:s28+$0x8F0] =	vst v9;
	v9 =	vmul.f32 v11, v3;
	v11 =	vld [tilespmem:s28+$0x960]  }
0x167: {  	[tilespmem:s28+$0x900] =	vst v8;
	v8 =	vmul.f32 v14, v3;
	v14 =	vld [tilespmem:s28+$0x970]  }
0x168: {  	[tilespmem:s28+$0x910] =	vst v9;
	v9 =	vmul.f32 v12, v3  }
0x169: {  	[tilespmem:s28+$0x920] =	vst v8;
	v8 =	vmul.f32 v10, v3  }
0x16a: {  	[tilespmem:s28+$0x930] =	vst v9;
	v9 =	vmul.f32 v13, v3  }
0x16b: {  	[tilespmem:s28+$0x940] =	vst v8;
	v8 =	vmul.f32 v11, v3  }
0x16c: {  	[tilespmem:s28+$0x950] =	vst v9;
	v3 =	vmul.f32 v14, v3  }
0x16d: {  	[tilespmem:s28+$0x960] =	vst v8  }
0x16e: {  	[tilespmem:s28+$0x970] =	vst v3  }
.Ltmp1:
0x16f: {  	[tilespmem:s28+$0x330] =	vst v5;
	(pc) =	sbr.rel @p0 .LBB2_5-.Ltmp1, $4  }
0x170: {  	[tilespmem:s28+$0x310] =	vst v4  }
0x171: {  	[tilespmem:s28+$0x4B0] =	vst v7  }
0x172: {  	[tilespmem:s28+$0x450] =	vst v6  }
0x173: {  	[tilespmem:s28+$0x1C0] =	vst v2  }
0x174: {  	s26 =	sadd.s32 $0x1, s26  }
0x175: {  	p0 =	sne.s32 s26, $0x7D  }
.Ltmp2:
0x176: {  	[tilespmem:s28+$0x1B0] =	vst v1;
	(pc) =	sbr.rel @p0 .LBB2_4-.Ltmp2, $4  }
0x177: {  	[spmem:s4] =	stream.indirect.scatter.add.f32 [tilespmem:s19], [sflag:$0x2], $0x80, s21, s23, $0xb8;
	[tilespmem:$0x16980] =	vst v63  }
0x178: {  	_ =	swait.ge [sflag:s20], $0x2800  }
0x179: {  	[sflag:s20] =	ssyncset.done $0x0  }
0x17a: {  	[sflag:s20] =	ssyncadd.s32 $0xFFFFD800  }
0x17b: {  	s5 =	sadd.s32 $0x1, s5  }
0x17c: {  	s25 =	sshll.u32 s2, $0x6;
	[bflag:$0x0] =	sbarrier.arrive $0xFFFF;
	p0 =	sne.s32 s5, s18  }
.Ltmp3:
0x17d: {  	s26 =	sshrl.u32 s8, $0x3;
	s25 =	sor.u32 $0x1C02, s25;
	(pc) =	sbr.rel @p0 .LBB2_1-.Ltmp3, $4  }
0x17e: {  	[hbm:s17], [sflag:s25] =	dma.local [spmem:s26], $0x2800  }
0x17f: {  	_ =	swait.ge [sflag:s20], $0x2800  }
0x180: {  	[sflag:s20] =	ssyncset.done $0x0  }
0x181: {  	[sflag:s20] =	ssyncadd.s32 $0xFFFFD800  }
0x182: {  	_ =	sfence.sel $0x180000  }
0x183: {  	[bflag:$0x0] =	sbarrier.arrive $0xFFFF  }
0x184: {  	p0 =	sne.s32 s2, $0x0;
	_ =	strace $0x9000004A  }
0x185: {  	s0 =	sadd.s32 @!p0 $0x100000, s0;
	[bflag:$0x2] =	sbarrier.arrive $0xFFFF  }
0x186: {  	[sflag:s0] =	ssyncadd.tile.s32 @!p0 $0x1;
	_ =	shalt  }
.Lfunc_end2:
_tile_overlayer_lowered:
.L_overlay_start_2:
0x187: {  	(tag) =	ssettag $0x2  }
0x188: {  	s0 =	rddreg [dreg:$0x0];
	s2 =	stileid.u32  }
0x189: {  	s1 =	rddreg [dreg:$0x1];
	p0 =	sne.s32 s2, $0x0  }
0x18a: {  	s3 =	rddreg [dreg:$0x2];
	[bflag:$0x3] =	sbarrier.arrive $0xFFFF;
	s2 =	simm.s32 @!p0 $0x1C02  }
0x18b: {  	[timem:s3], [sflag:s2] =	dma.local @!p0 [hbm:s0], s1  }
0x18c: {  	s0 =	simm.s32 @!p0 $0x2  }
0x18d: {  	_ =	swait.ge @!p0 [sflag:s0], s1  }
0x18e: {  	s1 =	ssub.s32 @!p0 $0x0, s1;
	[sflag:s0] =	ssyncset.done @!p0 $0x0  }
0x18f: {  	[sflag:s0] =	ssyncadd.s32 @!p0 s1  }
0x190: {  	[bflag:$0x3] =	sbarrier.arrive $0xFFFF  }
0x191: {  	_ =	shalt  }

</sc_bundles>
